<compile_context>
chip_gen: v7x
topology: tpu7x:2x2x1
jax: 0.10.2.dev20260603
libtpu: 0.0.44.dev20260713+nightly
codegen_flags: <defaults>
</compile_context>

<pallas_src>
import functools

import jax
import jax.numpy as jnp
import numpy as np
from jax import lax
from jax.experimental import pallas as pl
from jax.experimental.pallas import tpu as pltpu
from jax.experimental.pallas import tpu_sc as plsc

ALPHA = 0.5
MASK_TOKEN = 2
LANES = 16
NSUB = 16


def _fill_tc_body(emb_ref, w_ref, out_ref):
    h = emb_ref[MASK_TOKEN:MASK_TOKEN + 1, :]
    logits = jnp.dot(h, w_ref[...], preferred_element_type=jnp.float32)
    v = logits.shape[1]
    m = jnp.max(logits, axis=1, keepdims=True)
    iota = lax.broadcasted_iota(jnp.int32, logits.shape, 1)
    idx = jnp.min(jnp.where(logits == m, iota, v), axis=1)
    out_ref[...] = jnp.broadcast_to(idx[:, None], out_ref.shape).astype(jnp.int32)


def _fill_token(emb, w):
    d = emb.shape[1]
    return pl.pallas_call(
        _fill_tc_body,
        grid=(1,),
        in_specs=[
            pl.BlockSpec((8, d), lambda i: (0, 0)),
            pl.BlockSpec((d, w.shape[1]), lambda i: (0, 0)),
        ],
        out_specs=pl.BlockSpec((1, 128), lambda i: (0, 0)),
        out_shape=jax.ShapeDtypeStruct((1, 128), jnp.int32),
    )(emb, w)


_MASKVAL_CACHE = {}


def _maskval(shape):
    def build():
        u = jax.random.uniform(jax.random.key(42), shape, dtype=jnp.float32)
        return jnp.where(u < ALPHA, MASK_TOKEN, -1).astype(jnp.int32)

    if shape not in _MASKVAL_CACHE:
        try:
            with jax.default_device(jax.devices("cpu")[0]):
                _MASKVAL_CACHE[shape] = np.asarray(build())
        except Exception:
            return build()
    return jnp.asarray(_MASKVAL_CACHE[shape])


def _make_sc_unmask(b, l):
    cols = l // NSUB
    mesh = plsc.VectorSubcoreMesh(core_axis_name="c", subcore_axis_name="s",
                                  num_cores=1)

    @functools.partial(
        pl.kernel,
        mesh=mesh,
        out_type=jax.ShapeDtypeStruct((b, l), jnp.int32),
        scratch_types=[
            pltpu.VMEM((b, cols), jnp.int32),
            pltpu.VMEM((b, cols), jnp.int32),
            pltpu.VMEM((1, 128), jnp.int32),
            pltpu.SemaphoreType.DMA,
        ],
    )
    def sc_unmask(x_hbm, mv_hbm, fill_hbm, out_hbm, xv, mv, fv, sem):
        sid = lax.axis_index("s")
        base = sid * cols
        cx = pltpu.async_copy(x_hbm.at[:, pl.ds(base, cols)], xv, sem)
        cm = pltpu.async_copy(mv_hbm.at[:, pl.ds(base, cols)], mv, sem)
        cf = pltpu.async_copy(fill_hbm, fv, sem)
        cx.wait()
        cm.wait()
        cf.wait()
        fill = fv[0, pl.ds(0, LANES)]
        for r in range(b):
            for i in range(cols // LANES):
                sl = pl.ds(i * LANES, LANES)
                x = xv[r, sl]
                xv[r, sl] = jnp.where(x == mv[r, sl], fill, x)
        pltpu.sync_copy(xv, out_hbm.at[:, pl.ds(base, cols)])

    return sc_unmask


def kernel(X, emb, W):
    b, l = X.shape

    maskval = _maskval(X.shape)
    fill_row = _fill_token(emb, W)

    return _make_sc_unmask(b, l)(X, maskval, fill_row)

# --- scband reference (transcript-rebuilt; emitter-appended) ---
"""Pipeline reference for scband-unmasker-65455301591554 (READ-ONLY COPY).

The authoritative reference and input builder live on the scoring server;
editing this copy changes nothing except your own understanding.
"""

import jax, jax.numpy as jnp
import numpy as np

ALPHA = 0.5
B, L, V, D = 4, 8192, 1000, 128


def setup_inputs(seed: int = 0) -> dict:
    key = jax.random.key(seed)
    k1, k2, k3 = jax.random.split(key, 3)
    # token ids; token id 2 is the [MASK] token
    X = jax.random.randint(k1, (B, L), 0, V, dtype=jnp.int32)
    # inner model parameters: embedding table + output projection
    emb = jax.random.normal(k2, (V, D), dtype=jnp.float32) * 0.02
    W = jax.random.normal(k3, (D, V), dtype=jnp.float32) * 0.02
    return {"X": X, "emb": emb, "W": W}


def reference(X, emb, W):
    # inner model: embedding gather -> linear -> logits in channels-first layout [B, V, L]
    h = jnp.take(emb, X, axis=0)                 # [B, L, D] gather
    logits = jnp.einsum('bld,dv->blv', h, W)     # [B, L, V]
    logits = jnp.transpose(logits, (0, 2, 1))    # [B, V, L]
    y_pred = jnp.argmax(logits, axis=1)          # [B, L]  (torch: .argmax(1))
    # mask = torch.rand_like(X.float()) < alpha  (deterministic key for reproducibility)
    mask = jax.random.uniform(jax.random.key(42), X.shape, dtype=jnp.float32) < ALPHA
    cond = (X == 2) & mask
    # X_unmasked = X.clone(); X_unmasked[cond] = y_pred[cond]  -> masked scatter-overwrite
    X_unmasked = jnp.where(cond, y_pred.astype(X.dtype), X)
    return X_unmasked

if __name__ == "__main__":
    import jax
    _d = setup_inputs()
    print(jax.jit(kernel)(*tuple(_d.values())))

</pallas_src>

<mosaic_0001>
#map = affine_map<(d0, d1) -> (0, 0)>
module attributes {stable_mosaic.version = 14 : i64} {
  func.func @sc_unmask(%arg0: i32, %arg1: i32, %arg2: memref<4x8192xi32, #tpu.memory_space<hbm>>, %arg3: memref<4x8192xi32, #tpu.memory_space<hbm>>, %arg4: memref<1x128xi32, #tpu.memory_space<hbm>>, %arg5: memref<4x8192xi32, #tpu.memory_space<hbm>>, %arg6: memref<4x512xi32, #tpu.memory_space<vmem>>, %arg7: memref<4x512xi32, #tpu.memory_space<vmem>>, %arg8: memref<1x128xi32, #tpu.memory_space<vmem>>, %arg9: memref<!tpu.dma_semaphore, #tpu.memory_space<semaphore_mem>>) attributes {dimension_semantics = [#tpu.dimension_semantics<core_parallel>, #tpu.dimension_semantics<subcore_parallel>], iteration_bounds = array<i64: 1, 16>, scalar_prefetch = 0 : i64, scratch_operands = 4 : i64, tpu.core_type = #tpu.core_type<sc_vector_subcore>, window_params = [{transform_indices = #map}, {transform_indices = #map}, {transform_indices = #map}, {transform_indices = #map}]} {
    %mul3A = arith.constant 512 : i32
    %mul3A_0 = arith.muli %arg1, %mul3A : i32
    %dma_start3A = arith.constant 0 : i32
    %dma_start3A_1 = tpu.memref_slice %arg2[%dma_start3A, %mul3A_0] : memref<4x8192xi32, #tpu.memory_space<hbm>> -> memref<4x512xi32, #tpu.memory_space<hbm>>
    %dma_start3A_2 = arith.constant 0 : i32
    %dma_start3A_3 = tpu.memref_slice %arg2[%dma_start3A_2, %mul3A_0] : memref<4x8192xi32, #tpu.memory_space<hbm>> -> memref<4x512xi32, #tpu.memory_space<hbm>>
    tpu.enqueue_dma source(%dma_start3A_3 : memref<4x512xi32, #tpu.memory_space<hbm>>) target(%arg6 : memref<4x512xi32, #tpu.memory_space<vmem>>) target_semaphore(%arg9 : memref<!tpu.dma_semaphore, #tpu.memory_space<semaphore_mem>>)
    %dma_start3A_4 = arith.constant 0 : i32
    %dma_start3A_5 = tpu.memref_slice %arg3[%dma_start3A_4, %mul3A_0] : memref<4x8192xi32, #tpu.memory_space<hbm>> -> memref<4x512xi32, #tpu.memory_space<hbm>>
    %dma_start3A_6 = arith.constant 0 : i32
    %dma_start3A_7 = tpu.memref_slice %arg3[%dma_start3A_6, %mul3A_0] : memref<4x8192xi32, #tpu.memory_space<hbm>> -> memref<4x512xi32, #tpu.memory_space<hbm>>
    tpu.enqueue_dma source(%dma_start3A_7 : memref<4x512xi32, #tpu.memory_space<hbm>>) target(%arg7 : memref<4x512xi32, #tpu.memory_space<vmem>>) target_semaphore(%arg9 : memref<!tpu.dma_semaphore, #tpu.memory_space<semaphore_mem>>)
    tpu.enqueue_dma source(%arg4 : memref<1x128xi32, #tpu.memory_space<hbm>>) target(%arg8 : memref<1x128xi32, #tpu.memory_space<vmem>>) target_semaphore(%arg9 : memref<!tpu.dma_semaphore, #tpu.memory_space<semaphore_mem>>)
    %dma_wait3A = arith.constant 0 : i32
    %dma_wait3A_8 = tpu.memref_slice %arg2[%dma_wait3A, %mul3A_0] : memref<4x8192xi32, #tpu.memory_space<hbm>> -> memref<4x512xi32, #tpu.memory_space<hbm>>
    %dma_wait3A_9 = arith.constant 0 : i32
    %dma_wait3A_10 = tpu.memref_slice %arg2[%dma_wait3A_9, %mul3A_0] : memref<4x8192xi32, #tpu.memory_space<hbm>> -> memref<4x512xi32, #tpu.memory_space<hbm>>
    tpu.wait_dma2 semaphore(%arg9 : memref<!tpu.dma_semaphore, #tpu.memory_space<semaphore_mem>>) src(%dma_wait3A_10 : memref<4x512xi32, #tpu.memory_space<hbm>>) dst(%arg6 : memref<4x512xi32, #tpu.memory_space<vmem>>)
    %dma_wait3A_11 = arith.constant 0 : i32
    %dma_wait3A_12 = tpu.memref_slice %arg3[%dma_wait3A_11, %mul3A_0] : memref<4x8192xi32, #tpu.memory_space<hbm>> -> memref<4x512xi32, #tpu.memory_space<hbm>>
    %dma_wait3A_13 = arith.constant 0 : i32
    %dma_wait3A_14 = tpu.memref_slice %arg3[%dma_wait3A_13, %mul3A_0] : memref<4x8192xi32, #tpu.memory_space<hbm>> -> memref<4x512xi32, #tpu.memory_space<hbm>>
    tpu.wait_dma2 semaphore(%arg9 : memref<!tpu.dma_semaphore, #tpu.memory_space<semaphore_mem>>) src(%dma_wait3A_14 : memref<4x512xi32, #tpu.memory_space<hbm>>) dst(%arg7 : memref<4x512xi32, #tpu.memory_space<vmem>>)
    tpu.wait_dma2 semaphore(%arg9 : memref<!tpu.dma_semaphore, #tpu.memory_space<semaphore_mem>>) src(%arg4 : memref<1x128xi32, #tpu.memory_space<hbm>>) dst(%arg8 : memref<1x128xi32, #tpu.memory_space<vmem>>)
    %get3A = arith.constant 0 : i32
    %get3A_15 = arith.index_cast %get3A : i32 to index
    %get3A_16 = arith.constant 0 : index
    %get3A_17 = tpu.vector_load %arg8[%get3A_15, %get3A_16] {strides = array<i32>} : memref<1x128xi32, #tpu.memory_space<vmem>>, vector<1x16xi32>,
    %get3A_18 = vector.shape_cast %get3A_17 : vector<1x16xi32> to vector<16xi32>
    %get3A_19 = arith.constant 0 : i32
    %get3A_20 = arith.index_cast %get3A_19 : i32 to index
    %get3A_21 = arith.constant 0 : index
    %get3A_22 = tpu.vector_load %arg6[%get3A_20, %get3A_21] {strides = array<i32>} : memref<4x512xi32, #tpu.memory_space<vmem>>, vector<1x16xi32>,
    %get3A_23 = vector.shape_cast %get3A_22 : vector<1x16xi32> to vector<16xi32>
    %get3A_24 = arith.constant 0 : i32
    %get3A_25 = arith.index_cast %get3A_24 : i32 to index
    %get3A_26 = arith.constant 0 : index
    %get3A_27 = tpu.vector_load %arg7[%get3A_25, %get3A_26] {strides = array<i32>} : memref<4x512xi32, #tpu.memory_space<vmem>>, vector<1x16xi32>,
    %get3A_28 = vector.shape_cast %get3A_27 : vector<1x16xi32> to vector<16xi32>
    %eq3A = arith.cmpi eq, %get3A_23, %get3A_28 : vector<16xi32>
    %select_n3A = arith.select %eq3A, %get3A_18, %get3A_23 : vector<16xi1>, vector<16xi32>
    %swap3A = arith.constant 0 : i32
    %swap3A_29 = arith.index_cast %swap3A : i32 to index
    %swap3A_30 = arith.constant 0 : index
    %swap3A_31 = tpu.vector_load %arg6[%swap3A_29, %swap3A_30] {strides = array<i32>} : memref<4x512xi32, #tpu.memory_space<vmem>>, vector<1x16xi32>,
    %swap3A_32 = vector.shape_cast %swap3A_31 : vector<1x16xi32> to vector<16xi32>
    %swap3A_33 = vector.shape_cast %select_n3A : vector<16xi32> to vector<1x16xi32>
    tpu.vector_store %arg6[%swap3A_29, %swap3A_30], %swap3A_33 {strides = array<i32>} : memref<4x512xi32, #tpu.memory_space<vmem>>, vector<1x16xi32>,
    %get3A_34 = arith.constant 0 : i32
    %get3A_35 = arith.index_cast %get3A_34 : i32 to index
    %get3A_36 = arith.constant 16 : index
    %get3A_37 = tpu.vector_load %arg6[%get3A_35, %get3A_36] {strides = array<i32>} : memref<4x512xi32, #tpu.memory_space<vmem>>, vector<1x16xi32>,
    %get3A_38 = vector.shape_cast %get3A_37 : vector<1x16xi32> to vector<16xi32>
    %get3A_39 = arith.constant 0 : i32
    %get3A_40 = arith.index_cast %get3A_39 : i32 to index
    %get3A_41 = arith.constant 16 : index
    %get3A_42 = tpu.vector_load %arg7[%get3A_40, %get3A_41] {strides = array<i32>} : memref<4x512xi32, #tpu.memory_space<vmem>>, vector<1x16xi32>,
    %get3A_43 = vector.shape_cast %get3A_42 : vector<1x16xi32> to vector<16xi32>
    %eq3A_44 = arith.cmpi eq, %get3A_38, %get3A_43 : vector<16xi32>
    %select_n3A_45 = arith.select %eq3A_44, %get3A_18, %get3A_38 : vector<16xi1>, vector<16xi32>
    %swap3A_46 = arith.constant 0 : i32
    %swap3A_47 = arith.index_cast %swap3A_46 : i32 to index
    %swap3A_48 = arith.constant 16 : index
    %swap3A_49 = tpu.vector_load %arg6[%swap3A_47, %swap3A_48] {strides = array<i32>} : memref<4x512xi32, #tpu.memory_space<vmem>>, vector<1x16xi32>,
    %swap3A_50 = vector.shape_cast %swap3A_49 : vector<1x16xi32> to vector<16xi32>
    %swap3A_51 = vector.shape_cast %select_n3A_45 : vector<16xi32> to vector<1x16xi32>
    tpu.vector_store %arg6[%swap3A_47, %swap3A_48], %swap3A_51 {strides = array<i32>} : memref<4x512xi32, #tpu.memory_space<vmem>>, vector<1x16xi32>,
    %get3A_52 = arith.constant 0 : i32
    %get3A_53 = arith.index_cast %get3A_52 : i32 to index
    %get3A_54 = arith.constant 32 : index
    %get3A_55 = tpu.vector_load %arg6[%get3A_53, %get3A_54] {strides = array<i32>} : memref<4x512xi32, #tpu.memory_space<vmem>>, vector<1x16xi32>,
    %get3A_56 = vector.shape_cast %get3A_55 : vector<1x16xi32> to vector<16xi32>
    %get3A_57 = arith.constant 0 : i32
    %get3A_58 = arith.index_cast %get3A_57 : i32 to index
    %get3A_59 = arith.constant 32 : index
    %get3A_60 = tpu.vector_load %arg7[%get3A_58, %get3A_59] {strides = array<i32>} : memref<4x512xi32, #tpu.memory_space<vmem>>, vector<1x16xi32>,
    %get3A_61 = vector.shape_cast %get3A_60 : vector<1x16xi32> to vector<16xi32>
    %eq3A_62 = arith.cmpi eq, %get3A_56, %get3A_61 : vector<16xi32>
    %select_n3A_63 = arith.select %eq3A_62, %get3A_18, %get3A_56 : vector<16xi1>, vector<16xi32>
    %swap3A_64 = arith.constant 0 : i32
    %swap3A_65 = arith.index_cast %swap3A_64 : i32 to index
    %swap3A_66 = arith.constant 32 : index
    %swap3A_67 = tpu.vector_load %arg6[%swap3A_65, %swap3A_66] {strides = array<i32>} : memref<4x512xi32, #tpu.memory_space<vmem>>, vector<1x16xi32>,
    %swap3A_68 = vector.shape_cast %swap3A_67 : vector<1x16xi32> to vector<16xi32>
    %swap3A_69 = vector.shape_cast %select_n3A_63 : vector<16xi32> to vector<1x16xi32>
    tpu.vector_store %arg6[%swap3A_65, %swap3A_66], %swap3A_69 {strides = array<i32>} : memref<4x512xi32, #tpu.memory_space<vmem>>, vector<1x16xi32>,
    %get3A_70 = arith.constant 0 : i32
    %get3A_71 = arith.index_cast %get3A_70 : i32 to index
    %get3A_72 = arith.constant 48 : index
    %get3A_73 = tpu.vector_load %arg6[%get3A_71, %get3A_72] {strides = array<i32>} : memref<4x512xi32, #tpu.memory_space<vmem>>, vector<1x16xi32>,
    %get3A_74 = vector.shape_cast %get3A_73 : vector<1x16xi32> to vector<16xi32>
    %get3A_75 = arith.constant 0 : i32
    %get3A_76 = arith.index_cast %get3A_75 : i32 to index
    %get3A_77 = arith.constant 48 : index
    %get3A_78 = tpu.vector_load %arg7[%get3A_76, %get3A_77] {strides = array<i32>} : memref<4x512xi32, #tpu.memory_space<vmem>>, vector<1x16xi32>,
    %get3A_79 = vector.shape_cast %get3A_78 : vector<1x16xi32> to vector<16xi32>
    %eq3A_80 = arith.cmpi eq, %get3A_74, %get3A_79 : vector<16xi32>
    %select_n3A_81 = arith.select %eq3A_80, %get3A_18, %get3A_74 : vector<16xi1>, vector<16xi32>
    %swap3A_82 = arith.constant 0 : i32
    %swap3A_83 = arith.index_cast %swap3A_82 : i32 to index
    %swap3A_84 = arith.constant 48 : index
    %swap3A_85 = tpu.vector_load %arg6[%swap3A_83, %swap3A_84] {strides = array<i32>} : memref<4x512xi32, #tpu.memory_space<vmem>>, vector<1x16xi32>,
    %swap3A_86 = vector.shape_cast %swap3A_85 : vector<1x16xi32> to vector<16xi32>
    %swap3A_87 = vector.shape_cast %select_n3A_81 : vector<16xi32> to vector<1x16xi32>
    tpu.vector_store %arg6[%swap3A_83, %swap3A_84], %swap3A_87 {strides = array<i32>} : memref<4x512xi32, #tpu.memory_space<vmem>>, vector<1x16xi32>,
    %get3A_88 = arith.constant 0 : i32
    %get3A_89 = arith.index_cast %get3A_88 : i32 to index
    %get3A_90 = arith.constant 64 : index
    %get3A_91 = tpu.vector_load %arg6[%get3A_89, %get3A_90] {strides = array<i32>} : memref<4x512xi32, #tpu.memory_space<vmem>>, vector<1x16xi32>,
    %get3A_92 = vector.shape_cast %get3A_91 : vector<1x16xi32> to vector<16xi32>
    %get3A_93 = arith.constant 0 : i32
    %get3A_94 = arith.index_cast %get3A_93 : i32 to index
    %get3A_95 = arith.constant 64 : index
    %get3A_96 = tpu.vector_load %arg7[%get3A_94, %get3A_95] {strides = array<i32>} : memref<4x512xi32, #tpu.memory_space<vmem>>, vector<1x16xi32>,
    %get3A_97 = vector.shape_cast %get3A_96 : vector<1x16xi32> to vector<16xi32>
    %eq3A_98 = arith.cmpi eq, %get3A_92, %get3A_97 : vector<16xi32>
    %select_n3A_99 = arith.select %eq3A_98, %get3A_18, %get3A_92 : vector<16xi1>, vector<16xi32>
    %swap3A_100 = arith.constant 0 : i32
    %swap3A_101 = arith.index_cast %swap3A_100 : i32 to index
    %swap3A_102 = arith.constant 64 : index
    %swap3A_103 = tpu.vector_load %arg6[%swap3A_101, %swap3A_102] {strides = array<i32>} : memref<4x512xi32, #tpu.memory_space<vmem>>, vector<1x16xi32>,
    %swap3A_104 = vector.shape_cast %swap3A_103 : vector<1x16xi32> to vector<16xi32>
    %swap3A_105 = vector.shape_cast %select_n3A_99 : vector<16xi32> to vector<1x16xi32>
    tpu.vector_store %arg6[%swap3A_101, %swap3A_102], %swap3A_105 {strides = array<i32>} : memref<4x512xi32, #tpu.memory_space<vmem>>, vector<1x16xi32>,
    %get3A_106 = arith.constant 0 : i32
    %get3A_107 = arith.index_cast %get3A_106 : i32 to index
    %get3A_108 = arith.constant 80 : index
    %get3A_109 = tpu.vector_load %arg6[%get3A_107, %get3A_108] {strides = array<i32>} : memref<4x512xi32, #tpu.memory_space<vmem>>, vector<1x16xi32>,
    %get3A_110 = vector.shape_cast %get3A_109 : vector<1x16xi32> to vector<16xi32>
    %get3A_111 = arith.constant 0 : i32
    %get3A_112 = arith.index_cast %get3A_111 : i32 to index
    %get3A_113 = arith.constant 80 : index
    %get3A_114 = tpu.vector_load %arg7[%get3A_112, %get3A_113] {strides = array<i32>} : memref<4x512xi32, #tpu.memory_space<vmem>>, vector<1x16xi32>,
    %get3A_115 = vector.shape_cast %get3A_114 : vector<1x16xi32> to vector<16xi32>
    %eq3A_116 = arith.cmpi eq, %get3A_110, %get3A_115 : vector<16xi32>
    %select_n3A_117 = arith.select %eq3A_116, %get3A_18, %get3A_110 : vector<16xi1>, vector<16xi32>
    %swap3A_118 = arith.constant 0 : i32
    %swap3A_119 = arith.index_cast %swap3A_118 : i32 to index
    %swap3A_120 = arith.constant 80 : index
    %swap3A_121 = tpu.vector_load %arg6[%swap3A_119, %swap3A_120] {strides = array<i32>} : memref<4x512xi32, #tpu.memory_space<vmem>>, vector<1x16xi32>,
    %swap3A_122 = vector.shape_cast %swap3A_121 : vector<1x16xi32> to vector<16xi32>
    %swap3A_123 = vector.shape_cast %select_n3A_117 : vector<16xi32> to vector<1x16xi32>
    tpu.vector_store %arg6[%swap3A_119, %swap3A_120], %swap3A_123 {strides = array<i32>} : memref<4x512xi32, #tpu.memory_space<vmem>>, vector<1x16xi32>,
    %get3A_124 = arith.constant 0 : i32
    %get3A_125 = arith.index_cast %get3A_124 : i32 to index
    %get3A_126 = arith.constant 96 : index
    %get3A_127 = tpu.vector_load %arg6[%get3A_125, %get3A_126] {strides = array<i32>} : memref<4x512xi32, #tpu.memory_space<vmem>>, vector<1x16xi32>,
    %get3A_128 = vector.shape_cast %get3A_127 : vector<1x16xi32> to vector<16xi32>
    %get3A_129 = arith.constant 0 : i32
    %get3A_130 = arith.index_cast %get3A_129 : i32 to index
    %get3A_131 = arith.constant 96 : index
    %get3A_132 = tpu.vector_load %arg7[%get3A_130, %get3A_131] {strides = array<i32>} : memref<4x512xi32, #tpu.memory_space<vmem>>, vector<1x16xi32>,
    %get3A_133 = vector.shape_cast %get3A_132 : vector<1x16xi32> to vector<16xi32>
    %eq3A_134 = arith.cmpi eq, %get3A_128, %get3A_133 : vector<16xi32>
    %select_n3A_135 = arith.select %eq3A_134, %get3A_18, %get3A_128 : vector<16xi1>, vector<16xi32>
    %swap3A_136 = arith.constant 0 : i32
    %swap3A_137 = arith.index_cast %swap3A_136 : i32 to index
    %swap3A_138 = arith.constant 96 : index
    %swap3A_139 = tpu.vector_load %arg6[%swap3A_137, %swap3A_138] {strides = array<i32>} : memref<4x512xi32, #tpu.memory_space<vmem>>, vector<1x16xi32>,
    %swap3A_140 = vector.shape_cast %swap3A_139 : vector<1x16xi32> to vector<16xi32>
    %swap3A_141 = vector.shape_cast %select_n3A_135 : vector<16xi32> to vector<1x16xi32>
    tpu.vector_store %arg6[%swap3A_137, %swap3A_138], %swap3A_141 {strides = array<i32>} : memref<4x512xi32, #tpu.memory_space<vmem>>, vector<1x16xi32>,
    %get3A_142 = arith.constant 0 : i32
    %get3A_143 = arith.index_cast %get3A_142 : i32 to index
    %get3A_144 = arith.constant 112 : index
    %get3A_145 = tpu.vector_load %arg6[%get3A_143, %get3A_144] {strides = array<i32>} : memref<4x512xi32, #tpu.memory_space<vmem>>, vector<1x16xi32>,
    %get3A_146 = vector.shape_cast %get3A_145 : vector<1x16xi32> to vector<16xi32>
    %get3A_147 = arith.constant 0 : i32
    %get3A_148 = arith.index_cast %get3A_147 : i32 to index
    %get3A_149 = arith.constant 112 : index
    %get3A_150 = tpu.vector_load %arg7[%get3A_148, %get3A_149] {strides = array<i32>} : memref<4x512xi32, #tpu.memory_space<vmem>>, vector<1x16xi32>,
    %get3A_151 = vector.shape_cast %get3A_150 : vector<1x16xi32> to vector<16xi32>
    %eq3A_152 = arith.cmpi eq, %get3A_146, %get3A_151 : vector<16xi32>
    %select_n3A_153 = arith.select %eq3A_152, %get3A_18, %get3A_146 : vector<16xi1>, vector<16xi32>
    %swap3A_154 = arith.constant 0 : i32
    %swap3A_155 = arith.index_cast %swap3A_154 : i32 to index
    %swap3A_156 = arith.constant 112 : index
    %swap3A_157 = tpu.vector_load %arg6[%swap3A_155, %swap3A_156] {strides = array<i32>} : memref<4x512xi32, #tpu.memory_space<vmem>>, vector<1x16xi32>,
    %swap3A_158 = vector.shape_cast %swap3A_157 : vector<1x16xi32> to vector<16xi32>
    %swap3A_159 = vector.shape_cast %select_n3A_153 : vector<16xi32> to vector<1x16xi32>
    tpu.vector_store %arg6[%swap3A_155, %swap3A_156], %swap3A_159 {strides = array<i32>} : memref<4x512xi32, #tpu.memory_space<vmem>>, vector<1x16xi32>,
    %get3A_160 = arith.constant 0 : i32
    %get3A_161 = arith.index_cast %get3A_160 : i32 to index
    %get3A_162 = arith.constant 128 : index
    %get3A_163 = tpu.vector_load %arg6[%get3A_161, %get3A_162] {strides = array<i32>} : memref<4x512xi32, #tpu.memory_space<vmem>>, vector<1x16xi32>,
    %get3A_164 = vector.shape_cast %get3A_163 : vector<1x16xi32> to vector<16xi32>
    %get3A_165 = arith.constant 0 : i32
    %get3A_166 = arith.index_cast %get3A_165 : i32 to index
    %get3A_167 = arith.constant 128 : index
    %get3A_168 = tpu.vector_load %arg7[%get3A_166, %get3A_167] {strides = array<i32>} : memref<4x512xi32, #tpu.memory_space<vmem>>, vector<1x16xi32>,
    %get3A_169 = vector.shape_cast %get3A_168 : vector<1x16xi32> to vector<16xi32>
    %eq3A_170 = arith.cmpi eq, %get3A_164, %get3A_169 : vector<16xi32>
    %select_n3A_171 = arith.select %eq3A_170, %get3A_18, %get3A_164 : vector<16xi1>, vector<16xi32>
    %swap3A_172 = arith.constant 0 : i32
    %swap3A_173 = arith.index_cast %swap3A_172 : i32 to index
    %swap3A_174 = arith.constant 128 : index
    %swap3A_175 = tpu.vector_load %arg6[%swap3A_173, %swap3A_174] {strides = array<i32>} : memref<4x512xi32, #tpu.memory_space<vmem>>, vector<1x16xi32>,
    %swap3A_176 = vector.shape_cast %swap3A_175 : vector<1x16xi32> to vector<16xi32>
    %swap3A_177 = vector.shape_cast %select_n3A_171 : vector<16xi32> to vector<1x16xi32>
    tpu.vector_store %arg6[%swap3A_173, %swap3A_174], %swap3A_177 {strides = array<i32>} : memref<4x512xi32, #tpu.memory_space<vmem>>, vector<1x16xi32>,
    %get3A_178 = arith.constant 0 : i32
    %get3A_179 = arith.index_cast %get3A_178 : i32 to index
    %get3A_180 = arith.constant 144 : index
    %get3A_181 = tpu.vector_load %arg6[%get3A_179, %get3A_180] {strides = array<i32>} : memref<4x512xi32, #tpu.memory_space<vmem>>, vector<1x16xi32>,
    %get3A_182 = vector.shape_cast %get3A_181 : vector<1x16xi32> to vector<16xi32>
    %get3A_183 = arith.constant 0 : i32
    %get3A_184 = arith.index_cast %get3A_183 : i32 to index
    %get3A_185 = arith.constant 144 : index
    %get3A_186 = tpu.vector_load %arg7[%get3A_184, %get3A_185] {strides = array<i32>} : memref<4x512xi32, #tpu.memory_space<vmem>>, vector<1x16xi32>,
    %get3A_187 = vector.shape_cast %get3A_186 : vector<1x16xi32> to vector<16xi32>
    %eq3A_188 = arith.cmpi eq, %get3A_182, %get3A_187 : vector<16xi32>
    %select_n3A_189 = arith.select %eq3A_188, %get3A_18, %get3A_182 : vector<16xi1>, vector<16xi32>
    %swap3A_190 = arith.constant 0 : i32
    %swap3A_191 = arith.index_cast %swap3A_190 : i32 to index
    %swap3A_192 = arith.constant 144 : index
    %swap3A_193 = tpu.vector_load %arg6[%swap3A_191, %swap3A_192] {strides = array<i32>} : memref<4x512xi32, #tpu.memory_space<vmem>>, vector<1x16xi32>,
    %swap3A_194 = vector.shape_cast %swap3A_193 : vector<1x16xi32> to vector<16xi32>
    %swap3A_195 = vector.shape_cast %select_n3A_189 : vector<16xi32> to vector<1x16xi32>
    tpu.vector_store %arg6[%swap3A_191, %swap3A_192], %swap3A_195 {strides = array<i32>} : memref<4x512xi32, #tpu.memory_space<vmem>>, vector<1x16xi32>,
    %get3A_196 = arith.constant 0 : i32
    %get3A_197 = arith.index_cast %get3A_196 : i32 to index
    %get3A_198 = arith.constant 160 : index
    %get3A_199 = tpu.vector_load %arg6[%get3A_197, %get3A_198] {strides = array<i32>} : memref<4x512xi32, #tpu.memory_space<vmem>>, vector<1x16xi32>,
    %get3A_200 = vector.shape_cast %get3A_199 : vector<1x16xi32> to vector<16xi32>
    %get3A_201 = arith.constant 0 : i32
    %get3A_202 = arith.index_cast %get3A_201 : i32 to index
    %get3A_203 = arith.constant 160 : index
    %get3A_204 = tpu.vector_load %arg7[%get3A_202, %get3A_203] {strides = array<i32>} : memref<4x512xi32, #tpu.memory_space<vmem>>, vector<1x16xi32>,
    %get3A_205 = vector.shape_cast %get3A_204 : vector<1x16xi32> to vector<16xi32>
    %eq3A_206 = arith.cmpi eq, %get3A_200, %get3A_205 : vector<16xi32>
    %select_n3A_207 = arith.select %eq3A_206, %get3A_18, %get3A_200 : vector<16xi1>, vector<16xi32>
    %swap3A_208 = arith.constant 0 : i32
    %swap3A_209 = arith.index_cast %swap3A_208 : i32 to index
    %swap3A_210 = arith.constant 160 : index
    %swap3A_211 = tpu.vector_load %arg6[%swap3A_209, %swap3A_210] {strides = array<i32>} : memref<4x512xi32, #tpu.memory_space<vmem>>, vector<1x16xi32>,
    %swap3A_212 = vector.shape_cast %swap3A_211 : vector<1x16xi32> to vector<16xi32>
    %swap3A_213 = vector.shape_cast %select_n3A_207 : vector<16xi32> to vector<1x16xi32>
    tpu.vector_store %arg6[%swap3A_209, %swap3A_210], %swap3A_213 {strides = array<i32>} : memref<4x512xi32, #tpu.memory_space<vmem>>, vector<1x16xi32>,
    %get3A_214 = arith.constant 0 : i32
    %get3A_215 = arith.index_cast %get3A_214 : i32 to index
    %get3A_216 = arith.constant 176 : index
    %get3A_217 = tpu.vector_load %arg6[%get3A_215, %get3A_216] {strides = array<i32>} : memref<4x512xi32, #tpu.memory_space<vmem>>, vector<1x16xi32>,
    %get3A_218 = vector.shape_cast %get3A_217 : vector<1x16xi32> to vector<16xi32>
    %get3A_219 = arith.constant 0 : i32
    %get3A_220 = arith.index_cast %get3A_219 : i32 to index
    %get3A_221 = arith.constant 176 : index
    %get3A_222 = tpu.vector_load %arg7[%get3A_220, %get3A_221] {strides = array<i32>} : memref<4x512xi32, #tpu.memory_space<vmem>>, vector<1x16xi32>,
    %get3A_223 = vector.shape_cast %get3A_222 : vector<1x16xi32> to vector<16xi32>
    %eq3A_224 = arith.cmpi eq, %get3A_218, %get3A_223 : vector<16xi32>
    %select_n3A_225 = arith.select %eq3A_224, %get3A_18, %get3A_218 : vector<16xi1>, vector<16xi32>
    %swap3A_226 = arith.constant 0 : i32
    %swap3A_227 = arith.index_cast %swap3A_226 : i32 to index
    %swap3A_228 = arith.constant 176 : index
    %swap3A_229 = tpu.vector_load %arg6[%swap3A_227, %swap3A_228] {strides = array<i32>} : memref<4x512xi32, #tpu.memory_space<vmem>>, vector<1x16xi32>,
    %swap3A_230 = vector.shape_cast %swap3A_229 : vector<1x16xi32> to vector<16xi32>
    %swap3A_231 = vector.shape_cast %select_n3A_225 : vector<16xi32> to vector<1x16xi32>
    tpu.vector_store %arg6[%swap3A_227, %swap3A_228], %swap3A_231 {strides = array<i32>} : memref<4x512xi32, #tpu.memory_space<vmem>>, vector<1x16xi32>,
    %get3A_232 = arith.constant 0 : i32
    %get3A_233 = arith.index_cast %get3A_232 : i32 to index
    %get3A_234 = arith.constant 192 : index
    %get3A_235 = tpu.vector_load %arg6[%get3A_233, %get3A_234] {strides = array<i32>} : memref<4x512xi32, #tpu.memory_space<vmem>>, vector<1x16xi32>,
    %get3A_236 = vector.shape_cast %get3A_235 : vector<1x16xi32> to vector<16xi32>
    %get3A_237 = arith.constant 0 : i32
    %get3A_238 = arith.index_cast %get3A_237 : i32 to index
    %get3A_239 = arith.constant 192 : index
    %get3A_240 = tpu.vector_load %arg7[%get3A_238, %get3A_239] {strides = array<i32>} : memref<4x512xi32, #tpu.memory_space<vmem>>, vector<1x16xi32>,
    %get3A_241 = vector.shape_cast %get3A_240 : vector<1x16xi32> to vector<16xi32>
    %eq3A_242 = arith.cmpi eq, %get3A_236, %get3A_241 : vector<16xi32>
    %select_n3A_243 = arith.select %eq3A_242, %get3A_18, %get3A_236 : vector<16xi1>, vector<16xi32>
    %swap3A_244 = arith.constant 0 : i32
    %swap3A_245 = arith.index_cast %swap3A_244 : i32 to index
    %swap3A_246 = arith.constant 192 : index
    %swap3A_247 = tpu.vector_load %arg6[%swap3A_245, %swap3A_246] {strides = array<i32>} : memref<4x512xi32, #tpu.memory_space<vmem>>, vector<1x16xi32>,
    %swap3A_248 = vector.shape_cast %swap3A_247 : vector<1x16xi32> to vector<16xi32>
    %swap3A_249 = vector.shape_cast %select_n3A_243 : vector<16xi32> to vector<1x16xi32>
    tpu.vector_store %arg6[%swap3A_245, %swap3A_246], %swap3A_249 {strides = array<i32>} : memref<4x512xi32, #tpu.memory_space<vmem>>, vector<1x16xi32>,
    %get3A_250 = arith.constant 0 : i32
    %get3A_251 = arith.index_cast %get3A_250 : i32 to index
    %get3A_252 = arith.constant 208 : index
    %get3A_253 = tpu.vector_load %arg6[%get3A_251, %get3A_252] {strides = array<i32>} : memref<4x512xi32, #tpu.memory_space<vmem>>, vector<1x16xi32>,
    %get3A_254 = vector.shape_cast %get3A_253 : vector<1x16xi32> to vector<16xi32>
    %get3A_255 = arith.constant 0 : i32
    %get3A_256 = arith.index_cast %get3A_255 : i32 to index
    %get3A_257 = arith.constant 208 : index
    %get3A_258 = tpu.vector_load %arg7[%get3A_256, %get3A_257] {strides = array<i32>} : memref<4x512xi32, #tpu.memory_space<vmem>>, vector<1x16xi32>,
    %get3A_259 = vector.shape_cast %get3A_258 : vector<1x16xi32> to vector<16xi32>
    %eq3A_260 = arith.cmpi eq, %get3A_254, %get3A_259 : vector<16xi32>
    %select_n3A_261 = arith.select %eq3A_260, %get3A_18, %get3A_254 : vector<16xi1>, vector<16xi32>
    %swap3A_262 = arith.constant 0 : i32
    %swap3A_263 = arith.index_cast %swap3A_262 : i32 to index
    %swap3A_264 = arith.constant 208 : index
    %swap3A_265 = tpu.vector_load %arg6[%swap3A_263, %swap3A_264] {strides = array<i32>} : memref<4x512xi32, #tpu.memory_space<vmem>>, vector<1x16xi32>,
    %swap3A_266 = vector.shape_cast %swap3A_265 : vector<1x16xi32> to vector<16xi32>
    %swap3A_267 = vector.shape_cast %select_n3A_261 : vector<16xi32> to vector<1x16xi32>
    tpu.vector_store %arg6[%swap3A_263, %swap3A_264], %swap3A_267 {strides = array<i32>} : memref<4x512xi32, #tpu.memory_space<vmem>>, vector<1x16xi32>,
    %get3A_268 = arith.constant 0 : i32
    %get3A_269 = arith.index_cast %get3A_268 : i32 to index
    %get3A_270 = arith.constant 224 : index
    %get3A_271 = tpu.vector_load %arg6[%get3A_269, %get3A_270] {strides = array<i32>} : memref<4x512xi32, #tpu.memory_space<vmem>>, vector<1x16xi32>,
    %get3A_272 = vector.shape_cast %get3A_271 : vector<1x16xi32> to vector<16xi32>
    %get3A_273 = arith.constant 0 : i32
    %get3A_274 = arith.index_cast %get3A_273 : i32 to index
    %get3A_275 = arith.constant 224 : index
    %get3A_276 = tpu.vector_load %arg7[%get3A_274, %get3A_275] {strides = array<i32>} : memref<4x512xi32, #tpu.memory_space<vmem>>, vector<1x16xi32>,
    %get3A_277 = vector.shape_cast %get3A_276 : vector<1x16xi32> to vector<16xi32>
    %eq3A_278 = arith.cmpi eq, %get3A_272, %get3A_277 : vector<16xi32>
    %select_n3A_279 = arith.select %eq3A_278, %get3A_18, %get3A_272 : vector<16xi1>, vector<16xi32>
    %swap3A_280 = arith.constant 0 : i32
    %swap3A_281 = arith.index_cast %swap3A_280 : i32 to index
    %swap3A_282 = arith.constant 224 : index
    %swap3A_283 = tpu.vector_load %arg6[%swap3A_281, %swap3A_282] {strides = array<i32>} : memref<4x512xi32, #tpu.memory_space<vmem>>, vector<1x16xi32>,
    %swap3A_284 = vector.shape_cast %swap3A_283 : vector<1x16xi32> to vector<16xi32>
    %swap3A_285 = vector.shape_cast %select_n3A_279 : vector<16xi32> to vector<1x16xi32>
    tpu.vector_store %arg6[%swap3A_281, %swap3A_282], %swap3A_285 {strides = array<i32>} : memref<4x512xi32, #tpu.memory_space<vmem>>, vector<1x16xi32>,
    %get3A_286 = arith.constant 0 : i32
    %get3A_287 = arith.index_cast %get3A_286 : i32 to index
    %get3A_288 = arith.constant 240 : index
    %get3A_289 = tpu.vector_load %arg6[%get3A_287, %get3A_288] {strides = array<i32>} : memref<4x512xi32, #tpu.memory_space<vmem>>, vector<1x16xi32>,
    %get3A_290 = vector.shape_cast %get3A_289 : vector<1x16xi32> to vector<16xi32>
    %get3A_291 = arith.constant 0 : i32
    %get3A_292 = arith.index_cast %get3A_291 : i32 to index
    %get3A_293 = arith.constant 240 : index
    %get3A_294 = tpu.vector_load %arg7[%get3A_292, %get3A_293] {strides = array<i32>} : memref<4x512xi32, #tpu.memory_space<vmem>>, vector<1x16xi32>,
    %get3A_295 = vector.shape_cast %get3A_294 : vector<1x16xi32> to vector<16xi32>
    %eq3A_296 = arith.cmpi eq, %get3A_290, %get3A_295 : vector<16xi32>
    %select_n3A_297 = arith.select %eq3A_296, %get3A_18, %get3A_290 : vector<16xi1>, vector<16xi32>
    %swap3A_298 = arith.constant 0 : i32
    %swap3A_299 = arith.index_cast %swap3A_298 : i32 to index
    %swap3A_300 = arith.constant 240 : index
    %swap3A_301 = tpu.vector_load %arg6[%swap3A_299, %swap3A_300] {strides = array<i32>} : memref<4x512xi32, #tpu.memory_space<vmem>>, vector<1x16xi32>,
    %swap3A_302 = vector.shape_cast %swap3A_301 : vector<1x16xi32> to vector<16xi32>
    %swap3A_303 = vector.shape_cast %select_n3A_297 : vector<16xi32> to vector<1x16xi32>
    tpu.vector_store %arg6[%swap3A_299, %swap3A_300], %swap3A_303 {strides = array<i32>} : memref<4x512xi32, #tpu.memory_space<vmem>>, vector<1x16xi32>,
    %get3A_304 = arith.constant 0 : i32
    %get3A_305 = arith.index_cast %get3A_304 : i32 to index
    %get3A_306 = arith.constant 256 : index
    %get3A_307 = tpu.vector_load %arg6[%get3A_305, %get3A_306] {strides = array<i32>} : memref<4x512xi32, #tpu.memory_space<vmem>>, vector<1x16xi32>,
    %get3A_308 = vector.shape_cast %get3A_307 : vector<1x16xi32> to vector<16xi32>
    %get3A_309 = arith.constant 0 : i32
    %get3A_310 = arith.index_cast %get3A_309 : i32 to index
    %get3A_311 = arith.constant 256 : index
    %get3A_312 = tpu.vector_load %arg7[%get3A_310, %get3A_311] {strides = array<i32>} : memref<4x512xi32, #tpu.memory_space<vmem>>, vector<1x16xi32>,
    %get3A_313 = vector.shape_cast %get3A_312 : vector<1x16xi32> to vector<16xi32>
    %eq3A_314 = arith.cmpi eq, %get3A_308, %get3A_313 : vector<16xi32>
    %select_n3A_315 = arith.select %eq3A_314, %get3A_18, %get3A_308 : vector<16xi1>, vector<16xi32>
    %swap3A_316 = arith.constant 0 : i32
    %swap3A_317 = arith.index_cast %swap3A_316 : i32 to index
    %swap3A_318 = arith.constant 256 : index
    %swap3A_319 = tpu.vector_load %arg6[%swap3A_317, %swap3A_318] {strides = array<i32>} : memref<4x512xi32, #tpu.memory_space<vmem>>, vector<1x16xi32>,
    %swap3A_320 = vector.shape_cast %swap3A_319 : vector<1x16xi32> to vector<16xi32>
    %swap3A_321 = vector.shape_cast %select_n3A_315 : vector<16xi32> to vector<1x16xi32>
    tpu.vector_store %arg6[%swap3A_317, %swap3A_318], %swap3A_321 {strides = array<i32>} : memref<4x512xi32, #tpu.memory_space<vmem>>, vector<1x16xi32>,
    %get3A_322 = arith.constant 0 : i32
    %get3A_323 = arith.index_cast %get3A_322 : i32 to index
    %get3A_324 = arith.constant 272 : index
    %get3A_325 = tpu.vector_load %arg6[%get3A_323, %get3A_324] {strides = array<i32>} : memref<4x512xi32, #tpu.memory_space<vmem>>, vector<1x16xi32>,
    %get3A_326 = vector.shape_cast %get3A_325 : vector<1x16xi32> to vector<16xi32>
    %get3A_327 = arith.constant 0 : i32
    %get3A_328 = arith.index_cast %get3A_327 : i32 to index
    %get3A_329 = arith.constant 272 : index
    %get3A_330 = tpu.vector_load %arg7[%get3A_328, %get3A_329] {strides = array<i32>} : memref<4x512xi32, #tpu.memory_space<vmem>>, vector<1x16xi32>,
    %get3A_331 = vector.shape_cast %get3A_330 : vector<1x16xi32> to vector<16xi32>
    %eq3A_332 = arith.cmpi eq, %get3A_326, %get3A_331 : vector<16xi32>
    %select_n3A_333 = arith.select %eq3A_332, %get3A_18, %get3A_326 : vector<16xi1>, vector<16xi32>
    %swap3A_334 = arith.constant 0 : i32
    %swap3A_335 = arith.index_cast %swap3A_334 : i32 to index
    %swap3A_336 = arith.constant 272 : index
    %swap3A_337 = tpu.vector_load %arg6[%swap3A_335, %swap3A_336] {strides = array<i32>} : memref<4x512xi32, #tpu.memory_space<vmem>>, vector<1x16xi32>,
    %swap3A_338 = vector.shape_cast %swap3A_337 : vector<1x16xi32> to vector<16xi32>
    %swap3A_339 = vector.shape_cast %select_n3A_333 : vector<16xi32> to vector<1x16xi32>
    tpu.vector_store %arg6[%swap3A_335, %swap3A_336], %swap3A_339 {strides = array<i32>} : memref<4x512xi32, #tpu.memory_space<vmem>>, vector<1x16xi32>,
    %get3A_340 = arith.constant 0 : i32
    %get3A_341 = arith.index_cast %get3A_340 : i32 to index
    %get3A_342 = arith.constant 288 : index
    %get3A_343 = tpu.vector_load %arg6[%get3A_341, %get3A_342] {strides = array<i32>} : memref<4x512xi32, #tpu.memory_space<vmem>>, vector<1x16xi32>,
    %get3A_344 = vector.shape_cast %get3A_343 : vector<1x16xi32> to vector<16xi32>
    %get3A_345 = arith.constant 0 : i32
    %get3A_346 = arith.index_cast %get3A_345 : i32 to index
    %get3A_347 = arith.constant 288 : index
    %get3A_348 = tpu.vector_load %arg7[%get3A_346, %get3A_347] {strides = array<i32>} : memref<4x512xi32, #tpu.memory_space<vmem>>, vector<1x16xi32>,
    %get3A_349 = vector.shape_cast %get3A_348 : vector<1x16xi32> to vector<16xi32>
    %eq3A_350 = arith.cmpi eq, %get3A_344, %get3A_349 : vector<16xi32>
    %select_n3A_351 = arith.select %eq3A_350, %get3A_18, %get3A_344 : vector<16xi1>, vector<16xi32>
    %swap3A_352 = arith.constant 0 : i32
    %swap3A_353 = arith.index_cast %swap3A_352 : i32 to index
    %swap3A_354 = arith.constant 288 : index
    %swap3A_355 = tpu.vector_load %arg6[%swap3A_353, %swap3A_354] {strides = array<i32>} : memref<4x512xi32, #tpu.memory_space<vmem>>, vector<1x16xi32>,
    %swap3A_356 = vector.shape_cast %swap3A_355 : vector<1x16xi32> to vector<16xi32>
    %swap3A_357 = vector.shape_cast %select_n3A_351 : vector<16xi32> to vector<1x16xi32>
    tpu.vector_store %arg6[%swap3A_353, %swap3A_354], %swap3A_357 {strides = array<i32>} : memref<4x512xi32, #tpu.memory_space<vmem>>, vector<1x16xi32>,
    %get3A_358 = arith.constant 0 : i32
    %get3A_359 = arith.index_cast %get3A_358 : i32 to index
    %get3A_360 = arith.constant 304 : index
    %get3A_361 = tpu.vector_load %arg6[%get3A_359, %get3A_360] {strides = array<i32>} : memref<4x512xi32, #tpu.memory_space<vmem>>, vector<1x16xi32>,
    %get3A_362 = vector.shape_cast %get3A_361 : vector<1x16xi32> to vector<16xi32>
    %get3A_363 = arith.constant 0 : i32
    %get3A_364 = arith.index_cast %get3A_363 : i32 to index
    %get3A_365 = arith.constant 304 : index
    %get3A_366 = tpu.vector_load %arg7[%get3A_364, %get3A_365] {strides = array<i32>} : memref<4x512xi32, #tpu.memory_space<vmem>>, vector<1x16xi32>,
    %get3A_367 = vector.shape_cast %get3A_366 : vector<1x16xi32> to vector<16xi32>
    %eq3A_368 = arith.cmpi eq, %get3A_362, %get3A_367 : vector<16xi32>
    %select_n3A_369 = arith.select %eq3A_368, %get3A_18, %get3A_362 : vector<16xi1>, vector<16xi32>
    %swap3A_370 = arith.constant 0 : i32
    %swap3A_371 = arith.index_cast %swap3A_370 : i32 to index
    %swap3A_372 = arith.constant 304 : index
    %swap3A_373 = tpu.vector_load %arg6[%swap3A_371, %swap3A_372] {strides = array<i32>} : memref<4x512xi32, #tpu.memory_space<vmem>>, vector<1x16xi32>,
    %swap3A_374 = vector.shape_cast %swap3A_373 : vector<1x16xi32> to vector<16xi32>
    %swap3A_375 = vector.shape_cast %select_n3A_369 : vector<16xi32> to vector<1x16xi32>
    tpu.vector_store %arg6[%swap3A_371, %swap3A_372], %swap3A_375 {strides = array<i32>} : memref<4x512xi32, #tpu.memory_space<vmem>>, vector<1x16xi32>,
    %get3A_376 = arith.constant 0 : i32
    %get3A_377 = arith.index_cast %get3A_376 : i32 to index
    %get3A_378 = arith.constant 320 : index
    %get3A_379 = tpu.vector_load %arg6[%get3A_377, %get3A_378] {strides = array<i32>} : memref<4x512xi32, #tpu.memory_space<vmem>>, vector<1x16xi32>,
    %get3A_380 = vector.shape_cast %get3A_379 : vector<1x16xi32> to vector<16xi32>
    %get3A_381 = arith.constant 0 : i32
    %get3A_382 = arith.index_cast %get3A_381 : i32 to index
    %get3A_383 = arith.constant 320 : index
    %get3A_384 = tpu.vector_load %arg7[%get3A_382, %get3A_383] {strides = array<i32>} : memref<4x512xi32, #tpu.memory_space<vmem>>, vector<1x16xi32>,
    %get3A_385 = vector.shape_cast %get3A_384 : vector<1x16xi32> to vector<16xi32>
    %eq3A_386 = arith.cmpi eq, %get3A_380, %get3A_385 : vector<16xi32>
    %select_n3A_387 = arith.select %eq3A_386, %get3A_18, %get3A_380 : vector<16xi1>, vector<16xi32>
    %swap3A_388 = arith.constant 0 : i32
    %swap3A_389 = arith.index_cast %swap3A_388 : i32 to index
    %swap3A_390 = arith.constant 320 : index
    %swap3A_391 = tpu.vector_load %arg6[%swap3A_389, %swap3A_390] {strides = array<i32>} : memref<4x512xi32, #tpu.memory_space<vmem>>, vector<1x16xi32>,
    %swap3A_392 = vector.shape_cast %swap3A_391 : vector<1x16xi32> to vector<16xi32>
    %swap3A_393 = vector.shape_cast %select_n3A_387 : vector<16xi32> to vector<1x16xi32>
    tpu.vector_store %arg6[%swap3A_389, %swap3A_390], %swap3A_393 {strides = array<i32>} : memref<4x512xi32, #tpu.memory_space<vmem>>, vector<1x16xi32>,
    %get3A_394 = arith.constant 0 : i32
    %get3A_395 = arith.index_cast %get3A_394 : i32 to index
    %get3A_396 = arith.constant 336 : index
    %get3A_397 = tpu.vector_load %arg6[%get3A_395, %get3A_396] {strides = array<i32>} : memref<4x512xi32, #tpu.memory_space<vmem>>, vector<1x16xi32>,
    %get3A_398 = vector.shape_cast %get3A_397 : vector<1x16xi32> to vector<16xi32>
    %get3A_399 = arith.constant 0 : i32
    %get3A_400 = arith.index_cast %get3A_399 : i32 to index
    %get3A_401 = arith.constant 336 : index
    %get3A_402 = tpu.vector_load %arg7[%get3A_400, %get3A_401] {strides = array<i32>} : memref<4x512xi32, #tpu.memory_space<vmem>>, vector<1x16xi32>,
    %get3A_403 = vector.shape_cast %get3A_402 : vector<1x16xi32> to vector<16xi32>
    %eq3A_404 = arith.cmpi eq, %get3A_398, %get3A_403 : vector<16xi32>
    %select_n3A_405 = arith.select %eq3A_404, %get3A_18, %get3A_398 : vector<16xi1>, vector<16xi32>
    %swap3A_406 = arith.constant 0 : i32
    %swap3A_407 = arith.index_cast %swap3A_406 : i32 to index
    %swap3A_408 = arith.constant 336 : index
    %swap3A_409 = tpu.vector_load %arg6[%swap3A_407, %swap3A_408] {strides = array<i32>} : memref<4x512xi32, #tpu.memory_space<vmem>>, vector<1x16xi32>,
    %swap3A_410 = vector.shape_cast %swap3A_409 : vector<1x16xi32> to vector<16xi32>
    %swap3A_411 = vector.shape_cast %select_n3A_405 : vector<16xi32> to vector<1x16xi32>
    tpu.vector_store %arg6[%swap3A_407, %swap3A_408], %swap3A_411 {strides = array<i32>} : memref<4x512xi32, #tpu.memory_space<vmem>>, vector<1x16xi32>,
    %get3A_412 = arith.constant 0 : i32
    %get3A_413 = arith.index_cast %get3A_412 : i32 to index
    %get3A_414 = arith.constant 352 : index
    %get3A_415 = tpu.vector_load %arg6[%get3A_413, %get3A_414] {strides = array<i32>} : memref<4x512xi32, #tpu.memory_space<vmem>>, vector<1x16xi32>,
    %get3A_416 = vector.shape_cast %get3A_415 : vector<1x16xi32> to vector<16xi32>
    %get3A_417 = arith.constant 0 : i32
    %get3A_418 = arith.index_cast %get3A_417 : i32 to index
    %get3A_419 = arith.constant 352 : index
    %get3A_420 = tpu.vector_load %arg7[%get3A_418, %get3A_419] {strides = array<i32>} : memref<4x512xi32, #tpu.memory_space<vmem>>, vector<1x16xi32>,
    %get3A_421 = vector.shape_cast %get3A_420 : vector<1x16xi32> to vector<16xi32>
    %eq3A_422 = arith.cmpi eq, %get3A_416, %get3A_421 : vector<16xi32>
    %select_n3A_423 = arith.select %eq3A_422, %get3A_18, %get3A_416 : vector<16xi1>, vector<16xi32>
    %swap3A_424 = arith.constant 0 : i32
    %swap3A_425 = arith.index_cast %swap3A_424 : i32 to index
    %swap3A_426 = arith.constant 352 : index
    %swap3A_427 = tpu.vector_load %arg6[%swap3A_425, %swap3A_426] {strides = array<i32>} : memref<4x512xi32, #tpu.memory_space<vmem>>, vector<1x16xi32>,
    %swap3A_428 = vector.shape_cast %swap3A_427 : vector<1x16xi32> to vector<16xi32>
    %swap3A_429 = vector.shape_cast %select_n3A_423 : vector<16xi32> to vector<1x16xi32>
    tpu.vector_store %arg6[%swap3A_425, %swap3A_426], %swap3A_429 {strides = array<i32>} : memref<4x512xi32, #tpu.memory_space<vmem>>, vector<1x16xi32>,
    %get3A_430 = arith.constant 0 : i32
    %get3A_431 = arith.index_cast %get3A_430 : i32 to index
    %get3A_432 = arith.constant 368 : index
    %get3A_433 = tpu.vector_load %arg6[%get3A_431, %get3A_432] {strides = array<i32>} : memref<4x512xi32, #tpu.memory_space<vmem>>, vector<1x16xi32>,
    %get3A_434 = vector.shape_cast %get3A_433 : vector<1x16xi32> to vector<16xi32>
    %get3A_435 = arith.constant 0 : i32
    %get3A_436 = arith.index_cast %get3A_435 : i32 to index
    %get3A_437 = arith.constant 368 : index
    %get3A_438 = tpu.vector_load %arg7[%get3A_436, %get3A_437] {strides = array<i32>} : memref<4x512xi32, #tpu.memory_space<vmem>>, vector<1x16xi32>,
    %get3A_439 = vector.shape_cast %get3A_438 : vector<1x16xi32> to vector<16xi32>
    %eq3A_440 = arith.cmpi eq, %get3A_434, %get3A_439 : vector<16xi32>
    %select_n3A_441 = arith.select %eq3A_440, %get3A_18, %get3A_434 : vector<16xi1>, vector<16xi32>
    %swap3A_442 = arith.constant 0 : i32
    %swap3A_443 = arith.index_cast %swap3A_442 : i32 to index
    %swap3A_444 = arith.constant 368 : index
    %swap3A_445 = tpu.vector_load %arg6[%swap3A_443, %swap3A_444] {strides = array<i32>} : memref<4x512xi32, #tpu.memory_space<vmem>>, vector<1x16xi32>,
    %swap3A_446 = vector.shape_cast %swap3A_445 : vector<1x16xi32> to vector<16xi32>
    %swap3A_447 = vector.shape_cast %select_n3A_441 : vector<16xi32> to vector<1x16xi32>
    tpu.vector_store %arg6[%swap3A_443, %swap3A_444], %swap3A_447 {strides = array<i32>} : memref<4x512xi32, #tpu.memory_space<vmem>>, vector<1x16xi32>,
    %get3A_448 = arith.constant 0 : i32
    %get3A_449 = arith.index_cast %get3A_448 : i32 to index
    %get3A_450 = arith.constant 384 : index
    %get3A_451 = tpu.vector_load %arg6[%get3A_449, %get3A_450] {strides = array<i32>} : memref<4x512xi32, #tpu.memory_space<vmem>>, vector<1x16xi32>,
    %get3A_452 = vector.shape_cast %get3A_451 : vector<1x16xi32> to vector<16xi32>
    %get3A_453 = arith.constant 0 : i32
    %get3A_454 = arith.index_cast %get3A_453 : i32 to index
    %get3A_455 = arith.constant 384 : index
    %get3A_456 = tpu.vector_load %arg7[%get3A_454, %get3A_455] {strides = array<i32>} : memref<4x512xi32, #tpu.memory_space<vmem>>, vector<1x16xi32>,
    %get3A_457 = vector.shape_cast %get3A_456 : vector<1x16xi32> to vector<16xi32>
    %eq3A_458 = arith.cmpi eq, %get3A_452, %get3A_457 : vector<16xi32>
    %select_n3A_459 = arith.select %eq3A_458, %get3A_18, %get3A_452 : vector<16xi1>, vector<16xi32>
    %swap3A_460 = arith.constant 0 : i32
    %swap3A_461 = arith.index_cast %swap3A_460 : i32 to index
    %swap3A_462 = arith.constant 384 : index
    %swap3A_463 = tpu.vector_load %arg6[%swap3A_461, %swap3A_462] {strides = array<i32>} : memref<4x512xi32, #tpu.memory_space<vmem>>, vector<1x16xi32>,
    %swap3A_464 = vector.shape_cast %swap3A_463 : vector<1x16xi32> to vector<16xi32>
    %swap3A_465 = vector.shape_cast %select_n3A_459 : vector<16xi32> to vector<1x16xi32>
    tpu.vector_store %arg6[%swap3A_461, %swap3A_462], %swap3A_465 {strides = array<i32>} : memref<4x512xi32, #tpu.memory_space<vmem>>, vector<1x16xi32>,
    %get3A_466 = arith.constant 0 : i32
    %get3A_467 = arith.index_cast %get3A_466 : i32 to index
    %get3A_468 = arith.constant 400 : index
    %get3A_469 = tpu.vector_load %arg6[%get3A_467, %get3A_468] {strides = array<i32>} : memref<4x512xi32, #tpu.memory_space<vmem>>, vector<1x16xi32>,
    %get3A_470 = vector.shape_cast %get3A_469 : vector<1x16xi32> to vector<16xi32>
    %get3A_471 = arith.constant 0 : i32
    %get3A_472 = arith.index_cast %get3A_471 : i32 to index
    %get3A_473 = arith.constant 400 : index
    %get3A_474 = tpu.vector_load %arg7[%get3A_472, %get3A_473] {strides = array<i32>} : memref<4x512xi32, #tpu.memory_space<vmem>>, vector<1x16xi32>,
    %get3A_475 = vector.shape_cast %get3A_474 : vector<1x16xi32> to vector<16xi32>
    %eq3A_476 = arith.cmpi eq, %get3A_470, %get3A_475 : vector<16xi32>
    %select_n3A_477 = arith.select %eq3A_476, %get3A_18, %get3A_470 : vector<16xi1>, vector<16xi32>
    %swap3A_478 = arith.constant 0 : i32
    %swap3A_479 = arith.index_cast %swap3A_478 : i32 to index
    %swap3A_480 = arith.constant 400 : index
    %swap3A_481 = tpu.vector_load %arg6[%swap3A_479, %swap3A_480] {strides = array<i32>} : memref<4x512xi32, #tpu.memory_space<vmem>>, vector<1x16xi32>,
    %swap3A_482 = vector.shape_cast %swap3A_481 : vector<1x16xi32> to vector<16xi32>
    %swap3A_483 = vector.shape_cast %select_n3A_477 : vector<16xi32> to vector<1x16xi32>
    tpu.vector_store %arg6[%swap3A_479, %swap3A_480], %swap3A_483 {strides = array<i32>} : memref<4x512xi32, #tpu.memory_space<vmem>>, vector<1x16xi32>,
    %get3A_484 = arith.constant 0 : i32
    %get3A_485 = arith.index_cast %get3A_484 : i32 to index
    %get3A_486 = arith.constant 416 : index
    %get3A_487 = tpu.vector_load %arg6[%get3A_485, %get3A_486] {strides = array<i32>} : memref<4x512xi32, #tpu.memory_space<vmem>>, vector<1x16xi32>,
    %get3A_488 = vector.shape_cast %get3A_487 : vector<1x16xi32> to vector<16xi32>
    %get3A_489 = arith.constant 0 : i32
    %get3A_490 = arith.index_cast %get3A_489 : i32 to index
    %get3A_491 = arith.constant 416 : index
    %get3A_492 = tpu.vector_load %arg7[%get3A_490, %get3A_491] {strides = array<i32>} : memref<4x512xi32, #tpu.memory_space<vmem>>, vector<1x16xi32>,
    %get3A_493 = vector.shape_cast %get3A_492 : vector<1x16xi32> to vector<16xi32>
    %eq3A_494 = arith.cmpi eq, %get3A_488, %get3A_493 : vector<16xi32>
    %select_n3A_495 = arith.select %eq3A_494, %get3A_18, %get3A_488 : vector<16xi1>, vector<16xi32>
    %swap3A_496 = arith.constant 0 : i32
    %swap3A_497 = arith.index_cast %swap3A_496 : i32 to index
    %swap3A_498 = arith.constant 416 : index
    %swap3A_499 = tpu.vector_load %arg6[%swap3A_497, %swap3A_498] {strides = array<i32>} : memref<4x512xi32, #tpu.memory_space<vmem>>, vector<1x16xi32>,
    %swap3A_500 = vector.shape_cast %swap3A_499 : vector<1x16xi32> to vector<16xi32>
    %swap3A_501 = vector.shape_cast %select_n3A_495 : vector<16xi32> to vector<1x16xi32>
    tpu.vector_store %arg6[%swap3A_497, %swap3A_498], %swap3A_501 {strides = array<i32>} : memref<4x512xi32, #tpu.memory_space<vmem>>, vector<1x16xi32>,
    %get3A_502 = arith.constant 0 : i32
    %get3A_503 = arith.index_cast %get3A_502 : i32 to index
    %get3A_504 = arith.constant 432 : index
    %get3A_505 = tpu.vector_load %arg6[%get3A_503, %get3A_504] {strides = array<i32>} : memref<4x512xi32, #tpu.memory_space<vmem>>, vector<1x16xi32>,
    %get3A_506 = vector.shape_cast %get3A_505 : vector<1x16xi32> to vector<16xi32>
    %get3A_507 = arith.constant 0 : i32
    %get3A_508 = arith.index_cast %get3A_507 : i32 to index
    %get3A_509 = arith.constant 432 : index
    %get3A_510 = tpu.vector_load %arg7[%get3A_508, %get3A_509] {strides = array<i32>} : memref<4x512xi32, #tpu.memory_space<vmem>>, vector<1x16xi32>,
    %get3A_511 = vector.shape_cast %get3A_510 : vector<1x16xi32> to vector<16xi32>
    %eq3A_512 = arith.cmpi eq, %get3A_506, %get3A_511 : vector<16xi32>
    %select_n3A_513 = arith.select %eq3A_512, %get3A_18, %get3A_506 : vector<16xi1>, vector<16xi32>
    %swap3A_514 = arith.constant 0 : i32
    %swap3A_515 = arith.index_cast %swap3A_514 : i32 to index
    %swap3A_516 = arith.constant 432 : index
    %swap3A_517 = tpu.vector_load %arg6[%swap3A_515, %swap3A_516] {strides = array<i32>} : memref<4x512xi32, #tpu.memory_space<vmem>>, vector<1x16xi32>,
    %swap3A_518 = vector.shape_cast %swap3A_517 : vector<1x16xi32> to vector<16xi32>
    %swap3A_519 = vector.shape_cast %select_n3A_513 : vector<16xi32> to vector<1x16xi32>
    tpu.vector_store %arg6[%swap3A_515, %swap3A_516], %swap3A_519 {strides = array<i32>} : memref<4x512xi32, #tpu.memory_space<vmem>>, vector<1x16xi32>,
    %get3A_520 = arith.constant 0 : i32
    %get3A_521 = arith.index_cast %get3A_520 : i32 to index
    %get3A_522 = arith.constant 448 : index
    %get3A_523 = tpu.vector_load %arg6[%get3A_521, %get3A_522] {strides = array<i32>} : memref<4x512xi32, #tpu.memory_space<vmem>>, vector<1x16xi32>,
    %get3A_524 = vector.shape_cast %get3A_523 : vector<1x16xi32> to vector<16xi32>
    %get3A_525 = arith.constant 0 : i32
    %get3A_526 = arith.index_cast %get3A_525 : i32 to index
    %get3A_527 = arith.constant 448 : index
    %get3A_528 = tpu.vector_load %arg7[%get3A_526, %get3A_527] {strides = array<i32>} : memref<4x512xi32, #tpu.memory_space<vmem>>, vector<1x16xi32>,
    %get3A_529 = vector.shape_cast %get3A_528 : vector<1x16xi32> to vector<16xi32>
    %eq3A_530 = arith.cmpi eq, %get3A_524, %get3A_529 : vector<16xi32>
    %select_n3A_531 = arith.select %eq3A_530, %get3A_18, %get3A_524 : vector<16xi1>, vector<16xi32>
    %swap3A_532 = arith.constant 0 : i32
    %swap3A_533 = arith.index_cast %swap3A_532 : i32 to index
    %swap3A_534 = arith.constant 448 : index
    %swap3A_535 = tpu.vector_load %arg6[%swap3A_533, %swap3A_534] {strides = array<i32>} : memref<4x512xi32, #tpu.memory_space<vmem>>, vector<1x16xi32>,
    %swap3A_536 = vector.shape_cast %swap3A_535 : vector<1x16xi32> to vector<16xi32>
    %swap3A_537 = vector.shape_cast %select_n3A_531 : vector<16xi32> to vector<1x16xi32>
    tpu.vector_store %arg6[%swap3A_533, %swap3A_534], %swap3A_537 {strides = array<i32>} : memref<4x512xi32, #tpu.memory_space<vmem>>, vector<1x16xi32>,
    %get3A_538 = arith.constant 0 : i32
    %get3A_539 = arith.index_cast %get3A_538 : i32 to index
    %get3A_540 = arith.constant 464 : index
    %get3A_541 = tpu.vector_load %arg6[%get3A_539, %get3A_540] {strides = array<i32>} : memref<4x512xi32, #tpu.memory_space<vmem>>, vector<1x16xi32>,
    %get3A_542 = vector.shape_cast %get3A_541 : vector<1x16xi32> to vector<16xi32>
    %get3A_543 = arith.constant 0 : i32
    %get3A_544 = arith.index_cast %get3A_543 : i32 to index
    %get3A_545 = arith.constant 464 : index
    %get3A_546 = tpu.vector_load %arg7[%get3A_544, %get3A_545] {strides = array<i32>} : memref<4x512xi32, #tpu.memory_space<vmem>>, vector<1x16xi32>,
    %get3A_547 = vector.shape_cast %get3A_546 : vector<1x16xi32> to vector<16xi32>
    %eq3A_548 = arith.cmpi eq, %get3A_542, %get3A_547 : vector<16xi32>
    %select_n3A_549 = arith.select %eq3A_548, %get3A_18, %get3A_542 : vector<16xi1>, vector<16xi32>
    %swap3A_550 = arith.constant 0 : i32
    %swap3A_551 = arith.index_cast %swap3A_550 : i32 to index
    %swap3A_552 = arith.constant 464 : index
    %swap3A_553 = tpu.vector_load %arg6[%swap3A_551, %swap3A_552] {strides = array<i32>} : memref<4x512xi32, #tpu.memory_space<vmem>>, vector<1x16xi32>,
    %swap3A_554 = vector.shape_cast %swap3A_553 : vector<1x16xi32> to vector<16xi32>
    %swap3A_555 = vector.shape_cast %select_n3A_549 : vector<16xi32> to vector<1x16xi32>
    tpu.vector_store %arg6[%swap3A_551, %swap3A_552], %swap3A_555 {strides = array<i32>} : memref<4x512xi32, #tpu.memory_space<vmem>>, vector<1x16xi32>,
    %get3A_556 = arith.constant 0 : i32
    %get3A_557 = arith.index_cast %get3A_556 : i32 to index
    %get3A_558 = arith.constant 480 : index
    %get3A_559 = tpu.vector_load %arg6[%get3A_557, %get3A_558] {strides = array<i32>} : memref<4x512xi32, #tpu.memory_space<vmem>>, vector<1x16xi32>,
    %get3A_560 = vector.shape_cast %get3A_559 : vector<1x16xi32> to vector<16xi32>
    %get3A_561 = arith.constant 0 : i32
    %get3A_562 = arith.index_cast %get3A_561 : i32 to index
    %get3A_563 = arith.constant 480 : index
    %get3A_564 = tpu.vector_load %arg7[%get3A_562, %get3A_563] {strides = array<i32>} : memref<4x512xi32, #tpu.memory_space<vmem>>, vector<1x16xi32>,
    %get3A_565 = vector.shape_cast %get3A_564 : vector<1x16xi32> to vector<16xi32>
    %eq3A_566 = arith.cmpi eq, %get3A_560, %get3A_565 : vector<16xi32>
    %select_n3A_567 = arith.select %eq3A_566, %get3A_18, %get3A_560 : vector<16xi1>, vector<16xi32>
    %swap3A_568 = arith.constant 0 : i32
    %swap3A_569 = arith.index_cast %swap3A_568 : i32 to index
    %swap3A_570 = arith.constant 480 : index
    %swap3A_571 = tpu.vector_load %arg6[%swap3A_569, %swap3A_570] {strides = array<i32>} : memref<4x512xi32, #tpu.memory_space<vmem>>, vector<1x16xi32>,
    %swap3A_572 = vector.shape_cast %swap3A_571 : vector<1x16xi32> to vector<16xi32>
    %swap3A_573 = vector.shape_cast %select_n3A_567 : vector<16xi32> to vector<1x16xi32>
    tpu.vector_store %arg6[%swap3A_569, %swap3A_570], %swap3A_573 {strides = array<i32>} : memref<4x512xi32, #tpu.memory_space<vmem>>, vector<1x16xi32>,
    %get3A_574 = arith.constant 0 : i32
    %get3A_575 = arith.index_cast %get3A_574 : i32 to index
    %get3A_576 = arith.constant 496 : index
    %get3A_577 = tpu.vector_load %arg6[%get3A_575, %get3A_576] {strides = array<i32>} : memref<4x512xi32, #tpu.memory_space<vmem>>, vector<1x16xi32>,
    %get3A_578 = vector.shape_cast %get3A_577 : vector<1x16xi32> to vector<16xi32>
    %get3A_579 = arith.constant 0 : i32
    %get3A_580 = arith.index_cast %get3A_579 : i32 to index
    %get3A_581 = arith.constant 496 : index
    %get3A_582 = tpu.vector_load %arg7[%get3A_580, %get3A_581] {strides = array<i32>} : memref<4x512xi32, #tpu.memory_space<vmem>>, vector<1x16xi32>,
    %get3A_583 = vector.shape_cast %get3A_582 : vector<1x16xi32> to vector<16xi32>
    %eq3A_584 = arith.cmpi eq, %get3A_578, %get3A_583 : vector<16xi32>
    %select_n3A_585 = arith.select %eq3A_584, %get3A_18, %get3A_578 : vector<16xi1>, vector<16xi32>
    %swap3A_586 = arith.constant 0 : i32
    %swap3A_587 = arith.index_cast %swap3A_586 : i32 to index
    %swap3A_588 = arith.constant 496 : index
    %swap3A_589 = tpu.vector_load %arg6[%swap3A_587, %swap3A_588] {strides = array<i32>} : memref<4x512xi32, #tpu.memory_space<vmem>>, vector<1x16xi32>,
    %swap3A_590 = vector.shape_cast %swap3A_589 : vector<1x16xi32> to vector<16xi32>
    %swap3A_591 = vector.shape_cast %select_n3A_585 : vector<16xi32> to vector<1x16xi32>
    tpu.vector_store %arg6[%swap3A_587, %swap3A_588], %swap3A_591 {strides = array<i32>} : memref<4x512xi32, #tpu.memory_space<vmem>>, vector<1x16xi32>,
    %get3A_592 = arith.constant 1 : i32
    %get3A_593 = arith.index_cast %get3A_592 : i32 to index
    %get3A_594 = arith.constant 0 : index
    %get3A_595 = tpu.vector_load %arg6[%get3A_593, %get3A_594] {strides = array<i32>} : memref<4x512xi32, #tpu.memory_space<vmem>>, vector<1x16xi32>,
    %get3A_596 = vector.shape_cast %get3A_595 : vector<1x16xi32> to vector<16xi32>
    %get3A_597 = arith.constant 1 : i32
    %get3A_598 = arith.index_cast %get3A_597 : i32 to index
    %get3A_599 = arith.constant 0 : index
    %get3A_600 = tpu.vector_load %arg7[%get3A_598, %get3A_599] {strides = array<i32>} : memref<4x512xi32, #tpu.memory_space<vmem>>, vector<1x16xi32>,
    %get3A_601 = vector.shape_cast %get3A_600 : vector<1x16xi32> to vector<16xi32>
    %eq3A_602 = arith.cmpi eq, %get3A_596, %get3A_601 : vector<16xi32>
    %select_n3A_603 = arith.select %eq3A_602, %get3A_18, %get3A_596 : vector<16xi1>, vector<16xi32>
    %swap3A_604 = arith.constant 1 : i32
    %swap3A_605 = arith.index_cast %swap3A_604 : i32 to index
    %swap3A_606 = arith.constant 0 : index
    %swap3A_607 = tpu.vector_load %arg6[%swap3A_605, %swap3A_606] {strides = array<i32>} : memref<4x512xi32, #tpu.memory_space<vmem>>, vector<1x16xi32>,
    %swap3A_608 = vector.shape_cast %swap3A_607 : vector<1x16xi32> to vector<16xi32>
    %swap3A_609 = vector.shape_cast %select_n3A_603 : vector<16xi32> to vector<1x16xi32>
    tpu.vector_store %arg6[%swap3A_605, %swap3A_606], %swap3A_609 {strides = array<i32>} : memref<4x512xi32, #tpu.memory_space<vmem>>, vector<1x16xi32>,
    %get3A_610 = arith.constant 1 : i32
    %get3A_611 = arith.index_cast %get3A_610 : i32 to index
    %get3A_612 = arith.constant 16 : index
    %get3A_613 = tpu.vector_load %arg6[%get3A_611, %get3A_612] {strides = array<i32>} : memref<4x512xi32, #tpu.memory_space<vmem>>, vector<1x16xi32>,
    %get3A_614 = vector.shape_cast %get3A_613 : vector<1x16xi32> to vector<16xi32>
    %get3A_615 = arith.constant 1 : i32
    %get3A_616 = arith.index_cast %get3A_615 : i32 to index
    %get3A_617 = arith.constant 16 : index
    %get3A_618 = tpu.vector_load %arg7[%get3A_616, %get3A_617] {strides = array<i32>} : memref<4x512xi32, #tpu.memory_space<vmem>>, vector<1x16xi32>,
    %get3A_619 = vector.shape_cast %get3A_618 : vector<1x16xi32> to vector<16xi32>
    %eq3A_620 = arith.cmpi eq, %get3A_614, %get3A_619 : vector<16xi32>
    %select_n3A_621 = arith.select %eq3A_620, %get3A_18, %get3A_614 : vector<16xi1>, vector<16xi32>
    %swap3A_622 = arith.constant 1 : i32
    %swap3A_623 = arith.index_cast %swap3A_622 : i32 to index
    %swap3A_624 = arith.constant 16 : index
    %swap3A_625 = tpu.vector_load %arg6[%swap3A_623, %swap3A_624] {strides = array<i32>} : memref<4x512xi32, #tpu.memory_space<vmem>>, vector<1x16xi32>,
    %swap3A_626 = vector.shape_cast %swap3A_625 : vector<1x16xi32> to vector<16xi32>
    %swap3A_627 = vector.shape_cast %select_n3A_621 : vector<16xi32> to vector<1x16xi32>
    tpu.vector_store %arg6[%swap3A_623, %swap3A_624], %swap3A_627 {strides = array<i32>} : memref<4x512xi32, #tpu.memory_space<vmem>>, vector<1x16xi32>,
    %get3A_628 = arith.constant 1 : i32
    %get3A_629 = arith.index_cast %get3A_628 : i32 to index
    %get3A_630 = arith.constant 32 : index
    %get3A_631 = tpu.vector_load %arg6[%get3A_629, %get3A_630] {strides = array<i32>} : memref<4x512xi32, #tpu.memory_space<vmem>>, vector<1x16xi32>,
    %get3A_632 = vector.shape_cast %get3A_631 : vector<1x16xi32> to vector<16xi32>
    %get3A_633 = arith.constant 1 : i32
    %get3A_634 = arith.index_cast %get3A_633 : i32 to index
    %get3A_635 = arith.constant 32 : index
    %get3A_636 = tpu.vector_load %arg7[%get3A_634, %get3A_635] {strides = array<i32>} : memref<4x512xi32, #tpu.memory_space<vmem>>, vector<1x16xi32>,
    %get3A_637 = vector.shape_cast %get3A_636 : vector<1x16xi32> to vector<16xi32>
    %eq3A_638 = arith.cmpi eq, %get3A_632, %get3A_637 : vector<16xi32>
    %select_n3A_639 = arith.select %eq3A_638, %get3A_18, %get3A_632 : vector<16xi1>, vector<16xi32>
    %swap3A_640 = arith.constant 1 : i32
    %swap3A_641 = arith.index_cast %swap3A_640 : i32 to index
    %swap3A_642 = arith.constant 32 : index
    %swap3A_643 = tpu.vector_load %arg6[%swap3A_641, %swap3A_642] {strides = array<i32>} : memref<4x512xi32, #tpu.memory_space<vmem>>, vector<1x16xi32>,
    %swap3A_644 = vector.shape_cast %swap3A_643 : vector<1x16xi32> to vector<16xi32>
    %swap3A_645 = vector.shape_cast %select_n3A_639 : vector<16xi32> to vector<1x16xi32>
    tpu.vector_store %arg6[%swap3A_641, %swap3A_642], %swap3A_645 {strides = array<i32>} : memref<4x512xi32, #tpu.memory_space<vmem>>, vector<1x16xi32>,
    %get3A_646 = arith.constant 1 : i32
    %get3A_647 = arith.index_cast %get3A_646 : i32 to index
    %get3A_648 = arith.constant 48 : index
    %get3A_649 = tpu.vector_load %arg6[%get3A_647, %get3A_648] {strides = array<i32>} : memref<4x512xi32, #tpu.memory_space<vmem>>, vector<1x16xi32>,
    %get3A_650 = vector.shape_cast %get3A_649 : vector<1x16xi32> to vector<16xi32>
    %get3A_651 = arith.constant 1 : i32
    %get3A_652 = arith.index_cast %get3A_651 : i32 to index
    %get3A_653 = arith.constant 48 : index
    %get3A_654 = tpu.vector_load %arg7[%get3A_652, %get3A_653] {strides = array<i32>} : memref<4x512xi32, #tpu.memory_space<vmem>>, vector<1x16xi32>,
    %get3A_655 = vector.shape_cast %get3A_654 : vector<1x16xi32> to vector<16xi32>
    %eq3A_656 = arith.cmpi eq, %get3A_650, %get3A_655 : vector<16xi32>
    %select_n3A_657 = arith.select %eq3A_656, %get3A_18, %get3A_650 : vector<16xi1>, vector<16xi32>
    %swap3A_658 = arith.constant 1 : i32
    %swap3A_659 = arith.index_cast %swap3A_658 : i32 to index
    %swap3A_660 = arith.constant 48 : index
    %swap3A_661 = tpu.vector_load %arg6[%swap3A_659, %swap3A_660] {strides = array<i32>} : memref<4x512xi32, #tpu.memory_space<vmem>>, vector<1x16xi32>,
    %swap3A_662 = vector.shape_cast %swap3A_661 : vector<1x16xi32> to vector<16xi32>
    %swap3A_663 = vector.shape_cast %select_n3A_657 : vector<16xi32> to vector<1x16xi32>
    tpu.vector_store %arg6[%swap3A_659, %swap3A_660], %swap3A_663 {strides = array<i32>} : memref<4x512xi32, #tpu.memory_space<vmem>>, vector<1x16xi32>,
    %get3A_664 = arith.constant 1 : i32
    %get3A_665 = arith.index_cast %get3A_664 : i32 to index
    %get3A_666 = arith.constant 64 : index
    %get3A_667 = tpu.vector_load %arg6[%get3A_665, %get3A_666] {strides = array<i32>} : memref<4x512xi32, #tpu.memory_space<vmem>>, vector<1x16xi32>,
    %get3A_668 = vector.shape_cast %get3A_667 : vector<1x16xi32> to vector<16xi32>
    %get3A_669 = arith.constant 1 : i32
    %get3A_670 = arith.index_cast %get3A_669 : i32 to index
    %get3A_671 = arith.constant 64 : index
    %get3A_672 = tpu.vector_load %arg7[%get3A_670, %get3A_671] {strides = array<i32>} : memref<4x512xi32, #tpu.memory_space<vmem>>, vector<1x16xi32>,
    %get3A_673 = vector.shape_cast %get3A_672 : vector<1x16xi32> to vector<16xi32>
    %eq3A_674 = arith.cmpi eq, %get3A_668, %get3A_673 : vector<16xi32>
    %select_n3A_675 = arith.select %eq3A_674, %get3A_18, %get3A_668 : vector<16xi1>, vector<16xi32>
    %swap3A_676 = arith.constant 1 : i32
    %swap3A_677 = arith.index_cast %swap3A_676 : i32 to index
    %swap3A_678 = arith.constant 64 : index
    %swap3A_679 = tpu.vector_load %arg6[%swap3A_677, %swap3A_678] {strides = array<i32>} : memref<4x512xi32, #tpu.memory_space<vmem>>, vector<1x16xi32>,
    %swap3A_680 = vector.shape_cast %swap3A_679 : vector<1x16xi32> to vector<16xi32>
    %swap3A_681 = vector.shape_cast %select_n3A_675 : vector<16xi32> to vector<1x16xi32>
    tpu.vector_store %arg6[%swap3A_677, %swap3A_678], %swap3A_681 {strides = array<i32>} : memref<4x512xi32, #tpu.memory_space<vmem>>, vector<1x16xi32>,
    %get3A_682 = arith.constant 1 : i32
    %get3A_683 = arith.index_cast %get3A_682 : i32 to index
    %get3A_684 = arith.constant 80 : index
    %get3A_685 = tpu.vector_load %arg6[%get3A_683, %get3A_684] {strides = array<i32>} : memref<4x512xi32, #tpu.memory_space<vmem>>, vector<1x16xi32>,
    %get3A_686 = vector.shape_cast %get3A_685 : vector<1x16xi32> to vector<16xi32>
    %get3A_687 = arith.constant 1 : i32
    %get3A_688 = arith.index_cast %get3A_687 : i32 to index
    %get3A_689 = arith.constant 80 : index
    %get3A_690 = tpu.vector_load %arg7[%get3A_688, %get3A_689] {strides = array<i32>} : memref<4x512xi32, #tpu.memory_space<vmem>>, vector<1x16xi32>,
    %get3A_691 = vector.shape_cast %get3A_690 : vector<1x16xi32> to vector<16xi32>
    %eq3A_692 = arith.cmpi eq, %get3A_686, %get3A_691 : vector<16xi32>
    %select_n3A_693 = arith.select %eq3A_692, %get3A_18, %get3A_686 : vector<16xi1>, vector<16xi32>
    %swap3A_694 = arith.constant 1 : i32
    %swap3A_695 = arith.index_cast %swap3A_694 : i32 to index
    %swap3A_696 = arith.constant 80 : index
    %swap3A_697 = tpu.vector_load %arg6[%swap3A_695, %swap3A_696] {strides = array<i32>} : memref<4x512xi32, #tpu.memory_space<vmem>>, vector<1x16xi32>,
    %swap3A_698 = vector.shape_cast %swap3A_697 : vector<1x16xi32> to vector<16xi32>
    %swap3A_699 = vector.shape_cast %select_n3A_693 : vector<16xi32> to vector<1x16xi32>
    tpu.vector_store %arg6[%swap3A_695, %swap3A_696], %swap3A_699 {strides = array<i32>} : memref<4x512xi32, #tpu.memory_space<vmem>>, vector<1x16xi32>,
    %get3A_700 = arith.constant 1 : i32
    %get3A_701 = arith.index_cast %get3A_700 : i32 to index
    %get3A_702 = arith.constant 96 : index
    %get3A_703 = tpu.vector_load %arg6[%get3A_701, %get3A_702] {strides = array<i32>} : memref<4x512xi32, #tpu.memory_space<vmem>>, vector<1x16xi32>,
    %get3A_704 = vector.shape_cast %get3A_703 : vector<1x16xi32> to vector<16xi32>
    %get3A_705 = arith.constant 1 : i32
    %get3A_706 = arith.index_cast %get3A_705 : i32 to index
    %get3A_707 = arith.constant 96 : index
    %get3A_708 = tpu.vector_load %arg7[%get3A_706, %get3A_707] {strides = array<i32>} : memref<4x512xi32, #tpu.memory_space<vmem>>, vector<1x16xi32>,
    %get3A_709 = vector.shape_cast %get3A_708 : vector<1x16xi32> to vector<16xi32>
    %eq3A_710 = arith.cmpi eq, %get3A_704, %get3A_709 : vector<16xi32>
    %select_n3A_711 = arith.select %eq3A_710, %get3A_18, %get3A_704 : vector<16xi1>, vector<16xi32>
    %swap3A_712 = arith.constant 1 : i32
    %swap3A_713 = arith.index_cast %swap3A_712 : i32 to index
    %swap3A_714 = arith.constant 96 : index
    %swap3A_715 = tpu.vector_load %arg6[%swap3A_713, %swap3A_714] {strides = array<i32>} : memref<4x512xi32, #tpu.memory_space<vmem>>, vector<1x16xi32>,
    %swap3A_716 = vector.shape_cast %swap3A_715 : vector<1x16xi32> to vector<16xi32>
    %swap3A_717 = vector.shape_cast %select_n3A_711 : vector<16xi32> to vector<1x16xi32>
    tpu.vector_store %arg6[%swap3A_713, %swap3A_714], %swap3A_717 {strides = array<i32>} : memref<4x512xi32, #tpu.memory_space<vmem>>, vector<1x16xi32>,
    %get3A_718 = arith.constant 1 : i32
    %get3A_719 = arith.index_cast %get3A_718 : i32 to index
    %get3A_720 = arith.constant 112 : index
    %get3A_721 = tpu.vector_load %arg6[%get3A_719, %get3A_720] {strides = array<i32>} : memref<4x512xi32, #tpu.memory_space<vmem>>, vector<1x16xi32>,
    %get3A_722 = vector.shape_cast %get3A_721 : vector<1x16xi32> to vector<16xi32>
    %get3A_723 = arith.constant 1 : i32
    %get3A_724 = arith.index_cast %get3A_723 : i32 to index
    %get3A_725 = arith.constant 112 : index
    %get3A_726 = tpu.vector_load %arg7[%get3A_724, %get3A_725] {strides = array<i32>} : memref<4x512xi32, #tpu.memory_space<vmem>>, vector<1x16xi32>,
    %get3A_727 = vector.shape_cast %get3A_726 : vector<1x16xi32> to vector<16xi32>
    %eq3A_728 = arith.cmpi eq, %get3A_722, %get3A_727 : vector<16xi32>
    %select_n3A_729 = arith.select %eq3A_728, %get3A_18, %get3A_722 : vector<16xi1>, vector<16xi32>
    %swap3A_730 = arith.constant 1 : i32
    %swap3A_731 = arith.index_cast %swap3A_730 : i32 to index
    %swap3A_732 = arith.constant 112 : index
    %swap3A_733 = tpu.vector_load %arg6[%swap3A_731, %swap3A_732] {strides = array<i32>} : memref<4x512xi32, #tpu.memory_space<vmem>>, vector<1x16xi32>,
    %swap3A_734 = vector.shape_cast %swap3A_733 : vector<1x16xi32> to vector<16xi32>
    %swap3A_735 = vector.shape_cast %select_n3A_729 : vector<16xi32> to vector<1x16xi32>
    tpu.vector_store %arg6[%swap3A_731, %swap3A_732], %swap3A_735 {strides = array<i32>} : memref<4x512xi32, #tpu.memory_space<vmem>>, vector<1x16xi32>,
    %get3A_736 = arith.constant 1 : i32
    %get3A_737 = arith.index_cast %get3A_736 : i32 to index
    %get3A_738 = arith.constant 128 : index
    %get3A_739 = tpu.vector_load %arg6[%get3A_737, %get3A_738] {strides = array<i32>} : memref<4x512xi32, #tpu.memory_space<vmem>>, vector<1x16xi32>,
    %get3A_740 = vector.shape_cast %get3A_739 : vector<1x16xi32> to vector<16xi32>
    %get3A_741 = arith.constant 1 : i32
    %get3A_742 = arith.index_cast %get3A_741 : i32 to index
    %get3A_743 = arith.constant 128 : index
    %get3A_744 = tpu.vector_load %arg7[%get3A_742, %get3A_743] {strides = array<i32>} : memref<4x512xi32, #tpu.memory_space<vmem>>, vector<1x16xi32>,
    %get3A_745 = vector.shape_cast %get3A_744 : vector<1x16xi32> to vector<16xi32>
    %eq3A_746 = arith.cmpi eq, %get3A_740, %get3A_745 : vector<16xi32>
    %select_n3A_747 = arith.select %eq3A_746, %get3A_18, %get3A_740 : vector<16xi1>, vector<16xi32>
    %swap3A_748 = arith.constant 1 : i32
    %swap3A_749 = arith.index_cast %swap3A_748 : i32 to index
    %swap3A_750 = arith.constant 128 : index
    %swap3A_751 = tpu.vector_load %arg6[%swap3A_749, %swap3A_750] {strides = array<i32>} : memref<4x512xi32, #tpu.memory_space<vmem>>, vector<1x16xi32>,
    %swap3A_752 = vector.shape_cast %swap3A_751 : vector<1x16xi32> to vector<16xi32>
    %swap3A_753 = vector.shape_cast %select_n3A_747 : vector<16xi32> to vector<1x16xi32>
    tpu.vector_store %arg6[%swap3A_749, %swap3A_750], %swap3A_753 {strides = array<i32>} : memref<4x512xi32, #tpu.memory_space<vmem>>, vector<1x16xi32>,
    %get3A_754 = arith.constant 1 : i32
    %get3A_755 = arith.index_cast %get3A_754 : i32 to index
    %get3A_756 = arith.constant 144 : index
    %get3A_757 = tpu.vector_load %arg6[%get3A_755, %get3A_756] {strides = array<i32>} : memref<4x512xi32, #tpu.memory_space<vmem>>, vector<1x16xi32>,
    %get3A_758 = vector.shape_cast %get3A_757 : vector<1x16xi32> to vector<16xi32>
    %get3A_759 = arith.constant 1 : i32
    %get3A_760 = arith.index_cast %get3A_759 : i32 to index
    %get3A_761 = arith.constant 144 : index
    %get3A_762 = tpu.vector_load %arg7[%get3A_760, %get3A_761] {strides = array<i32>} : memref<4x512xi32, #tpu.memory_space<vmem>>, vector<1x16xi32>,
    %get3A_763 = vector.shape_cast %get3A_762 : vector<1x16xi32> to vector<16xi32>
    %eq3A_764 = arith.cmpi eq, %get3A_758, %get3A_763 : vector<16xi32>
    %select_n3A_765 = arith.select %eq3A_764, %get3A_18, %get3A_758 : vector<16xi1>, vector<16xi32>
    %swap3A_766 = arith.constant 1 : i32
    %swap3A_767 = arith.index_cast %swap3A_766 : i32 to index
    %swap3A_768 = arith.constant 144 : index
    %swap3A_769 = tpu.vector_load %arg6[%swap3A_767, %swap3A_768] {strides = array<i32>} : memref<4x512xi32, #tpu.memory_space<vmem>>, vector<1x16xi32>,
    %swap3A_770 = vector.shape_cast %swap3A_769 : vector<1x16xi32> to vector<16xi32>
    %swap3A_771 = vector.shape_cast %select_n3A_765 : vector<16xi32> to vector<1x16xi32>
    tpu.vector_store %arg6[%swap3A_767, %swap3A_768], %swap3A_771 {strides = array<i32>} : memref<4x512xi32, #tpu.memory_space<vmem>>, vector<1x16xi32>,
    %get3A_772 = arith.constant 1 : i32
    %get3A_773 = arith.index_cast %get3A_772 : i32 to index
    %get3A_774 = arith.constant 160 : index
    %get3A_775 = tpu.vector_load %arg6[%get3A_773, %get3A_774] {strides = array<i32>} : memref<4x512xi32, #tpu.memory_space<vmem>>, vector<1x16xi32>,
    %get3A_776 = vector.shape_cast %get3A_775 : vector<1x16xi32> to vector<16xi32>
    %get3A_777 = arith.constant 1 : i32
    %get3A_778 = arith.index_cast %get3A_777 : i32 to index
    %get3A_779 = arith.constant 160 : index
    %get3A_780 = tpu.vector_load %arg7[%get3A_778, %get3A_779] {strides = array<i32>} : memref<4x512xi32, #tpu.memory_space<vmem>>, vector<1x16xi32>,
    %get3A_781 = vector.shape_cast %get3A_780 : vector<1x16xi32> to vector<16xi32>
    %eq3A_782 = arith.cmpi eq, %get3A_776, %get3A_781 : vector<16xi32>
    %select_n3A_783 = arith.select %eq3A_782, %get3A_18, %get3A_776 : vector<16xi1>, vector<16xi32>
    %swap3A_784 = arith.constant 1 : i32
    %swap3A_785 = arith.index_cast %swap3A_784 : i32 to index
    %swap3A_786 = arith.constant 160 : index
    %swap3A_787 = tpu.vector_load %arg6[%swap3A_785, %swap3A_786] {strides = array<i32>} : memref<4x512xi32, #tpu.memory_space<vmem>>, vector<1x16xi32>,
    %swap3A_788 = vector.shape_cast %swap3A_787 : vector<1x16xi32> to vector<16xi32>
    %swap3A_789 = vector.shape_cast %select_n3A_783 : vector<16xi32> to vector<1x16xi32>
    tpu.vector_store %arg6[%swap3A_785, %swap3A_786], %swap3A_789 {strides = array<i32>} : memref<4x512xi32, #tpu.memory_space<vmem>>, vector<1x16xi32>,
    %get3A_790 = arith.constant 1 : i32
    %get3A_791 = arith.index_cast %get3A_790 : i32 to index
    %get3A_792 = arith.constant 176 : index
    %get3A_793 = tpu.vector_load %arg6[%get3A_791, %get3A_792] {strides = array<i32>} : memref<4x512xi32, #tpu.memory_space<vmem>>, vector<1x16xi32>,
    %get3A_794 = vector.shape_cast %get3A_793 : vector<1x16xi32> to vector<16xi32>
    %get3A_795 = arith.constant 1 : i32
    %get3A_796 = arith.index_cast %get3A_795 : i32 to index
    %get3A_797 = arith.constant 176 : index
    %get3A_798 = tpu.vector_load %arg7[%get3A_796, %get3A_797] {strides = array<i32>} : memref<4x512xi32, #tpu.memory_space<vmem>>, vector<1x16xi32>,
    %get3A_799 = vector.shape_cast %get3A_798 : vector<1x16xi32> to vector<16xi32>
    %eq3A_800 = arith.cmpi eq, %get3A_794, %get3A_799 : vector<16xi32>
    %select_n3A_801 = arith.select %eq3A_800, %get3A_18, %get3A_794 : vector<16xi1>, vector<16xi32>
    %swap3A_802 = arith.constant 1 : i32
    %swap3A_803 = arith.index_cast %swap3A_802 : i32 to index
    %swap3A_804 = arith.constant 176 : index
    %swap3A_805 = tpu.vector_load %arg6[%swap3A_803, %swap3A_804] {strides = array<i32>} : memref<4x512xi32, #tpu.memory_space<vmem>>, vector<1x16xi32>,
    %swap3A_806 = vector.shape_cast %swap3A_805 : vector<1x16xi32> to vector<16xi32>
    %swap3A_807 = vector.shape_cast %select_n3A_801 : vector<16xi32> to vector<1x16xi32>
    tpu.vector_store %arg6[%swap3A_803, %swap3A_804], %swap3A_807 {strides = array<i32>} : memref<4x512xi32, #tpu.memory_space<vmem>>, vector<1x16xi32>,
    %get3A_808 = arith.constant 1 : i32
    %get3A_809 = arith.index_cast %get3A_808 : i32 to index
    %get3A_810 = arith.constant 192 : index
    %get3A_811 = tpu.vector_load %arg6[%get3A_809, %get3A_810] {strides = array<i32>} : memref<4x512xi32, #tpu.memory_space<vmem>>, vector<1x16xi32>,
    %get3A_812 = vector.shape_cast %get3A_811 : vector<1x16xi32> to vector<16xi32>
    %get3A_813 = arith.constant 1 : i32
    %get3A_814 = arith.index_cast %get3A_813 : i32 to index
    %get3A_815 = arith.constant 192 : index
    %get3A_816 = tpu.vector_load %arg7[%get3A_814, %get3A_815] {strides = array<i32>} : memref<4x512xi32, #tpu.memory_space<vmem>>, vector<1x16xi32>,
    %get3A_817 = vector.shape_cast %get3A_816 : vector<1x16xi32> to vector<16xi32>
    %eq3A_818 = arith.cmpi eq, %get3A_812, %get3A_817 : vector<16xi32>
    %select_n3A_819 = arith.select %eq3A_818, %get3A_18, %get3A_812 : vector<16xi1>, vector<16xi32>
    %swap3A_820 = arith.constant 1 : i32
    %swap3A_821 = arith.index_cast %swap3A_820 : i32 to index
    %swap3A_822 = arith.constant 192 : index
    %swap3A_823 = tpu.vector_load %arg6[%swap3A_821, %swap3A_822] {strides = array<i32>} : memref<4x512xi32, #tpu.memory_space<vmem>>, vector<1x16xi32>,
    %swap3A_824 = vector.shape_cast %swap3A_823 : vector<1x16xi32> to vector<16xi32>
    %swap3A_825 = vector.shape_cast %select_n3A_819 : vector<16xi32> to vector<1x16xi32>
    tpu.vector_store %arg6[%swap3A_821, %swap3A_822], %swap3A_825 {strides = array<i32>} : memref<4x512xi32, #tpu.memory_space<vmem>>, vector<1x16xi32>,
    %get3A_826 = arith.constant 1 : i32
    %get3A_827 = arith.index_cast %get3A_826 : i32 to index
    %get3A_828 = arith.constant 208 : index
    %get3A_829 = tpu.vector_load %arg6[%get3A_827, %get3A_828] {strides = array<i32>} : memref<4x512xi32, #tpu.memory_space<vmem>>, vector<1x16xi32>,
    %get3A_830 = vector.shape_cast %get3A_829 : vector<1x16xi32> to vector<16xi32>
    %get3A_831 = arith.constant 1 : i32
    %get3A_832 = arith.index_cast %get3A_831 : i32 to index
    %get3A_833 = arith.constant 208 : index
    %get3A_834 = tpu.vector_load %arg7[%get3A_832, %get3A_833] {strides = array<i32>} : memref<4x512xi32, #tpu.memory_space<vmem>>, vector<1x16xi32>,
    %get3A_835 = vector.shape_cast %get3A_834 : vector<1x16xi32> to vector<16xi32>
    %eq3A_836 = arith.cmpi eq, %get3A_830, %get3A_835 : vector<16xi32>
    %select_n3A_837 = arith.select %eq3A_836, %get3A_18, %get3A_830 : vector<16xi1>, vector<16xi32>
    %swap3A_838 = arith.constant 1 : i32
    %swap3A_839 = arith.index_cast %swap3A_838 : i32 to index
    %swap3A_840 = arith.constant 208 : index
    %swap3A_841 = tpu.vector_load %arg6[%swap3A_839, %swap3A_840] {strides = array<i32>} : memref<4x512xi32, #tpu.memory_space<vmem>>, vector<1x16xi32>,
    %swap3A_842 = vector.shape_cast %swap3A_841 : vector<1x16xi32> to vector<16xi32>
    %swap3A_843 = vector.shape_cast %select_n3A_837 : vector<16xi32> to vector<1x16xi32>
    tpu.vector_store %arg6[%swap3A_839, %swap3A_840], %swap3A_843 {strides = array<i32>} : memref<4x512xi32, #tpu.memory_space<vmem>>, vector<1x16xi32>,
    %get3A_844 = arith.constant 1 : i32
    %get3A_845 = arith.index_cast %get3A_844 : i32 to index
    %get3A_846 = arith.constant 224 : index
    %get3A_847 = tpu.vector_load %arg6[%get3A_845, %get3A_846] {strides = array<i32>} : memref<4x512xi32, #tpu.memory_space<vmem>>, vector<1x16xi32>,
    %get3A_848 = vector.shape_cast %get3A_847 : vector<1x16xi32> to vector<16xi32>
    %get3A_849 = arith.constant 1 : i32
    %get3A_850 = arith.index_cast %get3A_849 : i32 to index
    %get3A_851 = arith.constant 224 : index
    %get3A_852 = tpu.vector_load %arg7[%get3A_850, %get3A_851] {strides = array<i32>} : memref<4x512xi32, #tpu.memory_space<vmem>>, vector<1x16xi32>,
    %get3A_853 = vector.shape_cast %get3A_852 : vector<1x16xi32> to vector<16xi32>
    %eq3A_854 = arith.cmpi eq, %get3A_848, %get3A_853 : vector<16xi32>
    %select_n3A_855 = arith.select %eq3A_854, %get3A_18, %get3A_848 : vector<16xi1>, vector<16xi32>
    %swap3A_856 = arith.constant 1 : i32
    %swap3A_857 = arith.index_cast %swap3A_856 : i32 to index
    %swap3A_858 = arith.constant 224 : index
    %swap3A_859 = tpu.vector_load %arg6[%swap3A_857, %swap3A_858] {strides = array<i32>} : memref<4x512xi32, #tpu.memory_space<vmem>>, vector<1x16xi32>,
    %swap3A_860 = vector.shape_cast %swap3A_859 : vector<1x16xi32> to vector<16xi32>
    %swap3A_861 = vector.shape_cast %select_n3A_855 : vector<16xi32> to vector<1x16xi32>
    tpu.vector_store %arg6[%swap3A_857, %swap3A_858], %swap3A_861 {strides = array<i32>} : memref<4x512xi32, #tpu.memory_space<vmem>>, vector<1x16xi32>,
    %get3A_862 = arith.constant 1 : i32
    %get3A_863 = arith.index_cast %get3A_862 : i32 to index
    %get3A_864 = arith.constant 240 : index
    %get3A_865 = tpu.vector_load %arg6[%get3A_863, %get3A_864] {strides = array<i32>} : memref<4x512xi32, #tpu.memory_space<vmem>>, vector<1x16xi32>,
    %get3A_866 = vector.shape_cast %get3A_865 : vector<1x16xi32> to vector<16xi32>
    %get3A_867 = arith.constant 1 : i32
    %get3A_868 = arith.index_cast %get3A_867 : i32 to index
    %get3A_869 = arith.constant 240 : index
    %get3A_870 = tpu.vector_load %arg7[%get3A_868, %get3A_869] {strides = array<i32>} : memref<4x512xi32, #tpu.memory_space<vmem>>, vector<1x16xi32>,
    %get3A_871 = vector.shape_cast %get3A_870 : vector<1x16xi32> to vector<16xi32>
    %eq3A_872 = arith.cmpi eq, %get3A_866, %get3A_871 : vector<16xi32>
    %select_n3A_873 = arith.select %eq3A_872, %get3A_18, %get3A_866 : vector<16xi1>, vector<16xi32>
    %swap3A_874 = arith.constant 1 : i32
    %swap3A_875 = arith.index_cast %swap3A_874 : i32 to index
    %swap3A_876 = arith.constant 240 : index
    %swap3A_877 = tpu.vector_load %arg6[%swap3A_875, %swap3A_876] {strides = array<i32>} : memref<4x512xi32, #tpu.memory_space<vmem>>, vector<1x16xi32>,
    %swap3A_878 = vector.shape_cast %swap3A_877 : vector<1x16xi32> to vector<16xi32>
    %swap3A_879 = vector.shape_cast %select_n3A_873 : vector<16xi32> to vector<1x16xi32>
    tpu.vector_store %arg6[%swap3A_875, %swap3A_876], %swap3A_879 {strides = array<i32>} : memref<4x512xi32, #tpu.memory_space<vmem>>, vector<1x16xi32>,
    %get3A_880 = arith.constant 1 : i32
    %get3A_881 = arith.index_cast %get3A_880 : i32 to index
    %get3A_882 = arith.constant 256 : index
    %get3A_883 = tpu.vector_load %arg6[%get3A_881, %get3A_882] {strides = array<i32>} : memref<4x512xi32, #tpu.memory_space<vmem>>, vector<1x16xi32>,
    %get3A_884 = vector.shape_cast %get3A_883 : vector<1x16xi32> to vector<16xi32>
    %get3A_885 = arith.constant 1 : i32
    %get3A_886 = arith.index_cast %get3A_885 : i32 to index
    %get3A_887 = arith.constant 256 : index
    %get3A_888 = tpu.vector_load %arg7[%get3A_886, %get3A_887] {strides = array<i32>} : memref<4x512xi32, #tpu.memory_space<vmem>>, vector<1x16xi32>,
    %get3A_889 = vector.shape_cast %get3A_888 : vector<1x16xi32> to vector<16xi32>
    %eq3A_890 = arith.cmpi eq, %get3A_884, %get3A_889 : vector<16xi32>
    %select_n3A_891 = arith.select %eq3A_890, %get3A_18, %get3A_884 : vector<16xi1>, vector<16xi32>
    %swap3A_892 = arith.constant 1 : i32
    %swap3A_893 = arith.index_cast %swap3A_892 : i32 to index
    %swap3A_894 = arith.constant 256 : index
    %swap3A_895 = tpu.vector_load %arg6[%swap3A_893, %swap3A_894] {strides = array<i32>} : memref<4x512xi32, #tpu.memory_space<vmem>>, vector<1x16xi32>,
    %swap3A_896 = vector.shape_cast %swap3A_895 : vector<1x16xi32> to vector<16xi32>
    %swap3A_897 = vector.shape_cast %select_n3A_891 : vector<16xi32> to vector<1x16xi32>
    tpu.vector_store %arg6[%swap3A_893, %swap3A_894], %swap3A_897 {strides = array<i32>} : memref<4x512xi32, #tpu.memory_space<vmem>>, vector<1x16xi32>,
    %get3A_898 = arith.constant 1 : i32
    %get3A_899 = arith.index_cast %get3A_898 : i32 to index
    %get3A_900 = arith.constant 272 : index
    %get3A_901 = tpu.vector_load %arg6[%get3A_899, %get3A_900] {strides = array<i32>} : memref<4x512xi32, #tpu.memory_space<vmem>>, vector<1x16xi32>,
    %get3A_902 = vector.shape_cast %get3A_901 : vector<1x16xi32> to vector<16xi32>
    %get3A_903 = arith.constant 1 : i32
    %get3A_904 = arith.index_cast %get3A_903 : i32 to index
    %get3A_905 = arith.constant 272 : index
    %get3A_906 = tpu.vector_load %arg7[%get3A_904, %get3A_905] {strides = array<i32>} : memref<4x512xi32, #tpu.memory_space<vmem>>, vector<1x16xi32>,
    %get3A_907 = vector.shape_cast %get3A_906 : vector<1x16xi32> to vector<16xi32>
    %eq3A_908 = arith.cmpi eq, %get3A_902, %get3A_907 : vector<16xi32>
    %select_n3A_909 = arith.select %eq3A_908, %get3A_18, %get3A_902 : vector<16xi1>, vector<16xi32>
    %swap3A_910 = arith.constant 1 : i32
    %swap3A_911 = arith.index_cast %swap3A_910 : i32 to index
    %swap3A_912 = arith.constant 272 : index
    %swap3A_913 = tpu.vector_load %arg6[%swap3A_911, %swap3A_912] {strides = array<i32>} : memref<4x512xi32, #tpu.memory_space<vmem>>, vector<1x16xi32>,
    %swap3A_914 = vector.shape_cast %swap3A_913 : vector<1x16xi32> to vector<16xi32>
    %swap3A_915 = vector.shape_cast %select_n3A_909 : vector<16xi32> to vector<1x16xi32>
    tpu.vector_store %arg6[%swap3A_911, %swap3A_912], %swap3A_915 {strides = array<i32>} : memref<4x512xi32, #tpu.memory_space<vmem>>, vector<1x16xi32>,
    %get3A_916 = arith.constant 1 : i32
    %get3A_917 = arith.index_cast %get3A_916 : i32 to index
    %get3A_918 = arith.constant 288 : index
    %get3A_919 = tpu.vector_load %arg6[%get3A_917, %get3A_918] {strides = array<i32>} : memref<4x512xi32, #tpu.memory_space<vmem>>, vector<1x16xi32>,
    %get3A_920 = vector.shape_cast %get3A_919 : vector<1x16xi32> to vector<16xi32>
    %get3A_921 = arith.constant 1 : i32
    %get3A_922 = arith.index_cast %get3A_921 : i32 to index
    %get3A_923 = arith.constant 288 : index
    %get3A_924 = tpu.vector_load %arg7[%get3A_922, %get3A_923] {strides = array<i32>} : memref<4x512xi32, #tpu.memory_space<vmem>>, vector<1x16xi32>,
    %get3A_925 = vector.shape_cast %get3A_924 : vector<1x16xi32> to vector<16xi32>
    %eq3A_926 = arith.cmpi eq, %get3A_920, %get3A_925 : vector<16xi32>
    %select_n3A_927 = arith.select %eq3A_926, %get3A_18, %get3A_920 : vector<16xi1>, vector<16xi32>
    %swap3A_928 = arith.constant 1 : i32
    %swap3A_929 = arith.index_cast %swap3A_928 : i32 to index
    %swap3A_930 = arith.constant 288 : index
    %swap3A_931 = tpu.vector_load %arg6[%swap3A_929, %swap3A_930] {strides = array<i32>} : memref<4x512xi32, #tpu.memory_space<vmem>>, vector<1x16xi32>,
    %swap3A_932 = vector.shape_cast %swap3A_931 : vector<1x16xi32> to vector<16xi32>
    %swap3A_933 = vector.shape_cast %select_n3A_927 : vector<16xi32> to vector<1x16xi32>
    tpu.vector_store %arg6[%swap3A_929, %swap3A_930], %swap3A_933 {strides = array<i32>} : memref<4x512xi32, #tpu.memory_space<vmem>>, vector<1x16xi32>,
    %get3A_934 = arith.constant 1 : i32
    %get3A_935 = arith.index_cast %get3A_934 : i32 to index
    %get3A_936 = arith.constant 304 : index
    %get3A_937 = tpu.vector_load %arg6[%get3A_935, %get3A_936] {strides = array<i32>} : memref<4x512xi32, #tpu.memory_space<vmem>>, vector<1x16xi32>,
    %get3A_938 = vector.shape_cast %get3A_937 : vector<1x16xi32> to vector<16xi32>
    %get3A_939 = arith.constant 1 : i32
    %get3A_940 = arith.index_cast %get3A_939 : i32 to index
    %get3A_941 = arith.constant 304 : index
    %get3A_942 = tpu.vector_load %arg7[%get3A_940, %get3A_941] {strides = array<i32>} : memref<4x512xi32, #tpu.memory_space<vmem>>, vector<1x16xi32>,
    %get3A_943 = vector.shape_cast %get3A_942 : vector<1x16xi32> to vector<16xi32>
    %eq3A_944 = arith.cmpi eq, %get3A_938, %get3A_943 : vector<16xi32>
    %select_n3A_945 = arith.select %eq3A_944, %get3A_18, %get3A_938 : vector<16xi1>, vector<16xi32>
    %swap3A_946 = arith.constant 1 : i32
    %swap3A_947 = arith.index_cast %swap3A_946 : i32 to index
    %swap3A_948 = arith.constant 304 : index
    %swap3A_949 = tpu.vector_load %arg6[%swap3A_947, %swap3A_948] {strides = array<i32>} : memref<4x512xi32, #tpu.memory_space<vmem>>, vector<1x16xi32>,
    %swap3A_950 = vector.shape_cast %swap3A_949 : vector<1x16xi32> to vector<16xi32>
    %swap3A_951 = vector.shape_cast %select_n3A_945 : vector<16xi32> to vector<1x16xi32>
    tpu.vector_store %arg6[%swap3A_947, %swap3A_948], %swap3A_951 {strides = array<i32>} : memref<4x512xi32, #tpu.memory_space<vmem>>, vector<1x16xi32>,
    %get3A_952 = arith.constant 1 : i32
    %get3A_953 = arith.index_cast %get3A_952 : i32 to index
    %get3A_954 = arith.constant 320 : index
    %get3A_955 = tpu.vector_load %arg6[%get3A_953, %get3A_954] {strides = array<i32>} : memref<4x512xi32, #tpu.memory_space<vmem>>, vector<1x16xi32>,
    %get3A_956 = vector.shape_cast %get3A_955 : vector<1x16xi32> to vector<16xi32>
    %get3A_957 = arith.constant 1 : i32
    %get3A_958 = arith.index_cast %get3A_957 : i32 to index
    %get3A_959 = arith.constant 320 : index
    %get3A_960 = tpu.vector_load %arg7[%get3A_958, %get3A_959] {strides = array<i32>} : memref<4x512xi32, #tpu.memory_space<vmem>>, vector<1x16xi32>,
    %get3A_961 = vector.shape_cast %get3A_960 : vector<1x16xi32> to vector<16xi32>
    %eq3A_962 = arith.cmpi eq, %get3A_956, %get3A_961 : vector<16xi32>
    %select_n3A_963 = arith.select %eq3A_962, %get3A_18, %get3A_956 : vector<16xi1>, vector<16xi32>
    %swap3A_964 = arith.constant 1 : i32
    %swap3A_965 = arith.index_cast %swap3A_964 : i32 to index
    %swap3A_966 = arith.constant 320 : index
    %swap3A_967 = tpu.vector_load %arg6[%swap3A_965, %swap3A_966] {strides = array<i32>} : memref<4x512xi32, #tpu.memory_space<vmem>>, vector<1x16xi32>,
    %swap3A_968 = vector.shape_cast %swap3A_967 : vector<1x16xi32> to vector<16xi32>
    %swap3A_969 = vector.shape_cast %select_n3A_963 : vector<16xi32> to vector<1x16xi32>
    tpu.vector_store %arg6[%swap3A_965, %swap3A_966], %swap3A_969 {strides = array<i32>} : memref<4x512xi32, #tpu.memory_space<vmem>>, vector<1x16xi32>,
    %get3A_970 = arith.constant 1 : i32
    %get3A_971 = arith.index_cast %get3A_970 : i32 to index
    %get3A_972 = arith.constant 336 : index
    %get3A_973 = tpu.vector_load %arg6[%get3A_971, %get3A_972] {strides = array<i32>} : memref<4x512xi32, #tpu.memory_space<vmem>>, vector<1x16xi32>,
    %get3A_974 = vector.shape_cast %get3A_973 : vector<1x16xi32> to vector<16xi32>
    %get3A_975 = arith.constant 1 : i32
    %get3A_976 = arith.index_cast %get3A_975 : i32 to index
    %get3A_977 = arith.constant 336 : index
    %get3A_978 = tpu.vector_load %arg7[%get3A_976, %get3A_977] {strides = array<i32>} : memref<4x512xi32, #tpu.memory_space<vmem>>, vector<1x16xi32>,
    %get3A_979 = vector.shape_cast %get3A_978 : vector<1x16xi32> to vector<16xi32>
    %eq3A_980 = arith.cmpi eq, %get3A_974, %get3A_979 : vector<16xi32>
    %select_n3A_981 = arith.select %eq3A_980, %get3A_18, %get3A_974 : vector<16xi1>, vector<16xi32>
    %swap3A_982 = arith.constant 1 : i32
    %swap3A_983 = arith.index_cast %swap3A_982 : i32 to index
    %swap3A_984 = arith.constant 336 : index
    %swap3A_985 = tpu.vector_load %arg6[%swap3A_983, %swap3A_984] {strides = array<i32>} : memref<4x512xi32, #tpu.memory_space<vmem>>, vector<1x16xi32>,
    %swap3A_986 = vector.shape_cast %swap3A_985 : vector<1x16xi32> to vector<16xi32>
    %swap3A_987 = vector.shape_cast %select_n3A_981 : vector<16xi32> to vector<1x16xi32>
    tpu.vector_store %arg6[%swap3A_983, %swap3A_984], %swap3A_987 {strides = array<i32>} : memref<4x512xi32, #tpu.memory_space<vmem>>, vector<1x16xi32>,
    %get3A_988 = arith.constant 1 : i32
    %get3A_989 = arith.index_cast %get3A_988 : i32 to index
    %get3A_990 = arith.constant 352 : index
    %get3A_991 = tpu.vector_load %arg6[%get3A_989, %get3A_990] {strides = array<i32>} : memref<4x512xi32, #tpu.memory_space<vmem>>, vector<1x16xi32>,
    %get3A_992 = vector.shape_cast %get3A_991 : vector<1x16xi32> to vector<16xi32>
    %get3A_993 = arith.constant 1 : i32
    %get3A_994 = arith.index_cast %get3A_993 : i32 to index
    %get3A_995 = arith.constant 352 : index
    %get3A_996 = tpu.vector_load %arg7[%get3A_994, %get3A_995] {strides = array<i32>} : memref<4x512xi32, #tpu.memory_space<vmem>>, vector<1x16xi32>,
    %get3A_997 = vector.shape_cast %get3A_996 : vector<1x16xi32> to vector<16xi32>
    %eq3A_998 = arith.cmpi eq, %get3A_992, %get3A_997 : vector<16xi32>
    %select_n3A_999 = arith.select %eq3A_998, %get3A_18, %get3A_992 : vector<16xi1>, vector<16xi32>
    %swap3A_1000 = arith.constant 1 : i32
    %swap3A_1001 = arith.index_cast %swap3A_1000 : i32 to index
    %swap3A_1002 = arith.constant 352 : index
    %swap3A_1003 = tpu.vector_load %arg6[%swap3A_1001, %swap3A_1002] {strides = array<i32>} : memref<4x512xi32, #tpu.memory_space<vmem>>, vector<1x16xi32>,
    %swap3A_1004 = vector.shape_cast %swap3A_1003 : vector<1x16xi32> to vector<16xi32>
    %swap3A_1005 = vector.shape_cast %select_n3A_999 : vector<16xi32> to vector<1x16xi32>
    tpu.vector_store %arg6[%swap3A_1001, %swap3A_1002], %swap3A_1005 {strides = array<i32>} : memref<4x512xi32, #tpu.memory_space<vmem>>, vector<1x16xi32>,
    %get3A_1006 = arith.constant 1 : i32
    %get3A_1007 = arith.index_cast %get3A_1006 : i32 to index
    %get3A_1008 = arith.constant 368 : index
    %get3A_1009 = tpu.vector_load %arg6[%get3A_1007, %get3A_1008] {strides = array<i32>} : memref<4x512xi32, #tpu.memory_space<vmem>>, vector<1x16xi32>,
    %get3A_1010 = vector.shape_cast %get3A_1009 : vector<1x16xi32> to vector<16xi32>
    %get3A_1011 = arith.constant 1 : i32
    %get3A_1012 = arith.index_cast %get3A_1011 : i32 to index
    %get3A_1013 = arith.constant 368 : index
    %get3A_1014 = tpu.vector_load %arg7[%get3A_1012, %get3A_1013] {strides = array<i32>} : memref<4x512xi32, #tpu.memory_space<vmem>>, vector<1x16xi32>,
    %get3A_1015 = vector.shape_cast %get3A_1014 : vector<1x16xi32> to vector<16xi32>
    %eq3A_1016 = arith.cmpi eq, %get3A_1010, %get3A_1015 : vector<16xi32>
    %select_n3A_1017 = arith.select %eq3A_1016, %get3A_18, %get3A_1010 : vector<16xi1>, vector<16xi32>
    %swap3A_1018 = arith.constant 1 : i32
    %swap3A_1019 = arith.index_cast %swap3A_1018 : i32 to index
    %swap3A_1020 = arith.constant 368 : index
    %swap3A_1021 = tpu.vector_load %arg6[%swap3A_1019, %swap3A_1020] {strides = array<i32>} : memref<4x512xi32, #tpu.memory_space<vmem>>, vector<1x16xi32>,
    %swap3A_1022 = vector.shape_cast %swap3A_1021 : vector<1x16xi32> to vector<16xi32>
    %swap3A_1023 = vector.shape_cast %select_n3A_1017 : vector<16xi32> to vector<1x16xi32>
    tpu.vector_store %arg6[%swap3A_1019, %swap3A_1020], %swap3A_1023 {strides = array<i32>} : memref<4x512xi32, #tpu.memory_space<vmem>>, vector<1x16xi32>,
    %get3A_1024 = arith.constant 1 : i32
    %get3A_1025 = arith.index_cast %get3A_1024 : i32 to index
    %get3A_1026 = arith.constant 384 : index
    %get3A_1027 = tpu.vector_load %arg6[%get3A_1025, %get3A_1026] {strides = array<i32>} : memref<4x512xi32, #tpu.memory_space<vmem>>, vector<1x16xi32>,
    %get3A_1028 = vector.shape_cast %get3A_1027 : vector<1x16xi32> to vector<16xi32>
    %get3A_1029 = arith.constant 1 : i32
    %get3A_1030 = arith.index_cast %get3A_1029 : i32 to index
    %get3A_1031 = arith.constant 384 : index
    %get3A_1032 = tpu.vector_load %arg7[%get3A_1030, %get3A_1031] {strides = array<i32>} : memref<4x512xi32, #tpu.memory_space<vmem>>, vector<1x16xi32>,
    %get3A_1033 = vector.shape_cast %get3A_1032 : vector<1x16xi32> to vector<16xi32>
    %eq3A_1034 = arith.cmpi eq, %get3A_1028, %get3A_1033 : vector<16xi32>
    %select_n3A_1035 = arith.select %eq3A_1034, %get3A_18, %get3A_1028 : vector<16xi1>, vector<16xi32>
    %swap3A_1036 = arith.constant 1 : i32
    %swap3A_1037 = arith.index_cast %swap3A_1036 : i32 to index
    %swap3A_1038 = arith.constant 384 : index
    %swap3A_1039 = tpu.vector_load %arg6[%swap3A_1037, %swap3A_1038] {strides = array<i32>} : memref<4x512xi32, #tpu.memory_space<vmem>>, vector<1x16xi32>,
    %swap3A_1040 = vector.shape_cast %swap3A_1039 : vector<1x16xi32> to vector<16xi32>
    %swap3A_1041 = vector.shape_cast %select_n3A_1035 : vector<16xi32> to vector<1x16xi32>
    tpu.vector_store %arg6[%swap3A_1037, %swap3A_1038], %swap3A_1041 {strides = array<i32>} : memref<4x512xi32, #tpu.memory_space<vmem>>, vector<1x16xi32>,
    %get3A_1042 = arith.constant 1 : i32
    %get3A_1043 = arith.index_cast %get3A_1042 : i32 to index
    %get3A_1044 = arith.constant 400 : index
    %get3A_1045 = tpu.vector_load %arg6[%get3A_1043, %get3A_1044] {strides = array<i32>} : memref<4x512xi32, #tpu.memory_space<vmem>>, vector<1x16xi32>,
    %get3A_1046 = vector.shape_cast %get3A_1045 : vector<1x16xi32> to vector<16xi32>
    %get3A_1047 = arith.constant 1 : i32
    %get3A_1048 = arith.index_cast %get3A_1047 : i32 to index
    %get3A_1049 = arith.constant 400 : index
    %get3A_1050 = tpu.vector_load %arg7[%get3A_1048, %get3A_1049] {strides = array<i32>} : memref<4x512xi32, #tpu.memory_space<vmem>>, vector<1x16xi32>,
    %get3A_1051 = vector.shape_cast %get3A_1050 : vector<1x16xi32> to vector<16xi32>
    %eq3A_1052 = arith.cmpi eq, %get3A_1046, %get3A_1051 : vector<16xi32>
    %select_n3A_1053 = arith.select %eq3A_1052, %get3A_18, %get3A_1046 : vector<16xi1>, vector<16xi32>
    %swap3A_1054 = arith.constant 1 : i32
    %swap3A_1055 = arith.index_cast %swap3A_1054 : i32 to index
    %swap3A_1056 = arith.constant 400 : index
    %swap3A_1057 = tpu.vector_load %arg6[%swap3A_1055, %swap3A_1056] {strides = array<i32>} : memref<4x512xi32, #tpu.memory_space<vmem>>, vector<1x16xi32>,
    %swap3A_1058 = vector.shape_cast %swap3A_1057 : vector<1x16xi32> to vector<16xi32>
    %swap3A_1059 = vector.shape_cast %select_n3A_1053 : vector<16xi32> to vector<1x16xi32>
    tpu.vector_store %arg6[%swap3A_1055, %swap3A_1056], %swap3A_1059 {strides = array<i32>} : memref<4x512xi32, #tpu.memory_space<vmem>>, vector<1x16xi32>,
    %get3A_1060 = arith.constant 1 : i32
    %get3A_1061 = arith.index_cast %get3A_1060 : i32 to index
    %get3A_1062 = arith.constant 416 : index
    %get3A_1063 = tpu.vector_load %arg6[%get3A_1061, %get3A_1062] {strides = array<i32>} : memref<4x512xi32, #tpu.memory_space<vmem>>, vector<1x16xi32>,
    %get3A_1064 = vector.shape_cast %get3A_1063 : vector<1x16xi32> to vector<16xi32>
    %get3A_1065 = arith.constant 1 : i32
    %get3A_1066 = arith.index_cast %get3A_1065 : i32 to index
    %get3A_1067 = arith.constant 416 : index
    %get3A_1068 = tpu.vector_load %arg7[%get3A_1066, %get3A_1067] {strides = array<i32>} : memref<4x512xi32, #tpu.memory_space<vmem>>, vector<1x16xi32>,
    %get3A_1069 = vector.shape_cast %get3A_1068 : vector<1x16xi32> to vector<16xi32>
    %eq3A_1070 = arith.cmpi eq, %get3A_1064, %get3A_1069 : vector<16xi32>
    %select_n3A_1071 = arith.select %eq3A_1070, %get3A_18, %get3A_1064 : vector<16xi1>, vector<16xi32>
    %swap3A_1072 = arith.constant 1 : i32
    %swap3A_1073 = arith.index_cast %swap3A_1072 : i32 to index
    %swap3A_1074 = arith.constant 416 : index
    %swap3A_1075 = tpu.vector_load %arg6[%swap3A_1073, %swap3A_1074] {strides = array<i32>} : memref<4x512xi32, #tpu.memory_space<vmem>>, vector<1x16xi32>,
    %swap3A_1076 = vector.shape_cast %swap3A_1075 : vector<1x16xi32> to vector<16xi32>
    %swap3A_1077 = vector.shape_cast %select_n3A_1071 : vector<16xi32> to vector<1x16xi32>
    tpu.vector_store %arg6[%swap3A_1073, %swap3A_1074], %swap3A_1077 {strides = array<i32>} : memref<4x512xi32, #tpu.memory_space<vmem>>, vector<1x16xi32>,
    %get3A_1078 = arith.constant 1 : i32
    %get3A_1079 = arith.index_cast %get3A_1078 : i32 to index
    %get3A_1080 = arith.constant 432 : index
    %get3A_1081 = tpu.vector_load %arg6[%get3A_1079, %get3A_1080] {strides = array<i32>} : memref<4x512xi32, #tpu.memory_space<vmem>>, vector<1x16xi32>,
    %get3A_1082 = vector.shape_cast %get3A_1081 : vector<1x16xi32> to vector<16xi32>
    %get3A_1083 = arith.constant 1 : i32
    %get3A_1084 = arith.index_cast %get3A_1083 : i32 to index
    %get3A_1085 = arith.constant 432 : index
    %get3A_1086 = tpu.vector_load %arg7[%get3A_1084, %get3A_1085] {strides = array<i32>} : memref<4x512xi32, #tpu.memory_space<vmem>>, vector<1x16xi32>,
    %get3A_1087 = vector.shape_cast %get3A_1086 : vector<1x16xi32> to vector<16xi32>
    %eq3A_1088 = arith.cmpi eq, %get3A_1082, %get3A_1087 : vector<16xi32>
    %select_n3A_1089 = arith.select %eq3A_1088, %get3A_18, %get3A_1082 : vector<16xi1>, vector<16xi32>
    %swap3A_1090 = arith.constant 1 : i32
    %swap3A_1091 = arith.index_cast %swap3A_1090 : i32 to index
    %swap3A_1092 = arith.constant 432 : index
    %swap3A_1093 = tpu.vector_load %arg6[%swap3A_1091, %swap3A_1092] {strides = array<i32>} : memref<4x512xi32, #tpu.memory_space<vmem>>, vector<1x16xi32>,
    %swap3A_1094 = vector.shape_cast %swap3A_1093 : vector<1x16xi32> to vector<16xi32>
    %swap3A_1095 = vector.shape_cast %select_n3A_1089 : vector<16xi32> to vector<1x16xi32>
    tpu.vector_store %arg6[%swap3A_1091, %swap3A_1092], %swap3A_1095 {strides = array<i32>} : memref<4x512xi32, #tpu.memory_space<vmem>>, vector<1x16xi32>,
    %get3A_1096 = arith.constant 1 : i32
    %get3A_1097 = arith.index_cast %get3A_1096 : i32 to index
    %get3A_1098 = arith.constant 448 : index
    %get3A_1099 = tpu.vector_load %arg6[%get3A_1097, %get3A_1098] {strides = array<i32>} : memref<4x512xi32, #tpu.memory_space<vmem>>, vector<1x16xi32>,
    %get3A_1100 = vector.shape_cast %get3A_1099 : vector<1x16xi32> to vector<16xi32>
    %get3A_1101 = arith.constant 1 : i32
    %get3A_1102 = arith.index_cast %get3A_1101 : i32 to index
    %get3A_1103 = arith.constant 448 : index
    %get3A_1104 = tpu.vector_load %arg7[%get3A_1102, %get3A_1103] {strides = array<i32>} : memref<4x512xi32, #tpu.memory_space<vmem>>, vector<1x16xi32>,
    %get3A_1105 = vector.shape_cast %get3A_1104 : vector<1x16xi32> to vector<16xi32>
    %eq3A_1106 = arith.cmpi eq, %get3A_1100, %get3A_1105 : vector<16xi32>
    %select_n3A_1107 = arith.select %eq3A_1106, %get3A_18, %get3A_1100 : vector<16xi1>, vector<16xi32>
    %swap3A_1108 = arith.constant 1 : i32
    %swap3A_1109 = arith.index_cast %swap3A_1108 : i32 to index
    %swap3A_1110 = arith.constant 448 : index
    %swap3A_1111 = tpu.vector_load %arg6[%swap3A_1109, %swap3A_1110] {strides = array<i32>} : memref<4x512xi32, #tpu.memory_space<vmem>>, vector<1x16xi32>,
    %swap3A_1112 = vector.shape_cast %swap3A_1111 : vector<1x16xi32> to vector<16xi32>
    %swap3A_1113 = vector.shape_cast %select_n3A_1107 : vector<16xi32> to vector<1x16xi32>
    tpu.vector_store %arg6[%swap3A_1109, %swap3A_1110], %swap3A_1113 {strides = array<i32>} : memref<4x512xi32, #tpu.memory_space<vmem>>, vector<1x16xi32>,
    %get3A_1114 = arith.constant 1 : i32
    %get3A_1115 = arith.index_cast %get3A_1114 : i32 to index
    %get3A_1116 = arith.constant 464 : index
    %get3A_1117 = tpu.vector_load %arg6[%get3A_1115, %get3A_1116] {strides = array<i32>} : memref<4x512xi32, #tpu.memory_space<vmem>>, vector<1x16xi32>,
    %get3A_1118 = vector.shape_cast %get3A_1117 : vector<1x16xi32> to vector<16xi32>
    %get3A_1119 = arith.constant 1 : i32
    %get3A_1120 = arith.index_cast %get3A_1119 : i32 to index
    %get3A_1121 = arith.constant 464 : index
    %get3A_1122 = tpu.vector_load %arg7[%get3A_1120, %get3A_1121] {strides = array<i32>} : memref<4x512xi32, #tpu.memory_space<vmem>>, vector<1x16xi32>,
    %get3A_1123 = vector.shape_cast %get3A_1122 : vector<1x16xi32> to vector<16xi32>
    %eq3A_1124 = arith.cmpi eq, %get3A_1118, %get3A_1123 : vector<16xi32>
    %select_n3A_1125 = arith.select %eq3A_1124, %get3A_18, %get3A_1118 : vector<16xi1>, vector<16xi32>
    %swap3A_1126 = arith.constant 1 : i32
    %swap3A_1127 = arith.index_cast %swap3A_1126 : i32 to index
    %swap3A_1128 = arith.constant 464 : index
    %swap3A_1129 = tpu.vector_load %arg6[%swap3A_1127, %swap3A_1128] {strides = array<i32>} : memref<4x512xi32, #tpu.memory_space<vmem>>, vector<1x16xi32>,
    %swap3A_1130 = vector.shape_cast %swap3A_1129 : vector<1x16xi32> to vector<16xi32>
    %swap3A_1131 = vector.shape_cast %select_n3A_1125 : vector<16xi32> to vector<1x16xi32>
    tpu.vector_store %arg6[%swap3A_1127, %swap3A_1128], %swap3A_1131 {strides = array<i32>} : memref<4x512xi32, #tpu.memory_space<vmem>>, vector<1x16xi32>,
    %get3A_1132 = arith.constant 1 : i32
    %get3A_1133 = arith.index_cast %get3A_1132 : i32 to index
    %get3A_1134 = arith.constant 480 : index
    %get3A_1135 = tpu.vector_load %arg6[%get3A_1133, %get3A_1134] {strides = array<i32>} : memref<4x512xi32, #tpu.memory_space<vmem>>, vector<1x16xi32>,
    %get3A_1136 = vector.shape_cast %get3A_1135 : vector<1x16xi32> to vector<16xi32>
    %get3A_1137 = arith.constant 1 : i32
    %get3A_1138 = arith.index_cast %get3A_1137 : i32 to index
    %get3A_1139 = arith.constant 480 : index
    %get3A_1140 = tpu.vector_load %arg7[%get3A_1138, %get3A_1139] {strides = array<i32>} : memref<4x512xi32, #tpu.memory_space<vmem>>, vector<1x16xi32>,
    %get3A_1141 = vector.shape_cast %get3A_1140 : vector<1x16xi32> to vector<16xi32>
    %eq3A_1142 = arith.cmpi eq, %get3A_1136, %get3A_1141 : vector<16xi32>
    %select_n3A_1143 = arith.select %eq3A_1142, %get3A_18, %get3A_1136 : vector<16xi1>, vector<16xi32>
    %swap3A_1144 = arith.constant 1 : i32
    %swap3A_1145 = arith.index_cast %swap3A_1144 : i32 to index
    %swap3A_1146 = arith.constant 480 : index
    %swap3A_1147 = tpu.vector_load %arg6[%swap3A_1145, %swap3A_1146] {strides = array<i32>} : memref<4x512xi32, #tpu.memory_space<vmem>>, vector<1x16xi32>,
    %swap3A_1148 = vector.shape_cast %swap3A_1147 : vector<1x16xi32> to vector<16xi32>
    %swap3A_1149 = vector.shape_cast %select_n3A_1143 : vector<16xi32> to vector<1x16xi32>
    tpu.vector_store %arg6[%swap3A_1145, %swap3A_1146], %swap3A_1149 {strides = array<i32>} : memref<4x512xi32, #tpu.memory_space<vmem>>, vector<1x16xi32>,
    %get3A_1150 = arith.constant 1 : i32
    %get3A_1151 = arith.index_cast %get3A_1150 : i32 to index
    %get3A_1152 = arith.constant 496 : index
    %get3A_1153 = tpu.vector_load %arg6[%get3A_1151, %get3A_1152] {strides = array<i32>} : memref<4x512xi32, #tpu.memory_space<vmem>>, vector<1x16xi32>,
    %get3A_1154 = vector.shape_cast %get3A_1153 : vector<1x16xi32> to vector<16xi32>
    %get3A_1155 = arith.constant 1 : i32
    %get3A_1156 = arith.index_cast %get3A_1155 : i32 to index
    %get3A_1157 = arith.constant 496 : index
    %get3A_1158 = tpu.vector_load %arg7[%get3A_1156, %get3A_1157] {strides = array<i32>} : memref<4x512xi32, #tpu.memory_space<vmem>>, vector<1x16xi32>,
    %get3A_1159 = vector.shape_cast %get3A_1158 : vector<1x16xi32> to vector<16xi32>
    %eq3A_1160 = arith.cmpi eq, %get3A_1154, %get3A_1159 : vector<16xi32>
    %select_n3A_1161 = arith.select %eq3A_1160, %get3A_18, %get3A_1154 : vector<16xi1>, vector<16xi32>
    %swap3A_1162 = arith.constant 1 : i32
    %swap3A_1163 = arith.index_cast %swap3A_1162 : i32 to index
    %swap3A_1164 = arith.constant 496 : index
    %swap3A_1165 = tpu.vector_load %arg6[%swap3A_1163, %swap3A_1164] {strides = array<i32>} : memref<4x512xi32, #tpu.memory_space<vmem>>, vector<1x16xi32>,
    %swap3A_1166 = vector.shape_cast %swap3A_1165 : vector<1x16xi32> to vector<16xi32>
    %swap3A_1167 = vector.shape_cast %select_n3A_1161 : vector<16xi32> to vector<1x16xi32>
    tpu.vector_store %arg6[%swap3A_1163, %swap3A_1164], %swap3A_1167 {strides = array<i32>} : memref<4x512xi32, #tpu.memory_space<vmem>>, vector<1x16xi32>,
    %get3A_1168 = arith.constant 2 : i32
    %get3A_1169 = arith.index_cast %get3A_1168 : i32 to index
    %get3A_1170 = arith.constant 0 : index
    %get3A_1171 = tpu.vector_load %arg6[%get3A_1169, %get3A_1170] {strides = array<i32>} : memref<4x512xi32, #tpu.memory_space<vmem>>, vector<1x16xi32>,
    %get3A_1172 = vector.shape_cast %get3A_1171 : vector<1x16xi32> to vector<16xi32>
    %get3A_1173 = arith.constant 2 : i32
    %get3A_1174 = arith.index_cast %get3A_1173 : i32 to index
    %get3A_1175 = arith.constant 0 : index
    %get3A_1176 = tpu.vector_load %arg7[%get3A_1174, %get3A_1175] {strides = array<i32>} : memref<4x512xi32, #tpu.memory_space<vmem>>, vector<1x16xi32>,
    %get3A_1177 = vector.shape_cast %get3A_1176 : vector<1x16xi32> to vector<16xi32>
    %eq3A_1178 = arith.cmpi eq, %get3A_1172, %get3A_1177 : vector<16xi32>
    %select_n3A_1179 = arith.select %eq3A_1178, %get3A_18, %get3A_1172 : vector<16xi1>, vector<16xi32>
    %swap3A_1180 = arith.constant 2 : i32
    %swap3A_1181 = arith.index_cast %swap3A_1180 : i32 to index
    %swap3A_1182 = arith.constant 0 : index
    %swap3A_1183 = tpu.vector_load %arg6[%swap3A_1181, %swap3A_1182] {strides = array<i32>} : memref<4x512xi32, #tpu.memory_space<vmem>>, vector<1x16xi32>,
    %swap3A_1184 = vector.shape_cast %swap3A_1183 : vector<1x16xi32> to vector<16xi32>
    %swap3A_1185 = vector.shape_cast %select_n3A_1179 : vector<16xi32> to vector<1x16xi32>
    tpu.vector_store %arg6[%swap3A_1181, %swap3A_1182], %swap3A_1185 {strides = array<i32>} : memref<4x512xi32, #tpu.memory_space<vmem>>, vector<1x16xi32>,
    %get3A_1186 = arith.constant 2 : i32
    %get3A_1187 = arith.index_cast %get3A_1186 : i32 to index
    %get3A_1188 = arith.constant 16 : index
    %get3A_1189 = tpu.vector_load %arg6[%get3A_1187, %get3A_1188] {strides = array<i32>} : memref<4x512xi32, #tpu.memory_space<vmem>>, vector<1x16xi32>,
    %get3A_1190 = vector.shape_cast %get3A_1189 : vector<1x16xi32> to vector<16xi32>
    %get3A_1191 = arith.constant 2 : i32
    %get3A_1192 = arith.index_cast %get3A_1191 : i32 to index
    %get3A_1193 = arith.constant 16 : index
    %get3A_1194 = tpu.vector_load %arg7[%get3A_1192, %get3A_1193] {strides = array<i32>} : memref<4x512xi32, #tpu.memory_space<vmem>>, vector<1x16xi32>,
    %get3A_1195 = vector.shape_cast %get3A_1194 : vector<1x16xi32> to vector<16xi32>
    %eq3A_1196 = arith.cmpi eq, %get3A_1190, %get3A_1195 : vector<16xi32>
    %select_n3A_1197 = arith.select %eq3A_1196, %get3A_18, %get3A_1190 : vector<16xi1>, vector<16xi32>
    %swap3A_1198 = arith.constant 2 : i32
    %swap3A_1199 = arith.index_cast %swap3A_1198 : i32 to index
    %swap3A_1200 = arith.constant 16 : index
    %swap3A_1201 = tpu.vector_load %arg6[%swap3A_1199, %swap3A_1200] {strides = array<i32>} : memref<4x512xi32, #tpu.memory_space<vmem>>, vector<1x16xi32>,
    %swap3A_1202 = vector.shape_cast %swap3A_1201 : vector<1x16xi32> to vector<16xi32>
    %swap3A_1203 = vector.shape_cast %select_n3A_1197 : vector<16xi32> to vector<1x16xi32>
    tpu.vector_store %arg6[%swap3A_1199, %swap3A_1200], %swap3A_1203 {strides = array<i32>} : memref<4x512xi32, #tpu.memory_space<vmem>>, vector<1x16xi32>,
    %get3A_1204 = arith.constant 2 : i32
    %get3A_1205 = arith.index_cast %get3A_1204 : i32 to index
    %get3A_1206 = arith.constant 32 : index
    %get3A_1207 = tpu.vector_load %arg6[%get3A_1205, %get3A_1206] {strides = array<i32>} : memref<4x512xi32, #tpu.memory_space<vmem>>, vector<1x16xi32>,
    %get3A_1208 = vector.shape_cast %get3A_1207 : vector<1x16xi32> to vector<16xi32>
    %get3A_1209 = arith.constant 2 : i32
    %get3A_1210 = arith.index_cast %get3A_1209 : i32 to index
    %get3A_1211 = arith.constant 32 : index
    %get3A_1212 = tpu.vector_load %arg7[%get3A_1210, %get3A_1211] {strides = array<i32>} : memref<4x512xi32, #tpu.memory_space<vmem>>, vector<1x16xi32>,
    %get3A_1213 = vector.shape_cast %get3A_1212 : vector<1x16xi32> to vector<16xi32>
    %eq3A_1214 = arith.cmpi eq, %get3A_1208, %get3A_1213 : vector<16xi32>
    %select_n3A_1215 = arith.select %eq3A_1214, %get3A_18, %get3A_1208 : vector<16xi1>, vector<16xi32>
    %swap3A_1216 = arith.constant 2 : i32
    %swap3A_1217 = arith.index_cast %swap3A_1216 : i32 to index
    %swap3A_1218 = arith.constant 32 : index
    %swap3A_1219 = tpu.vector_load %arg6[%swap3A_1217, %swap3A_1218] {strides = array<i32>} : memref<4x512xi32, #tpu.memory_space<vmem>>, vector<1x16xi32>,
    %swap3A_1220 = vector.shape_cast %swap3A_1219 : vector<1x16xi32> to vector<16xi32>
    %swap3A_1221 = vector.shape_cast %select_n3A_1215 : vector<16xi32> to vector<1x16xi32>
    tpu.vector_store %arg6[%swap3A_1217, %swap3A_1218], %swap3A_1221 {strides = array<i32>} : memref<4x512xi32, #tpu.memory_space<vmem>>, vector<1x16xi32>,
    %get3A_1222 = arith.constant 2 : i32
    %get3A_1223 = arith.index_cast %get3A_1222 : i32 to index
    %get3A_1224 = arith.constant 48 : index
    %get3A_1225 = tpu.vector_load %arg6[%get3A_1223, %get3A_1224] {strides = array<i32>} : memref<4x512xi32, #tpu.memory_space<vmem>>, vector<1x16xi32>,
    %get3A_1226 = vector.shape_cast %get3A_1225 : vector<1x16xi32> to vector<16xi32>
    %get3A_1227 = arith.constant 2 : i32
    %get3A_1228 = arith.index_cast %get3A_1227 : i32 to index
    %get3A_1229 = arith.constant 48 : index
    %get3A_1230 = tpu.vector_load %arg7[%get3A_1228, %get3A_1229] {strides = array<i32>} : memref<4x512xi32, #tpu.memory_space<vmem>>, vector<1x16xi32>,
    %get3A_1231 = vector.shape_cast %get3A_1230 : vector<1x16xi32> to vector<16xi32>
    %eq3A_1232 = arith.cmpi eq, %get3A_1226, %get3A_1231 : vector<16xi32>
    %select_n3A_1233 = arith.select %eq3A_1232, %get3A_18, %get3A_1226 : vector<16xi1>, vector<16xi32>
    %swap3A_1234 = arith.constant 2 : i32
    %swap3A_1235 = arith.index_cast %swap3A_1234 : i32 to index
    %swap3A_1236 = arith.constant 48 : index
    %swap3A_1237 = tpu.vector_load %arg6[%swap3A_1235, %swap3A_1236] {strides = array<i32>} : memref<4x512xi32, #tpu.memory_space<vmem>>, vector<1x16xi32>,
    %swap3A_1238 = vector.shape_cast %swap3A_1237 : vector<1x16xi32> to vector<16xi32>
    %swap3A_1239 = vector.shape_cast %select_n3A_1233 : vector<16xi32> to vector<1x16xi32>
    tpu.vector_store %arg6[%swap3A_1235, %swap3A_1236], %swap3A_1239 {strides = array<i32>} : memref<4x512xi32, #tpu.memory_space<vmem>>, vector<1x16xi32>,
    %get3A_1240 = arith.constant 2 : i32
    %get3A_1241 = arith.index_cast %get3A_1240 : i32 to index
    %get3A_1242 = arith.constant 64 : index
    %get3A_1243 = tpu.vector_load %arg6[%get3A_1241, %get3A_1242] {strides = array<i32>} : memref<4x512xi32, #tpu.memory_space<vmem>>, vector<1x16xi32>,
    %get3A_1244 = vector.shape_cast %get3A_1243 : vector<1x16xi32> to vector<16xi32>
    %get3A_1245 = arith.constant 2 : i32
    %get3A_1246 = arith.index_cast %get3A_1245 : i32 to index
    %get3A_1247 = arith.constant 64 : index
    %get3A_1248 = tpu.vector_load %arg7[%get3A_1246, %get3A_1247] {strides = array<i32>} : memref<4x512xi32, #tpu.memory_space<vmem>>, vector<1x16xi32>,
    %get3A_1249 = vector.shape_cast %get3A_1248 : vector<1x16xi32> to vector<16xi32>
    %eq3A_1250 = arith.cmpi eq, %get3A_1244, %get3A_1249 : vector<16xi32>
    %select_n3A_1251 = arith.select %eq3A_1250, %get3A_18, %get3A_1244 : vector<16xi1>, vector<16xi32>
    %swap3A_1252 = arith.constant 2 : i32
    %swap3A_1253 = arith.index_cast %swap3A_1252 : i32 to index
    %swap3A_1254 = arith.constant 64 : index
    %swap3A_1255 = tpu.vector_load %arg6[%swap3A_1253, %swap3A_1254] {strides = array<i32>} : memref<4x512xi32, #tpu.memory_space<vmem>>, vector<1x16xi32>,
    %swap3A_1256 = vector.shape_cast %swap3A_1255 : vector<1x16xi32> to vector<16xi32>
    %swap3A_1257 = vector.shape_cast %select_n3A_1251 : vector<16xi32> to vector<1x16xi32>
    tpu.vector_store %arg6[%swap3A_1253, %swap3A_1254], %swap3A_1257 {strides = array<i32>} : memref<4x512xi32, #tpu.memory_space<vmem>>, vector<1x16xi32>,
    %get3A_1258 = arith.constant 2 : i32
    %get3A_1259 = arith.index_cast %get3A_1258 : i32 to index
    %get3A_1260 = arith.constant 80 : index
    %get3A_1261 = tpu.vector_load %arg6[%get3A_1259, %get3A_1260] {strides = array<i32>} : memref<4x512xi32, #tpu.memory_space<vmem>>, vector<1x16xi32>,
    %get3A_1262 = vector.shape_cast %get3A_1261 : vector<1x16xi32> to vector<16xi32>
    %get3A_1263 = arith.constant 2 : i32
    %get3A_1264 = arith.index_cast %get3A_1263 : i32 to index
    %get3A_1265 = arith.constant 80 : index
    %get3A_1266 = tpu.vector_load %arg7[%get3A_1264, %get3A_1265] {strides = array<i32>} : memref<4x512xi32, #tpu.memory_space<vmem>>, vector<1x16xi32>,
    %get3A_1267 = vector.shape_cast %get3A_1266 : vector<1x16xi32> to vector<16xi32>
    %eq3A_1268 = arith.cmpi eq, %get3A_1262, %get3A_1267 : vector<16xi32>
    %select_n3A_1269 = arith.select %eq3A_1268, %get3A_18, %get3A_1262 : vector<16xi1>, vector<16xi32>
    %swap3A_1270 = arith.constant 2 : i32
    %swap3A_1271 = arith.index_cast %swap3A_1270 : i32 to index
    %swap3A_1272 = arith.constant 80 : index
    %swap3A_1273 = tpu.vector_load %arg6[%swap3A_1271, %swap3A_1272] {strides = array<i32>} : memref<4x512xi32, #tpu.memory_space<vmem>>, vector<1x16xi32>,
    %swap3A_1274 = vector.shape_cast %swap3A_1273 : vector<1x16xi32> to vector<16xi32>
    %swap3A_1275 = vector.shape_cast %select_n3A_1269 : vector<16xi32> to vector<1x16xi32>
    tpu.vector_store %arg6[%swap3A_1271, %swap3A_1272], %swap3A_1275 {strides = array<i32>} : memref<4x512xi32, #tpu.memory_space<vmem>>, vector<1x16xi32>,
    %get3A_1276 = arith.constant 2 : i32
    %get3A_1277 = arith.index_cast %get3A_1276 : i32 to index
    %get3A_1278 = arith.constant 96 : index
    %get3A_1279 = tpu.vector_load %arg6[%get3A_1277, %get3A_1278] {strides = array<i32>} : memref<4x512xi32, #tpu.memory_space<vmem>>, vector<1x16xi32>,
    %get3A_1280 = vector.shape_cast %get3A_1279 : vector<1x16xi32> to vector<16xi32>
    %get3A_1281 = arith.constant 2 : i32
    %get3A_1282 = arith.index_cast %get3A_1281 : i32 to index
    %get3A_1283 = arith.constant 96 : index
    %get3A_1284 = tpu.vector_load %arg7[%get3A_1282, %get3A_1283] {strides = array<i32>} : memref<4x512xi32, #tpu.memory_space<vmem>>, vector<1x16xi32>,
    %get3A_1285 = vector.shape_cast %get3A_1284 : vector<1x16xi32> to vector<16xi32>
    %eq3A_1286 = arith.cmpi eq, %get3A_1280, %get3A_1285 : vector<16xi32>
    %select_n3A_1287 = arith.select %eq3A_1286, %get3A_18, %get3A_1280 : vector<16xi1>, vector<16xi32>
    %swap3A_1288 = arith.constant 2 : i32
    %swap3A_1289 = arith.index_cast %swap3A_1288 : i32 to index
    %swap3A_1290 = arith.constant 96 : index
    %swap3A_1291 = tpu.vector_load %arg6[%swap3A_1289, %swap3A_1290] {strides = array<i32>} : memref<4x512xi32, #tpu.memory_space<vmem>>, vector<1x16xi32>,
    %swap3A_1292 = vector.shape_cast %swap3A_1291 : vector<1x16xi32> to vector<16xi32>
    %swap3A_1293 = vector.shape_cast %select_n3A_1287 : vector<16xi32> to vector<1x16xi32>
    tpu.vector_store %arg6[%swap3A_1289, %swap3A_1290], %swap3A_1293 {strides = array<i32>} : memref<4x512xi32, #tpu.memory_space<vmem>>, vector<1x16xi32>,
    %get3A_1294 = arith.constant 2 : i32
    %get3A_1295 = arith.index_cast %get3A_1294 : i32 to index
    %get3A_1296 = arith.constant 112 : index
    %get3A_1297 = tpu.vector_load %arg6[%get3A_1295, %get3A_1296] {strides = array<i32>} : memref<4x512xi32, #tpu.memory_space<vmem>>, vector<1x16xi32>,
    %get3A_1298 = vector.shape_cast %get3A_1297 : vector<1x16xi32> to vector<16xi32>
    %get3A_1299 = arith.constant 2 : i32
    %get3A_1300 = arith.index_cast %get3A_1299 : i32 to index
    %get3A_1301 = arith.constant 112 : index
    %get3A_1302 = tpu.vector_load %arg7[%get3A_1300, %get3A_1301] {strides = array<i32>} : memref<4x512xi32, #tpu.memory_space<vmem>>, vector<1x16xi32>,
    %get3A_1303 = vector.shape_cast %get3A_1302 : vector<1x16xi32> to vector<16xi32>
    %eq3A_1304 = arith.cmpi eq, %get3A_1298, %get3A_1303 : vector<16xi32>
    %select_n3A_1305 = arith.select %eq3A_1304, %get3A_18, %get3A_1298 : vector<16xi1>, vector<16xi32>
    %swap3A_1306 = arith.constant 2 : i32
    %swap3A_1307 = arith.index_cast %swap3A_1306 : i32 to index
    %swap3A_1308 = arith.constant 112 : index
    %swap3A_1309 = tpu.vector_load %arg6[%swap3A_1307, %swap3A_1308] {strides = array<i32>} : memref<4x512xi32, #tpu.memory_space<vmem>>, vector<1x16xi32>,
    %swap3A_1310 = vector.shape_cast %swap3A_1309 : vector<1x16xi32> to vector<16xi32>
    %swap3A_1311 = vector.shape_cast %select_n3A_1305 : vector<16xi32> to vector<1x16xi32>
    tpu.vector_store %arg6[%swap3A_1307, %swap3A_1308], %swap3A_1311 {strides = array<i32>} : memref<4x512xi32, #tpu.memory_space<vmem>>, vector<1x16xi32>,
    %get3A_1312 = arith.constant 2 : i32
    %get3A_1313 = arith.index_cast %get3A_1312 : i32 to index
    %get3A_1314 = arith.constant 128 : index
    %get3A_1315 = tpu.vector_load %arg6[%get3A_1313, %get3A_1314] {strides = array<i32>} : memref<4x512xi32, #tpu.memory_space<vmem>>, vector<1x16xi32>,
    %get3A_1316 = vector.shape_cast %get3A_1315 : vector<1x16xi32> to vector<16xi32>
    %get3A_1317 = arith.constant 2 : i32
    %get3A_1318 = arith.index_cast %get3A_1317 : i32 to index
    %get3A_1319 = arith.constant 128 : index
    %get3A_1320 = tpu.vector_load %arg7[%get3A_1318, %get3A_1319] {strides = array<i32>} : memref<4x512xi32, #tpu.memory_space<vmem>>, vector<1x16xi32>,
    %get3A_1321 = vector.shape_cast %get3A_1320 : vector<1x16xi32> to vector<16xi32>
    %eq3A_1322 = arith.cmpi eq, %get3A_1316, %get3A_1321 : vector<16xi32>
    %select_n3A_1323 = arith.select %eq3A_1322, %get3A_18, %get3A_1316 : vector<16xi1>, vector<16xi32>
    %swap3A_1324 = arith.constant 2 : i32
    %swap3A_1325 = arith.index_cast %swap3A_1324 : i32 to index
    %swap3A_1326 = arith.constant 128 : index
    %swap3A_1327 = tpu.vector_load %arg6[%swap3A_1325, %swap3A_1326] {strides = array<i32>} : memref<4x512xi32, #tpu.memory_space<vmem>>, vector<1x16xi32>,
    %swap3A_1328 = vector.shape_cast %swap3A_1327 : vector<1x16xi32> to vector<16xi32>
    %swap3A_1329 = vector.shape_cast %select_n3A_1323 : vector<16xi32> to vector<1x16xi32>
    tpu.vector_store %arg6[%swap3A_1325, %swap3A_1326], %swap3A_1329 {strides = array<i32>} : memref<4x512xi32, #tpu.memory_space<vmem>>, vector<1x16xi32>,
    %get3A_1330 = arith.constant 2 : i32
    %get3A_1331 = arith.index_cast %get3A_1330 : i32 to index
    %get3A_1332 = arith.constant 144 : index
    %get3A_1333 = tpu.vector_load %arg6[%get3A_1331, %get3A_1332] {strides = array<i32>} : memref<4x512xi32, #tpu.memory_space<vmem>>, vector<1x16xi32>,
    %get3A_1334 = vector.shape_cast %get3A_1333 : vector<1x16xi32> to vector<16xi32>
    %get3A_1335 = arith.constant 2 : i32
    %get3A_1336 = arith.index_cast %get3A_1335 : i32 to index
    %get3A_1337 = arith.constant 144 : index
    %get3A_1338 = tpu.vector_load %arg7[%get3A_1336, %get3A_1337] {strides = array<i32>} : memref<4x512xi32, #tpu.memory_space<vmem>>, vector<1x16xi32>,
    %get3A_1339 = vector.shape_cast %get3A_1338 : vector<1x16xi32> to vector<16xi32>
    %eq3A_1340 = arith.cmpi eq, %get3A_1334, %get3A_1339 : vector<16xi32>
    %select_n3A_1341 = arith.select %eq3A_1340, %get3A_18, %get3A_1334 : vector<16xi1>, vector<16xi32>
    %swap3A_1342 = arith.constant 2 : i32
    %swap3A_1343 = arith.index_cast %swap3A_1342 : i32 to index
    %swap3A_1344 = arith.constant 144 : index
    %swap3A_1345 = tpu.vector_load %arg6[%swap3A_1343, %swap3A_1344] {strides = array<i32>} : memref<4x512xi32, #tpu.memory_space<vmem>>, vector<1x16xi32>,
    %swap3A_1346 = vector.shape_cast %swap3A_1345 : vector<1x16xi32> to vector<16xi32>
    %swap3A_1347 = vector.shape_cast %select_n3A_1341 : vector<16xi32> to vector<1x16xi32>
    tpu.vector_store %arg6[%swap3A_1343, %swap3A_1344], %swap3A_1347 {strides = array<i32>} : memref<4x512xi32, #tpu.memory_space<vmem>>, vector<1x16xi32>,
    %get3A_1348 = arith.constant 2 : i32
    %get3A_1349 = arith.index_cast %get3A_1348 : i32 to index
    %get3A_1350 = arith.constant 160 : index
    %get3A_1351 = tpu.vector_load %arg6[%get3A_1349, %get3A_1350] {strides = array<i32>} : memref<4x512xi32, #tpu.memory_space<vmem>>, vector<1x16xi32>,
    %get3A_1352 = vector.shape_cast %get3A_1351 : vector<1x16xi32> to vector<16xi32>
    %get3A_1353 = arith.constant 2 : i32
    %get3A_1354 = arith.index_cast %get3A_1353 : i32 to index
    %get3A_1355 = arith.constant 160 : index
    %get3A_1356 = tpu.vector_load %arg7[%get3A_1354, %get3A_1355] {strides = array<i32>} : memref<4x512xi32, #tpu.memory_space<vmem>>, vector<1x16xi32>,
    %get3A_1357 = vector.shape_cast %get3A_1356 : vector<1x16xi32> to vector<16xi32>
    %eq3A_1358 = arith.cmpi eq, %get3A_1352, %get3A_1357 : vector<16xi32>
    %select_n3A_1359 = arith.select %eq3A_1358, %get3A_18, %get3A_1352 : vector<16xi1>, vector<16xi32>
    %swap3A_1360 = arith.constant 2 : i32
    %swap3A_1361 = arith.index_cast %swap3A_1360 : i32 to index
    %swap3A_1362 = arith.constant 160 : index
    %swap3A_1363 = tpu.vector_load %arg6[%swap3A_1361, %swap3A_1362] {strides = array<i32>} : memref<4x512xi32, #tpu.memory_space<vmem>>, vector<1x16xi32>,
    %swap3A_1364 = vector.shape_cast %swap3A_1363 : vector<1x16xi32> to vector<16xi32>
    %swap3A_1365 = vector.shape_cast %select_n3A_1359 : vector<16xi32> to vector<1x16xi32>
    tpu.vector_store %arg6[%swap3A_1361, %swap3A_1362], %swap3A_1365 {strides = array<i32>} : memref<4x512xi32, #tpu.memory_space<vmem>>, vector<1x16xi32>,
    %get3A_1366 = arith.constant 2 : i32
    %get3A_1367 = arith.index_cast %get3A_1366 : i32 to index
    %get3A_1368 = arith.constant 176 : index
    %get3A_1369 = tpu.vector_load %arg6[%get3A_1367, %get3A_1368] {strides = array<i32>} : memref<4x512xi32, #tpu.memory_space<vmem>>, vector<1x16xi32>,
    %get3A_1370 = vector.shape_cast %get3A_1369 : vector<1x16xi32> to vector<16xi32>
    %get3A_1371 = arith.constant 2 : i32
    %get3A_1372 = arith.index_cast %get3A_1371 : i32 to index
    %get3A_1373 = arith.constant 176 : index
    %get3A_1374 = tpu.vector_load %arg7[%get3A_1372, %get3A_1373] {strides = array<i32>} : memref<4x512xi32, #tpu.memory_space<vmem>>, vector<1x16xi32>,
    %get3A_1375 = vector.shape_cast %get3A_1374 : vector<1x16xi32> to vector<16xi32>
    %eq3A_1376 = arith.cmpi eq, %get3A_1370, %get3A_1375 : vector<16xi32>
    %select_n3A_1377 = arith.select %eq3A_1376, %get3A_18, %get3A_1370 : vector<16xi1>, vector<16xi32>
    %swap3A_1378 = arith.constant 2 : i32
    %swap3A_1379 = arith.index_cast %swap3A_1378 : i32 to index
    %swap3A_1380 = arith.constant 176 : index
    %swap3A_1381 = tpu.vector_load %arg6[%swap3A_1379, %swap3A_1380] {strides = array<i32>} : memref<4x512xi32, #tpu.memory_space<vmem>>, vector<1x16xi32>,
    %swap3A_1382 = vector.shape_cast %swap3A_1381 : vector<1x16xi32> to vector<16xi32>
    %swap3A_1383 = vector.shape_cast %select_n3A_1377 : vector<16xi32> to vector<1x16xi32>
    tpu.vector_store %arg6[%swap3A_1379, %swap3A_1380], %swap3A_1383 {strides = array<i32>} : memref<4x512xi32, #tpu.memory_space<vmem>>, vector<1x16xi32>,
    %get3A_1384 = arith.constant 2 : i32
    %get3A_1385 = arith.index_cast %get3A_1384 : i32 to index
    %get3A_1386 = arith.constant 192 : index
    %get3A_1387 = tpu.vector_load %arg6[%get3A_1385, %get3A_1386] {strides = array<i32>} : memref<4x512xi32, #tpu.memory_space<vmem>>, vector<1x16xi32>,
    %get3A_1388 = vector.shape_cast %get3A_1387 : vector<1x16xi32> to vector<16xi32>
    %get3A_1389 = arith.constant 2 : i32
    %get3A_1390 = arith.index_cast %get3A_1389 : i32 to index
    %get3A_1391 = arith.constant 192 : index
    %get3A_1392 = tpu.vector_load %arg7[%get3A_1390, %get3A_1391] {strides = array<i32>} : memref<4x512xi32, #tpu.memory_space<vmem>>, vector<1x16xi32>,
    %get3A_1393 = vector.shape_cast %get3A_1392 : vector<1x16xi32> to vector<16xi32>
    %eq3A_1394 = arith.cmpi eq, %get3A_1388, %get3A_1393 : vector<16xi32>
    %select_n3A_1395 = arith.select %eq3A_1394, %get3A_18, %get3A_1388 : vector<16xi1>, vector<16xi32>
    %swap3A_1396 = arith.constant 2 : i32
    %swap3A_1397 = arith.index_cast %swap3A_1396 : i32 to index
    %swap3A_1398 = arith.constant 192 : index
    %swap3A_1399 = tpu.vector_load %arg6[%swap3A_1397, %swap3A_1398] {strides = array<i32>} : memref<4x512xi32, #tpu.memory_space<vmem>>, vector<1x16xi32>,
    %swap3A_1400 = vector.shape_cast %swap3A_1399 : vector<1x16xi32> to vector<16xi32>
    %swap3A_1401 = vector.shape_cast %select_n3A_1395 : vector<16xi32> to vector<1x16xi32>
    tpu.vector_store %arg6[%swap3A_1397, %swap3A_1398], %swap3A_1401 {strides = array<i32>} : memref<4x512xi32, #tpu.memory_space<vmem>>, vector<1x16xi32>,
    %get3A_1402 = arith.constant 2 : i32
    %get3A_1403 = arith.index_cast %get3A_1402 : i32 to index
    %get3A_1404 = arith.constant 208 : index
    %get3A_1405 = tpu.vector_load %arg6[%get3A_1403, %get3A_1404] {strides = array<i32>} : memref<4x512xi32, #tpu.memory_space<vmem>>, vector<1x16xi32>,
    %get3A_1406 = vector.shape_cast %get3A_1405 : vector<1x16xi32> to vector<16xi32>
    %get3A_1407 = arith.constant 2 : i32
    %get3A_1408 = arith.index_cast %get3A_1407 : i32 to index
    %get3A_1409 = arith.constant 208 : index
    %get3A_1410 = tpu.vector_load %arg7[%get3A_1408, %get3A_1409] {strides = array<i32>} : memref<4x512xi32, #tpu.memory_space<vmem>>, vector<1x16xi32>,
    %get3A_1411 = vector.shape_cast %get3A_1410 : vector<1x16xi32> to vector<16xi32>
    %eq3A_1412 = arith.cmpi eq, %get3A_1406, %get3A_1411 : vector<16xi32>
    %select_n3A_1413 = arith.select %eq3A_1412, %get3A_18, %get3A_1406 : vector<16xi1>, vector<16xi32>
    %swap3A_1414 = arith.constant 2 : i32
    %swap3A_1415 = arith.index_cast %swap3A_1414 : i32 to index
    %swap3A_1416 = arith.constant 208 : index
    %swap3A_1417 = tpu.vector_load %arg6[%swap3A_1415, %swap3A_1416] {strides = array<i32>} : memref<4x512xi32, #tpu.memory_space<vmem>>, vector<1x16xi32>,
    %swap3A_1418 = vector.shape_cast %swap3A_1417 : vector<1x16xi32> to vector<16xi32>
    %swap3A_1419 = vector.shape_cast %select_n3A_1413 : vector<16xi32> to vector<1x16xi32>
    tpu.vector_store %arg6[%swap3A_1415, %swap3A_1416], %swap3A_1419 {strides = array<i32>} : memref<4x512xi32, #tpu.memory_space<vmem>>, vector<1x16xi32>,
    %get3A_1420 = arith.constant 2 : i32
    %get3A_1421 = arith.index_cast %get3A_1420 : i32 to index
    %get3A_1422 = arith.constant 224 : index
    %get3A_1423 = tpu.vector_load %arg6[%get3A_1421, %get3A_1422] {strides = array<i32>} : memref<4x512xi32, #tpu.memory_space<vmem>>, vector<1x16xi32>,
    %get3A_1424 = vector.shape_cast %get3A_1423 : vector<1x16xi32> to vector<16xi32>
    %get3A_1425 = arith.constant 2 : i32
    %get3A_1426 = arith.index_cast %get3A_1425 : i32 to index
    %get3A_1427 = arith.constant 224 : index
    %get3A_1428 = tpu.vector_load %arg7[%get3A_1426, %get3A_1427] {strides = array<i32>} : memref<4x512xi32, #tpu.memory_space<vmem>>, vector<1x16xi32>,
    %get3A_1429 = vector.shape_cast %get3A_1428 : vector<1x16xi32> to vector<16xi32>
    %eq3A_1430 = arith.cmpi eq, %get3A_1424, %get3A_1429 : vector<16xi32>
    %select_n3A_1431 = arith.select %eq3A_1430, %get3A_18, %get3A_1424 : vector<16xi1>, vector<16xi32>
    %swap3A_1432 = arith.constant 2 : i32
    %swap3A_1433 = arith.index_cast %swap3A_1432 : i32 to index
    %swap3A_1434 = arith.constant 224 : index
    %swap3A_1435 = tpu.vector_load %arg6[%swap3A_1433, %swap3A_1434] {strides = array<i32>} : memref<4x512xi32, #tpu.memory_space<vmem>>, vector<1x16xi32>,
    %swap3A_1436 = vector.shape_cast %swap3A_1435 : vector<1x16xi32> to vector<16xi32>
    %swap3A_1437 = vector.shape_cast %select_n3A_1431 : vector<16xi32> to vector<1x16xi32>
    tpu.vector_store %arg6[%swap3A_1433, %swap3A_1434], %swap3A_1437 {strides = array<i32>} : memref<4x512xi32, #tpu.memory_space<vmem>>, vector<1x16xi32>,
    %get3A_1438 = arith.constant 2 : i32
    %get3A_1439 = arith.index_cast %get3A_1438 : i32 to index
    %get3A_1440 = arith.constant 240 : index
    %get3A_1441 = tpu.vector_load %arg6[%get3A_1439, %get3A_1440] {strides = array<i32>} : memref<4x512xi32, #tpu.memory_space<vmem>>, vector<1x16xi32>,
    %get3A_1442 = vector.shape_cast %get3A_1441 : vector<1x16xi32> to vector<16xi32>
    %get3A_1443 = arith.constant 2 : i32
    %get3A_1444 = arith.index_cast %get3A_1443 : i32 to index
    %get3A_1445 = arith.constant 240 : index
    %get3A_1446 = tpu.vector_load %arg7[%get3A_1444, %get3A_1445] {strides = array<i32>} : memref<4x512xi32, #tpu.memory_space<vmem>>, vector<1x16xi32>,
    %get3A_1447 = vector.shape_cast %get3A_1446 : vector<1x16xi32> to vector<16xi32>
    %eq3A_1448 = arith.cmpi eq, %get3A_1442, %get3A_1447 : vector<16xi32>
    %select_n3A_1449 = arith.select %eq3A_1448, %get3A_18, %get3A_1442 : vector<16xi1>, vector<16xi32>
    %swap3A_1450 = arith.constant 2 : i32
    %swap3A_1451 = arith.index_cast %swap3A_1450 : i32 to index
    %swap3A_1452 = arith.constant 240 : index
    %swap3A_1453 = tpu.vector_load %arg6[%swap3A_1451, %swap3A_1452] {strides = array<i32>} : memref<4x512xi32, #tpu.memory_space<vmem>>, vector<1x16xi32>,
    %swap3A_1454 = vector.shape_cast %swap3A_1453 : vector<1x16xi32> to vector<16xi32>
    %swap3A_1455 = vector.shape_cast %select_n3A_1449 : vector<16xi32> to vector<1x16xi32>
    tpu.vector_store %arg6[%swap3A_1451, %swap3A_1452], %swap3A_1455 {strides = array<i32>} : memref<4x512xi32, #tpu.memory_space<vmem>>, vector<1x16xi32>,
    %get3A_1456 = arith.constant 2 : i32
    %get3A_1457 = arith.index_cast %get3A_1456 : i32 to index
    %get3A_1458 = arith.constant 256 : index
    %get3A_1459 = tpu.vector_load %arg6[%get3A_1457, %get3A_1458] {strides = array<i32>} : memref<4x512xi32, #tpu.memory_space<vmem>>, vector<1x16xi32>,
    %get3A_1460 = vector.shape_cast %get3A_1459 : vector<1x16xi32> to vector<16xi32>
    %get3A_1461 = arith.constant 2 : i32
    %get3A_1462 = arith.index_cast %get3A_1461 : i32 to index
    %get3A_1463 = arith.constant 256 : index
    %get3A_1464 = tpu.vector_load %arg7[%get3A_1462, %get3A_1463] {strides = array<i32>} : memref<4x512xi32, #tpu.memory_space<vmem>>, vector<1x16xi32>,
    %get3A_1465 = vector.shape_cast %get3A_1464 : vector<1x16xi32> to vector<16xi32>
    %eq3A_1466 = arith.cmpi eq, %get3A_1460, %get3A_1465 : vector<16xi32>
    %select_n3A_1467 = arith.select %eq3A_1466, %get3A_18, %get3A_1460 : vector<16xi1>, vector<16xi32>
    %swap3A_1468 = arith.constant 2 : i32
    %swap3A_1469 = arith.index_cast %swap3A_1468 : i32 to index
    %swap3A_1470 = arith.constant 256 : index
    %swap3A_1471 = tpu.vector_load %arg6[%swap3A_1469, %swap3A_1470] {strides = array<i32>} : memref<4x512xi32, #tpu.memory_space<vmem>>, vector<1x16xi32>,
    %swap3A_1472 = vector.shape_cast %swap3A_1471 : vector<1x16xi32> to vector<16xi32>
    %swap3A_1473 = vector.shape_cast %select_n3A_1467 : vector<16xi32> to vector<1x16xi32>
    tpu.vector_store %arg6[%swap3A_1469, %swap3A_1470], %swap3A_1473 {strides = array<i32>} : memref<4x512xi32, #tpu.memory_space<vmem>>, vector<1x16xi32>,
    %get3A_1474 = arith.constant 2 : i32
    %get3A_1475 = arith.index_cast %get3A_1474 : i32 to index
    %get3A_1476 = arith.constant 272 : index
    %get3A_1477 = tpu.vector_load %arg6[%get3A_1475, %get3A_1476] {strides = array<i32>} : memref<4x512xi32, #tpu.memory_space<vmem>>, vector<1x16xi32>,
    %get3A_1478 = vector.shape_cast %get3A_1477 : vector<1x16xi32> to vector<16xi32>
    %get3A_1479 = arith.constant 2 : i32
    %get3A_1480 = arith.index_cast %get3A_1479 : i32 to index
    %get3A_1481 = arith.constant 272 : index
    %get3A_1482 = tpu.vector_load %arg7[%get3A_1480, %get3A_1481] {strides = array<i32>} : memref<4x512xi32, #tpu.memory_space<vmem>>, vector<1x16xi32>,
    %get3A_1483 = vector.shape_cast %get3A_1482 : vector<1x16xi32> to vector<16xi32>
    %eq3A_1484 = arith.cmpi eq, %get3A_1478, %get3A_1483 : vector<16xi32>
    %select_n3A_1485 = arith.select %eq3A_1484, %get3A_18, %get3A_1478 : vector<16xi1>, vector<16xi32>
    %swap3A_1486 = arith.constant 2 : i32
    %swap3A_1487 = arith.index_cast %swap3A_1486 : i32 to index
    %swap3A_1488 = arith.constant 272 : index
    %swap3A_1489 = tpu.vector_load %arg6[%swap3A_1487, %swap3A_1488] {strides = array<i32>} : memref<4x512xi32, #tpu.memory_space<vmem>>, vector<1x16xi32>,
    %swap3A_1490 = vector.shape_cast %swap3A_1489 : vector<1x16xi32> to vector<16xi32>
    %swap3A_1491 = vector.shape_cast %select_n3A_1485 : vector<16xi32> to vector<1x16xi32>
    tpu.vector_store %arg6[%swap3A_1487, %swap3A_1488], %swap3A_1491 {strides = array<i32>} : memref<4x512xi32, #tpu.memory_space<vmem>>, vector<1x16xi32>,
    %get3A_1492 = arith.constant 2 : i32
    %get3A_1493 = arith.index_cast %get3A_1492 : i32 to index
    %get3A_1494 = arith.constant 288 : index
    %get3A_1495 = tpu.vector_load %arg6[%get3A_1493, %get3A_1494] {strides = array<i32>} : memref<4x512xi32, #tpu.memory_space<vmem>>, vector<1x16xi32>,
    %get3A_1496 = vector.shape_cast %get3A_1495 : vector<1x16xi32> to vector<16xi32>
    %get3A_1497 = arith.constant 2 : i32
    %get3A_1498 = arith.index_cast %get3A_1497 : i32 to index
    %get3A_1499 = arith.constant 288 : index
    %get3A_1500 = tpu.vector_load %arg7[%get3A_1498, %get3A_1499] {strides = array<i32>} : memref<4x512xi32, #tpu.memory_space<vmem>>, vector<1x16xi32>,
    %get3A_1501 = vector.shape_cast %get3A_1500 : vector<1x16xi32> to vector<16xi32>
    %eq3A_1502 = arith.cmpi eq, %get3A_1496, %get3A_1501 : vector<16xi32>
    %select_n3A_1503 = arith.select %eq3A_1502, %get3A_18, %get3A_1496 : vector<16xi1>, vector<16xi32>
    %swap3A_1504 = arith.constant 2 : i32
    %swap3A_1505 = arith.index_cast %swap3A_1504 : i32 to index
    %swap3A_1506 = arith.constant 288 : index
    %swap3A_1507 = tpu.vector_load %arg6[%swap3A_1505, %swap3A_1506] {strides = array<i32>} : memref<4x512xi32, #tpu.memory_space<vmem>>, vector<1x16xi32>,
    %swap3A_1508 = vector.shape_cast %swap3A_1507 : vector<1x16xi32> to vector<16xi32>
    %swap3A_1509 = vector.shape_cast %select_n3A_1503 : vector<16xi32> to vector<1x16xi32>
    tpu.vector_store %arg6[%swap3A_1505, %swap3A_1506], %swap3A_1509 {strides = array<i32>} : memref<4x512xi32, #tpu.memory_space<vmem>>, vector<1x16xi32>,
    %get3A_1510 = arith.constant 2 : i32
    %get3A_1511 = arith.index_cast %get3A_1510 : i32 to index
    %get3A_1512 = arith.constant 304 : index
    %get3A_1513 = tpu.vector_load %arg6[%get3A_1511, %get3A_1512] {strides = array<i32>} : memref<4x512xi32, #tpu.memory_space<vmem>>, vector<1x16xi32>,
    %get3A_1514 = vector.shape_cast %get3A_1513 : vector<1x16xi32> to vector<16xi32>
    %get3A_1515 = arith.constant 2 : i32
    %get3A_1516 = arith.index_cast %get3A_1515 : i32 to index
    %get3A_1517 = arith.constant 304 : index
    %get3A_1518 = tpu.vector_load %arg7[%get3A_1516, %get3A_1517] {strides = array<i32>} : memref<4x512xi32, #tpu.memory_space<vmem>>, vector<1x16xi32>,
    %get3A_1519 = vector.shape_cast %get3A_1518 : vector<1x16xi32> to vector<16xi32>
    %eq3A_1520 = arith.cmpi eq, %get3A_1514, %get3A_1519 : vector<16xi32>
    %select_n3A_1521 = arith.select %eq3A_1520, %get3A_18, %get3A_1514 : vector<16xi1>, vector<16xi32>
    %swap3A_1522 = arith.constant 2 : i32
    %swap3A_1523 = arith.index_cast %swap3A_1522 : i32 to index
    %swap3A_1524 = arith.constant 304 : index
    %swap3A_1525 = tpu.vector_load %arg6[%swap3A_1523, %swap3A_1524] {strides = array<i32>} : memref<4x512xi32, #tpu.memory_space<vmem>>, vector<1x16xi32>,
    %swap3A_1526 = vector.shape_cast %swap3A_1525 : vector<1x16xi32> to vector<16xi32>
    %swap3A_1527 = vector.shape_cast %select_n3A_1521 : vector<16xi32> to vector<1x16xi32>
    tpu.vector_store %arg6[%swap3A_1523, %swap3A_1524], %swap3A_1527 {strides = array<i32>} : memref<4x512xi32, #tpu.memory_space<vmem>>, vector<1x16xi32>,
    %get3A_1528 = arith.constant 2 : i32
    %get3A_1529 = arith.index_cast %get3A_1528 : i32 to index
    %get3A_1530 = arith.constant 320 : index
    %get3A_1531 = tpu.vector_load %arg6[%get3A_1529, %get3A_1530] {strides = array<i32>} : memref<4x512xi32, #tpu.memory_space<vmem>>, vector<1x16xi32>,
    %get3A_1532 = vector.shape_cast %get3A_1531 : vector<1x16xi32> to vector<16xi32>
    %get3A_1533 = arith.constant 2 : i32
    %get3A_1534 = arith.index_cast %get3A_1533 : i32 to index
    %get3A_1535 = arith.constant 320 : index
    %get3A_1536 = tpu.vector_load %arg7[%get3A_1534, %get3A_1535] {strides = array<i32>} : memref<4x512xi32, #tpu.memory_space<vmem>>, vector<1x16xi32>,
    %get3A_1537 = vector.shape_cast %get3A_1536 : vector<1x16xi32> to vector<16xi32>
    %eq3A_1538 = arith.cmpi eq, %get3A_1532, %get3A_1537 : vector<16xi32>
    %select_n3A_1539 = arith.select %eq3A_1538, %get3A_18, %get3A_1532 : vector<16xi1>, vector<16xi32>
    %swap3A_1540 = arith.constant 2 : i32
    %swap3A_1541 = arith.index_cast %swap3A_1540 : i32 to index
    %swap3A_1542 = arith.constant 320 : index
    %swap3A_1543 = tpu.vector_load %arg6[%swap3A_1541, %swap3A_1542] {strides = array<i32>} : memref<4x512xi32, #tpu.memory_space<vmem>>, vector<1x16xi32>,
    %swap3A_1544 = vector.shape_cast %swap3A_1543 : vector<1x16xi32> to vector<16xi32>
    %swap3A_1545 = vector.shape_cast %select_n3A_1539 : vector<16xi32> to vector<1x16xi32>
    tpu.vector_store %arg6[%swap3A_1541, %swap3A_1542], %swap3A_1545 {strides = array<i32>} : memref<4x512xi32, #tpu.memory_space<vmem>>, vector<1x16xi32>,
    %get3A_1546 = arith.constant 2 : i32
    %get3A_1547 = arith.index_cast %get3A_1546 : i32 to index
    %get3A_1548 = arith.constant 336 : index
    %get3A_1549 = tpu.vector_load %arg6[%get3A_1547, %get3A_1548] {strides = array<i32>} : memref<4x512xi32, #tpu.memory_space<vmem>>, vector<1x16xi32>,
    %get3A_1550 = vector.shape_cast %get3A_1549 : vector<1x16xi32> to vector<16xi32>
    %get3A_1551 = arith.constant 2 : i32
    %get3A_1552 = arith.index_cast %get3A_1551 : i32 to index
    %get3A_1553 = arith.constant 336 : index
    %get3A_1554 = tpu.vector_load %arg7[%get3A_1552, %get3A_1553] {strides = array<i32>} : memref<4x512xi32, #tpu.memory_space<vmem>>, vector<1x16xi32>,
    %get3A_1555 = vector.shape_cast %get3A_1554 : vector<1x16xi32> to vector<16xi32>
    %eq3A_1556 = arith.cmpi eq, %get3A_1550, %get3A_1555 : vector<16xi32>
    %select_n3A_1557 = arith.select %eq3A_1556, %get3A_18, %get3A_1550 : vector<16xi1>, vector<16xi32>
    %swap3A_1558 = arith.constant 2 : i32
    %swap3A_1559 = arith.index_cast %swap3A_1558 : i32 to index
    %swap3A_1560 = arith.constant 336 : index
    %swap3A_1561 = tpu.vector_load %arg6[%swap3A_1559, %swap3A_1560] {strides = array<i32>} : memref<4x512xi32, #tpu.memory_space<vmem>>, vector<1x16xi32>,
    %swap3A_1562 = vector.shape_cast %swap3A_1561 : vector<1x16xi32> to vector<16xi32>
    %swap3A_1563 = vector.shape_cast %select_n3A_1557 : vector<16xi32> to vector<1x16xi32>
    tpu.vector_store %arg6[%swap3A_1559, %swap3A_1560], %swap3A_1563 {strides = array<i32>} : memref<4x512xi32, #tpu.memory_space<vmem>>, vector<1x16xi32>,
    %get3A_1564 = arith.constant 2 : i32
    %get3A_1565 = arith.index_cast %get3A_1564 : i32 to index
    %get3A_1566 = arith.constant 352 : index
    %get3A_1567 = tpu.vector_load %arg6[%get3A_1565, %get3A_1566] {strides = array<i32>} : memref<4x512xi32, #tpu.memory_space<vmem>>, vector<1x16xi32>,
    %get3A_1568 = vector.shape_cast %get3A_1567 : vector<1x16xi32> to vector<16xi32>
    %get3A_1569 = arith.constant 2 : i32
    %get3A_1570 = arith.index_cast %get3A_1569 : i32 to index
    %get3A_1571 = arith.constant 352 : index
    %get3A_1572 = tpu.vector_load %arg7[%get3A_1570, %get3A_1571] {strides = array<i32>} : memref<4x512xi32, #tpu.memory_space<vmem>>, vector<1x16xi32>,
    %get3A_1573 = vector.shape_cast %get3A_1572 : vector<1x16xi32> to vector<16xi32>
    %eq3A_1574 = arith.cmpi eq, %get3A_1568, %get3A_1573 : vector<16xi32>
    %select_n3A_1575 = arith.select %eq3A_1574, %get3A_18, %get3A_1568 : vector<16xi1>, vector<16xi32>
    %swap3A_1576 = arith.constant 2 : i32
    %swap3A_1577 = arith.index_cast %swap3A_1576 : i32 to index
    %swap3A_1578 = arith.constant 352 : index
    %swap3A_1579 = tpu.vector_load %arg6[%swap3A_1577, %swap3A_1578] {strides = array<i32>} : memref<4x512xi32, #tpu.memory_space<vmem>>, vector<1x16xi32>,
    %swap3A_1580 = vector.shape_cast %swap3A_1579 : vector<1x16xi32> to vector<16xi32>
    %swap3A_1581 = vector.shape_cast %select_n3A_1575 : vector<16xi32> to vector<1x16xi32>
    tpu.vector_store %arg6[%swap3A_1577, %swap3A_1578], %swap3A_1581 {strides = array<i32>} : memref<4x512xi32, #tpu.memory_space<vmem>>, vector<1x16xi32>,
    %get3A_1582 = arith.constant 2 : i32
    %get3A_1583 = arith.index_cast %get3A_1582 : i32 to index
    %get3A_1584 = arith.constant 368 : index
    %get3A_1585 = tpu.vector_load %arg6[%get3A_1583, %get3A_1584] {strides = array<i32>} : memref<4x512xi32, #tpu.memory_space<vmem>>, vector<1x16xi32>,
    %get3A_1586 = vector.shape_cast %get3A_1585 : vector<1x16xi32> to vector<16xi32>
    %get3A_1587 = arith.constant 2 : i32
    %get3A_1588 = arith.index_cast %get3A_1587 : i32 to index
    %get3A_1589 = arith.constant 368 : index
    %get3A_1590 = tpu.vector_load %arg7[%get3A_1588, %get3A_1589] {strides = array<i32>} : memref<4x512xi32, #tpu.memory_space<vmem>>, vector<1x16xi32>,
    %get3A_1591 = vector.shape_cast %get3A_1590 : vector<1x16xi32> to vector<16xi32>
    %eq3A_1592 = arith.cmpi eq, %get3A_1586, %get3A_1591 : vector<16xi32>
    %select_n3A_1593 = arith.select %eq3A_1592, %get3A_18, %get3A_1586 : vector<16xi1>, vector<16xi32>
    %swap3A_1594 = arith.constant 2 : i32
    %swap3A_1595 = arith.index_cast %swap3A_1594 : i32 to index
    %swap3A_1596 = arith.constant 368 : index
    %swap3A_1597 = tpu.vector_load %arg6[%swap3A_1595, %swap3A_1596] {strides = array<i32>} : memref<4x512xi32, #tpu.memory_space<vmem>>, vector<1x16xi32>,
    %swap3A_1598 = vector.shape_cast %swap3A_1597 : vector<1x16xi32> to vector<16xi32>
    %swap3A_1599 = vector.shape_cast %select_n3A_1593 : vector<16xi32> to vector<1x16xi32>
    tpu.vector_store %arg6[%swap3A_1595, %swap3A_1596], %swap3A_1599 {strides = array<i32>} : memref<4x512xi32, #tpu.memory_space<vmem>>, vector<1x16xi32>,
    %get3A_1600 = arith.constant 2 : i32
    %get3A_1601 = arith.index_cast %get3A_1600 : i32 to index
    %get3A_1602 = arith.constant 384 : index
    %get3A_1603 = tpu.vector_load %arg6[%get3A_1601, %get3A_1602] {strides = array<i32>} : memref<4x512xi32, #tpu.memory_space<vmem>>, vector<1x16xi32>,
    %get3A_1604 = vector.shape_cast %get3A_1603 : vector<1x16xi32> to vector<16xi32>
    %get3A_1605 = arith.constant 2 : i32
    %get3A_1606 = arith.index_cast %get3A_1605 : i32 to index
    %get3A_1607 = arith.constant 384 : index
    %get3A_1608 = tpu.vector_load %arg7[%get3A_1606, %get3A_1607] {strides = array<i32>} : memref<4x512xi32, #tpu.memory_space<vmem>>, vector<1x16xi32>,
    %get3A_1609 = vector.shape_cast %get3A_1608 : vector<1x16xi32> to vector<16xi32>
    %eq3A_1610 = arith.cmpi eq, %get3A_1604, %get3A_1609 : vector<16xi32>
    %select_n3A_1611 = arith.select %eq3A_1610, %get3A_18, %get3A_1604 : vector<16xi1>, vector<16xi32>
    %swap3A_1612 = arith.constant 2 : i32
    %swap3A_1613 = arith.index_cast %swap3A_1612 : i32 to index
    %swap3A_1614 = arith.constant 384 : index
    %swap3A_1615 = tpu.vector_load %arg6[%swap3A_1613, %swap3A_1614] {strides = array<i32>} : memref<4x512xi32, #tpu.memory_space<vmem>>, vector<1x16xi32>,
    %swap3A_1616 = vector.shape_cast %swap3A_1615 : vector<1x16xi32> to vector<16xi32>
    %swap3A_1617 = vector.shape_cast %select_n3A_1611 : vector<16xi32> to vector<1x16xi32>
    tpu.vector_store %arg6[%swap3A_1613, %swap3A_1614], %swap3A_1617 {strides = array<i32>} : memref<4x512xi32, #tpu.memory_space<vmem>>, vector<1x16xi32>,
    %get3A_1618 = arith.constant 2 : i32
    %get3A_1619 = arith.index_cast %get3A_1618 : i32 to index
    %get3A_1620 = arith.constant 400 : index
    %get3A_1621 = tpu.vector_load %arg6[%get3A_1619, %get3A_1620] {strides = array<i32>} : memref<4x512xi32, #tpu.memory_space<vmem>>, vector<1x16xi32>,
    %get3A_1622 = vector.shape_cast %get3A_1621 : vector<1x16xi32> to vector<16xi32>
    %get3A_1623 = arith.constant 2 : i32
    %get3A_1624 = arith.index_cast %get3A_1623 : i32 to index
    %get3A_1625 = arith.constant 400 : index
    %get3A_1626 = tpu.vector_load %arg7[%get3A_1624, %get3A_1625] {strides = array<i32>} : memref<4x512xi32, #tpu.memory_space<vmem>>, vector<1x16xi32>,
    %get3A_1627 = vector.shape_cast %get3A_1626 : vector<1x16xi32> to vector<16xi32>
    %eq3A_1628 = arith.cmpi eq, %get3A_1622, %get3A_1627 : vector<16xi32>
    %select_n3A_1629 = arith.select %eq3A_1628, %get3A_18, %get3A_1622 : vector<16xi1>, vector<16xi32>
    %swap3A_1630 = arith.constant 2 : i32
    %swap3A_1631 = arith.index_cast %swap3A_1630 : i32 to index
    %swap3A_1632 = arith.constant 400 : index
    %swap3A_1633 = tpu.vector_load %arg6[%swap3A_1631, %swap3A_1632] {strides = array<i32>} : memref<4x512xi32, #tpu.memory_space<vmem>>, vector<1x16xi32>,
    %swap3A_1634 = vector.shape_cast %swap3A_1633 : vector<1x16xi32> to vector<16xi32>
    %swap3A_1635 = vector.shape_cast %select_n3A_1629 : vector<16xi32> to vector<1x16xi32>
    tpu.vector_store %arg6[%swap3A_1631, %swap3A_1632], %swap3A_1635 {strides = array<i32>} : memref<4x512xi32, #tpu.memory_space<vmem>>, vector<1x16xi32>,
    %get3A_1636 = arith.constant 2 : i32
    %get3A_1637 = arith.index_cast %get3A_1636 : i32 to index
    %get3A_1638 = arith.constant 416 : index
    %get3A_1639 = tpu.vector_load %arg6[%get3A_1637, %get3A_1638] {strides = array<i32>} : memref<4x512xi32, #tpu.memory_space<vmem>>, vector<1x16xi32>,
    %get3A_1640 = vector.shape_cast %get3A_1639 : vector<1x16xi32> to vector<16xi32>
    %get3A_1641 = arith.constant 2 : i32
    %get3A_1642 = arith.index_cast %get3A_1641 : i32 to index
    %get3A_1643 = arith.constant 416 : index
    %get3A_1644 = tpu.vector_load %arg7[%get3A_1642, %get3A_1643] {strides = array<i32>} : memref<4x512xi32, #tpu.memory_space<vmem>>, vector<1x16xi32>,
    %get3A_1645 = vector.shape_cast %get3A_1644 : vector<1x16xi32> to vector<16xi32>
    %eq3A_1646 = arith.cmpi eq, %get3A_1640, %get3A_1645 : vector<16xi32>
    %select_n3A_1647 = arith.select %eq3A_1646, %get3A_18, %get3A_1640 : vector<16xi1>, vector<16xi32>
    %swap3A_1648 = arith.constant 2 : i32
    %swap3A_1649 = arith.index_cast %swap3A_1648 : i32 to index
    %swap3A_1650 = arith.constant 416 : index
    %swap3A_1651 = tpu.vector_load %arg6[%swap3A_1649, %swap3A_1650] {strides = array<i32>} : memref<4x512xi32, #tpu.memory_space<vmem>>, vector<1x16xi32>,
    %swap3A_1652 = vector.shape_cast %swap3A_1651 : vector<1x16xi32> to vector<16xi32>
    %swap3A_1653 = vector.shape_cast %select_n3A_1647 : vector<16xi32> to vector<1x16xi32>
    tpu.vector_store %arg6[%swap3A_1649, %swap3A_1650], %swap3A_1653 {strides = array<i32>} : memref<4x512xi32, #tpu.memory_space<vmem>>, vector<1x16xi32>,
    %get3A_1654 = arith.constant 2 : i32
    %get3A_1655 = arith.index_cast %get3A_1654 : i32 to index
    %get3A_1656 = arith.constant 432 : index
    %get3A_1657 = tpu.vector_load %arg6[%get3A_1655, %get3A_1656] {strides = array<i32>} : memref<4x512xi32, #tpu.memory_space<vmem>>, vector<1x16xi32>,
    %get3A_1658 = vector.shape_cast %get3A_1657 : vector<1x16xi32> to vector<16xi32>
    %get3A_1659 = arith.constant 2 : i32
    %get3A_1660 = arith.index_cast %get3A_1659 : i32 to index
    %get3A_1661 = arith.constant 432 : index
    %get3A_1662 = tpu.vector_load %arg7[%get3A_1660, %get3A_1661] {strides = array<i32>} : memref<4x512xi32, #tpu.memory_space<vmem>>, vector<1x16xi32>,
    %get3A_1663 = vector.shape_cast %get3A_1662 : vector<1x16xi32> to vector<16xi32>
    %eq3A_1664 = arith.cmpi eq, %get3A_1658, %get3A_1663 : vector<16xi32>
    %select_n3A_1665 = arith.select %eq3A_1664, %get3A_18, %get3A_1658 : vector<16xi1>, vector<16xi32>
    %swap3A_1666 = arith.constant 2 : i32
    %swap3A_1667 = arith.index_cast %swap3A_1666 : i32 to index
    %swap3A_1668 = arith.constant 432 : index
    %swap3A_1669 = tpu.vector_load %arg6[%swap3A_1667, %swap3A_1668] {strides = array<i32>} : memref<4x512xi32, #tpu.memory_space<vmem>>, vector<1x16xi32>,
    %swap3A_1670 = vector.shape_cast %swap3A_1669 : vector<1x16xi32> to vector<16xi32>
    %swap3A_1671 = vector.shape_cast %select_n3A_1665 : vector<16xi32> to vector<1x16xi32>
    tpu.vector_store %arg6[%swap3A_1667, %swap3A_1668], %swap3A_1671 {strides = array<i32>} : memref<4x512xi32, #tpu.memory_space<vmem>>, vector<1x16xi32>,
    %get3A_1672 = arith.constant 2 : i32
    %get3A_1673 = arith.index_cast %get3A_1672 : i32 to index
    %get3A_1674 = arith.constant 448 : index
    %get3A_1675 = tpu.vector_load %arg6[%get3A_1673, %get3A_1674] {strides = array<i32>} : memref<4x512xi32, #tpu.memory_space<vmem>>, vector<1x16xi32>,
    %get3A_1676 = vector.shape_cast %get3A_1675 : vector<1x16xi32> to vector<16xi32>
    %get3A_1677 = arith.constant 2 : i32
    %get3A_1678 = arith.index_cast %get3A_1677 : i32 to index
    %get3A_1679 = arith.constant 448 : index
    %get3A_1680 = tpu.vector_load %arg7[%get3A_1678, %get3A_1679] {strides = array<i32>} : memref<4x512xi32, #tpu.memory_space<vmem>>, vector<1x16xi32>,
    %get3A_1681 = vector.shape_cast %get3A_1680 : vector<1x16xi32> to vector<16xi32>
    %eq3A_1682 = arith.cmpi eq, %get3A_1676, %get3A_1681 : vector<16xi32>
    %select_n3A_1683 = arith.select %eq3A_1682, %get3A_18, %get3A_1676 : vector<16xi1>, vector<16xi32>
    %swap3A_1684 = arith.constant 2 : i32
    %swap3A_1685 = arith.index_cast %swap3A_1684 : i32 to index
    %swap3A_1686 = arith.constant 448 : index
    %swap3A_1687 = tpu.vector_load %arg6[%swap3A_1685, %swap3A_1686] {strides = array<i32>} : memref<4x512xi32, #tpu.memory_space<vmem>>, vector<1x16xi32>,
    %swap3A_1688 = vector.shape_cast %swap3A_1687 : vector<1x16xi32> to vector<16xi32>
    %swap3A_1689 = vector.shape_cast %select_n3A_1683 : vector<16xi32> to vector<1x16xi32>
    tpu.vector_store %arg6[%swap3A_1685, %swap3A_1686], %swap3A_1689 {strides = array<i32>} : memref<4x512xi32, #tpu.memory_space<vmem>>, vector<1x16xi32>,
    %get3A_1690 = arith.constant 2 : i32
    %get3A_1691 = arith.index_cast %get3A_1690 : i32 to index
    %get3A_1692 = arith.constant 464 : index
    %get3A_1693 = tpu.vector_load %arg6[%get3A_1691, %get3A_1692] {strides = array<i32>} : memref<4x512xi32, #tpu.memory_space<vmem>>, vector<1x16xi32>,
    %get3A_1694 = vector.shape_cast %get3A_1693 : vector<1x16xi32> to vector<16xi32>
    %get3A_1695 = arith.constant 2 : i32
    %get3A_1696 = arith.index_cast %get3A_1695 : i32 to index
    %get3A_1697 = arith.constant 464 : index
    %get3A_1698 = tpu.vector_load %arg7[%get3A_1696, %get3A_1697] {strides = array<i32>} : memref<4x512xi32, #tpu.memory_space<vmem>>, vector<1x16xi32>,
    %get3A_1699 = vector.shape_cast %get3A_1698 : vector<1x16xi32> to vector<16xi32>
    %eq3A_1700 = arith.cmpi eq, %get3A_1694, %get3A_1699 : vector<16xi32>
    %select_n3A_1701 = arith.select %eq3A_1700, %get3A_18, %get3A_1694 : vector<16xi1>, vector<16xi32>
    %swap3A_1702 = arith.constant 2 : i32
    %swap3A_1703 = arith.index_cast %swap3A_1702 : i32 to index
    %swap3A_1704 = arith.constant 464 : index
    %swap3A_1705 = tpu.vector_load %arg6[%swap3A_1703, %swap3A_1704] {strides = array<i32>} : memref<4x512xi32, #tpu.memory_space<vmem>>, vector<1x16xi32>,
    %swap3A_1706 = vector.shape_cast %swap3A_1705 : vector<1x16xi32> to vector<16xi32>
    %swap3A_1707 = vector.shape_cast %select_n3A_1701 : vector<16xi32> to vector<1x16xi32>
    tpu.vector_store %arg6[%swap3A_1703, %swap3A_1704], %swap3A_1707 {strides = array<i32>} : memref<4x512xi32, #tpu.memory_space<vmem>>, vector<1x16xi32>,
    %get3A_1708 = arith.constant 2 : i32
    %get3A_1709 = arith.index_cast %get3A_1708 : i32 to index
    %get3A_1710 = arith.constant 480 : index
    %get3A_1711 = tpu.vector_load %arg6[%get3A_1709, %get3A_1710] {strides = array<i32>} : memref<4x512xi32, #tpu.memory_space<vmem>>, vector<1x16xi32>,
    %get3A_1712 = vector.shape_cast %get3A_1711 : vector<1x16xi32> to vector<16xi32>
    %get3A_1713 = arith.constant 2 : i32
    %get3A_1714 = arith.index_cast %get3A_1713 : i32 to index
    %get3A_1715 = arith.constant 480 : index
    %get3A_1716 = tpu.vector_load %arg7[%get3A_1714, %get3A_1715] {strides = array<i32>} : memref<4x512xi32, #tpu.memory_space<vmem>>, vector<1x16xi32>,
    %get3A_1717 = vector.shape_cast %get3A_1716 : vector<1x16xi32> to vector<16xi32>
    %eq3A_1718 = arith.cmpi eq, %get3A_1712, %get3A_1717 : vector<16xi32>
    %select_n3A_1719 = arith.select %eq3A_1718, %get3A_18, %get3A_1712 : vector<16xi1>, vector<16xi32>
    %swap3A_1720 = arith.constant 2 : i32
    %swap3A_1721 = arith.index_cast %swap3A_1720 : i32 to index
    %swap3A_1722 = arith.constant 480 : index
    %swap3A_1723 = tpu.vector_load %arg6[%swap3A_1721, %swap3A_1722] {strides = array<i32>} : memref<4x512xi32, #tpu.memory_space<vmem>>, vector<1x16xi32>,
    %swap3A_1724 = vector.shape_cast %swap3A_1723 : vector<1x16xi32> to vector<16xi32>
    %swap3A_1725 = vector.shape_cast %select_n3A_1719 : vector<16xi32> to vector<1x16xi32>
    tpu.vector_store %arg6[%swap3A_1721, %swap3A_1722], %swap3A_1725 {strides = array<i32>} : memref<4x512xi32, #tpu.memory_space<vmem>>, vector<1x16xi32>,
    %get3A_1726 = arith.constant 2 : i32
    %get3A_1727 = arith.index_cast %get3A_1726 : i32 to index
    %get3A_1728 = arith.constant 496 : index
    %get3A_1729 = tpu.vector_load %arg6[%get3A_1727, %get3A_1728] {strides = array<i32>} : memref<4x512xi32, #tpu.memory_space<vmem>>, vector<1x16xi32>,
    %get3A_1730 = vector.shape_cast %get3A_1729 : vector<1x16xi32> to vector<16xi32>
    %get3A_1731 = arith.constant 2 : i32
    %get3A_1732 = arith.index_cast %get3A_1731 : i32 to index
    %get3A_1733 = arith.constant 496 : index
    %get3A_1734 = tpu.vector_load %arg7[%get3A_1732, %get3A_1733] {strides = array<i32>} : memref<4x512xi32, #tpu.memory_space<vmem>>, vector<1x16xi32>,
    %get3A_1735 = vector.shape_cast %get3A_1734 : vector<1x16xi32> to vector<16xi32>
    %eq3A_1736 = arith.cmpi eq, %get3A_1730, %get3A_1735 : vector<16xi32>
    %select_n3A_1737 = arith.select %eq3A_1736, %get3A_18, %get3A_1730 : vector<16xi1>, vector<16xi32>
    %swap3A_1738 = arith.constant 2 : i32
    %swap3A_1739 = arith.index_cast %swap3A_1738 : i32 to index
    %swap3A_1740 = arith.constant 496 : index
    %swap3A_1741 = tpu.vector_load %arg6[%swap3A_1739, %swap3A_1740] {strides = array<i32>} : memref<4x512xi32, #tpu.memory_space<vmem>>, vector<1x16xi32>,
    %swap3A_1742 = vector.shape_cast %swap3A_1741 : vector<1x16xi32> to vector<16xi32>
    %swap3A_1743 = vector.shape_cast %select_n3A_1737 : vector<16xi32> to vector<1x16xi32>
    tpu.vector_store %arg6[%swap3A_1739, %swap3A_1740], %swap3A_1743 {strides = array<i32>} : memref<4x512xi32, #tpu.memory_space<vmem>>, vector<1x16xi32>,
    %get3A_1744 = arith.constant 3 : i32
    %get3A_1745 = arith.index_cast %get3A_1744 : i32 to index
    %get3A_1746 = arith.constant 0 : index
    %get3A_1747 = tpu.vector_load %arg6[%get3A_1745, %get3A_1746] {strides = array<i32>} : memref<4x512xi32, #tpu.memory_space<vmem>>, vector<1x16xi32>,
    %get3A_1748 = vector.shape_cast %get3A_1747 : vector<1x16xi32> to vector<16xi32>
    %get3A_1749 = arith.constant 3 : i32
    %get3A_1750 = arith.index_cast %get3A_1749 : i32 to index
    %get3A_1751 = arith.constant 0 : index
    %get3A_1752 = tpu.vector_load %arg7[%get3A_1750, %get3A_1751] {strides = array<i32>} : memref<4x512xi32, #tpu.memory_space<vmem>>, vector<1x16xi32>,
    %get3A_1753 = vector.shape_cast %get3A_1752 : vector<1x16xi32> to vector<16xi32>
    %eq3A_1754 = arith.cmpi eq, %get3A_1748, %get3A_1753 : vector<16xi32>
    %select_n3A_1755 = arith.select %eq3A_1754, %get3A_18, %get3A_1748 : vector<16xi1>, vector<16xi32>
    %swap3A_1756 = arith.constant 3 : i32
    %swap3A_1757 = arith.index_cast %swap3A_1756 : i32 to index
    %swap3A_1758 = arith.constant 0 : index
    %swap3A_1759 = tpu.vector_load %arg6[%swap3A_1757, %swap3A_1758] {strides = array<i32>} : memref<4x512xi32, #tpu.memory_space<vmem>>, vector<1x16xi32>,
    %swap3A_1760 = vector.shape_cast %swap3A_1759 : vector<1x16xi32> to vector<16xi32>
    %swap3A_1761 = vector.shape_cast %select_n3A_1755 : vector<16xi32> to vector<1x16xi32>
    tpu.vector_store %arg6[%swap3A_1757, %swap3A_1758], %swap3A_1761 {strides = array<i32>} : memref<4x512xi32, #tpu.memory_space<vmem>>, vector<1x16xi32>,
    %get3A_1762 = arith.constant 3 : i32
    %get3A_1763 = arith.index_cast %get3A_1762 : i32 to index
    %get3A_1764 = arith.constant 16 : index
    %get3A_1765 = tpu.vector_load %arg6[%get3A_1763, %get3A_1764] {strides = array<i32>} : memref<4x512xi32, #tpu.memory_space<vmem>>, vector<1x16xi32>,
    %get3A_1766 = vector.shape_cast %get3A_1765 : vector<1x16xi32> to vector<16xi32>
    %get3A_1767 = arith.constant 3 : i32
    %get3A_1768 = arith.index_cast %get3A_1767 : i32 to index
    %get3A_1769 = arith.constant 16 : index
    %get3A_1770 = tpu.vector_load %arg7[%get3A_1768, %get3A_1769] {strides = array<i32>} : memref<4x512xi32, #tpu.memory_space<vmem>>, vector<1x16xi32>,
    %get3A_1771 = vector.shape_cast %get3A_1770 : vector<1x16xi32> to vector<16xi32>
    %eq3A_1772 = arith.cmpi eq, %get3A_1766, %get3A_1771 : vector<16xi32>
    %select_n3A_1773 = arith.select %eq3A_1772, %get3A_18, %get3A_1766 : vector<16xi1>, vector<16xi32>
    %swap3A_1774 = arith.constant 3 : i32
    %swap3A_1775 = arith.index_cast %swap3A_1774 : i32 to index
    %swap3A_1776 = arith.constant 16 : index
    %swap3A_1777 = tpu.vector_load %arg6[%swap3A_1775, %swap3A_1776] {strides = array<i32>} : memref<4x512xi32, #tpu.memory_space<vmem>>, vector<1x16xi32>,
    %swap3A_1778 = vector.shape_cast %swap3A_1777 : vector<1x16xi32> to vector<16xi32>
    %swap3A_1779 = vector.shape_cast %select_n3A_1773 : vector<16xi32> to vector<1x16xi32>
    tpu.vector_store %arg6[%swap3A_1775, %swap3A_1776], %swap3A_1779 {strides = array<i32>} : memref<4x512xi32, #tpu.memory_space<vmem>>, vector<1x16xi32>,
    %get3A_1780 = arith.constant 3 : i32
    %get3A_1781 = arith.index_cast %get3A_1780 : i32 to index
    %get3A_1782 = arith.constant 32 : index
    %get3A_1783 = tpu.vector_load %arg6[%get3A_1781, %get3A_1782] {strides = array<i32>} : memref<4x512xi32, #tpu.memory_space<vmem>>, vector<1x16xi32>,
    %get3A_1784 = vector.shape_cast %get3A_1783 : vector<1x16xi32> to vector<16xi32>
    %get3A_1785 = arith.constant 3 : i32
    %get3A_1786 = arith.index_cast %get3A_1785 : i32 to index
    %get3A_1787 = arith.constant 32 : index
    %get3A_1788 = tpu.vector_load %arg7[%get3A_1786, %get3A_1787] {strides = array<i32>} : memref<4x512xi32, #tpu.memory_space<vmem>>, vector<1x16xi32>,
    %get3A_1789 = vector.shape_cast %get3A_1788 : vector<1x16xi32> to vector<16xi32>
    %eq3A_1790 = arith.cmpi eq, %get3A_1784, %get3A_1789 : vector<16xi32>
    %select_n3A_1791 = arith.select %eq3A_1790, %get3A_18, %get3A_1784 : vector<16xi1>, vector<16xi32>
    %swap3A_1792 = arith.constant 3 : i32
    %swap3A_1793 = arith.index_cast %swap3A_1792 : i32 to index
    %swap3A_1794 = arith.constant 32 : index
    %swap3A_1795 = tpu.vector_load %arg6[%swap3A_1793, %swap3A_1794] {strides = array<i32>} : memref<4x512xi32, #tpu.memory_space<vmem>>, vector<1x16xi32>,
    %swap3A_1796 = vector.shape_cast %swap3A_1795 : vector<1x16xi32> to vector<16xi32>
    %swap3A_1797 = vector.shape_cast %select_n3A_1791 : vector<16xi32> to vector<1x16xi32>
    tpu.vector_store %arg6[%swap3A_1793, %swap3A_1794], %swap3A_1797 {strides = array<i32>} : memref<4x512xi32, #tpu.memory_space<vmem>>, vector<1x16xi32>,
    %get3A_1798 = arith.constant 3 : i32
    %get3A_1799 = arith.index_cast %get3A_1798 : i32 to index
    %get3A_1800 = arith.constant 48 : index
    %get3A_1801 = tpu.vector_load %arg6[%get3A_1799, %get3A_1800] {strides = array<i32>} : memref<4x512xi32, #tpu.memory_space<vmem>>, vector<1x16xi32>,
    %get3A_1802 = vector.shape_cast %get3A_1801 : vector<1x16xi32> to vector<16xi32>
    %get3A_1803 = arith.constant 3 : i32
    %get3A_1804 = arith.index_cast %get3A_1803 : i32 to index
    %get3A_1805 = arith.constant 48 : index
    %get3A_1806 = tpu.vector_load %arg7[%get3A_1804, %get3A_1805] {strides = array<i32>} : memref<4x512xi32, #tpu.memory_space<vmem>>, vector<1x16xi32>,
    %get3A_1807 = vector.shape_cast %get3A_1806 : vector<1x16xi32> to vector<16xi32>
    %eq3A_1808 = arith.cmpi eq, %get3A_1802, %get3A_1807 : vector<16xi32>
    %select_n3A_1809 = arith.select %eq3A_1808, %get3A_18, %get3A_1802 : vector<16xi1>, vector<16xi32>
    %swap3A_1810 = arith.constant 3 : i32
    %swap3A_1811 = arith.index_cast %swap3A_1810 : i32 to index
    %swap3A_1812 = arith.constant 48 : index
    %swap3A_1813 = tpu.vector_load %arg6[%swap3A_1811, %swap3A_1812] {strides = array<i32>} : memref<4x512xi32, #tpu.memory_space<vmem>>, vector<1x16xi32>,
    %swap3A_1814 = vector.shape_cast %swap3A_1813 : vector<1x16xi32> to vector<16xi32>
    %swap3A_1815 = vector.shape_cast %select_n3A_1809 : vector<16xi32> to vector<1x16xi32>
    tpu.vector_store %arg6[%swap3A_1811, %swap3A_1812], %swap3A_1815 {strides = array<i32>} : memref<4x512xi32, #tpu.memory_space<vmem>>, vector<1x16xi32>,
    %get3A_1816 = arith.constant 3 : i32
    %get3A_1817 = arith.index_cast %get3A_1816 : i32 to index
    %get3A_1818 = arith.constant 64 : index
    %get3A_1819 = tpu.vector_load %arg6[%get3A_1817, %get3A_1818] {strides = array<i32>} : memref<4x512xi32, #tpu.memory_space<vmem>>, vector<1x16xi32>,
    %get3A_1820 = vector.shape_cast %get3A_1819 : vector<1x16xi32> to vector<16xi32>
    %get3A_1821 = arith.constant 3 : i32
    %get3A_1822 = arith.index_cast %get3A_1821 : i32 to index
    %get3A_1823 = arith.constant 64 : index
    %get3A_1824 = tpu.vector_load %arg7[%get3A_1822, %get3A_1823] {strides = array<i32>} : memref<4x512xi32, #tpu.memory_space<vmem>>, vector<1x16xi32>,
    %get3A_1825 = vector.shape_cast %get3A_1824 : vector<1x16xi32> to vector<16xi32>
    %eq3A_1826 = arith.cmpi eq, %get3A_1820, %get3A_1825 : vector<16xi32>
    %select_n3A_1827 = arith.select %eq3A_1826, %get3A_18, %get3A_1820 : vector<16xi1>, vector<16xi32>
    %swap3A_1828 = arith.constant 3 : i32
    %swap3A_1829 = arith.index_cast %swap3A_1828 : i32 to index
    %swap3A_1830 = arith.constant 64 : index
    %swap3A_1831 = tpu.vector_load %arg6[%swap3A_1829, %swap3A_1830] {strides = array<i32>} : memref<4x512xi32, #tpu.memory_space<vmem>>, vector<1x16xi32>,
    %swap3A_1832 = vector.shape_cast %swap3A_1831 : vector<1x16xi32> to vector<16xi32>
    %swap3A_1833 = vector.shape_cast %select_n3A_1827 : vector<16xi32> to vector<1x16xi32>
    tpu.vector_store %arg6[%swap3A_1829, %swap3A_1830], %swap3A_1833 {strides = array<i32>} : memref<4x512xi32, #tpu.memory_space<vmem>>, vector<1x16xi32>,
    %get3A_1834 = arith.constant 3 : i32
    %get3A_1835 = arith.index_cast %get3A_1834 : i32 to index
    %get3A_1836 = arith.constant 80 : index
    %get3A_1837 = tpu.vector_load %arg6[%get3A_1835, %get3A_1836] {strides = array<i32>} : memref<4x512xi32, #tpu.memory_space<vmem>>, vector<1x16xi32>,
    %get3A_1838 = vector.shape_cast %get3A_1837 : vector<1x16xi32> to vector<16xi32>
    %get3A_1839 = arith.constant 3 : i32
    %get3A_1840 = arith.index_cast %get3A_1839 : i32 to index
    %get3A_1841 = arith.constant 80 : index
    %get3A_1842 = tpu.vector_load %arg7[%get3A_1840, %get3A_1841] {strides = array<i32>} : memref<4x512xi32, #tpu.memory_space<vmem>>, vector<1x16xi32>,
    %get3A_1843 = vector.shape_cast %get3A_1842 : vector<1x16xi32> to vector<16xi32>
    %eq3A_1844 = arith.cmpi eq, %get3A_1838, %get3A_1843 : vector<16xi32>
    %select_n3A_1845 = arith.select %eq3A_1844, %get3A_18, %get3A_1838 : vector<16xi1>, vector<16xi32>
    %swap3A_1846 = arith.constant 3 : i32
    %swap3A_1847 = arith.index_cast %swap3A_1846 : i32 to index
    %swap3A_1848 = arith.constant 80 : index
    %swap3A_1849 = tpu.vector_load %arg6[%swap3A_1847, %swap3A_1848] {strides = array<i32>} : memref<4x512xi32, #tpu.memory_space<vmem>>, vector<1x16xi32>,
    %swap3A_1850 = vector.shape_cast %swap3A_1849 : vector<1x16xi32> to vector<16xi32>
    %swap3A_1851 = vector.shape_cast %select_n3A_1845 : vector<16xi32> to vector<1x16xi32>
    tpu.vector_store %arg6[%swap3A_1847, %swap3A_1848], %swap3A_1851 {strides = array<i32>} : memref<4x512xi32, #tpu.memory_space<vmem>>, vector<1x16xi32>,
    %get3A_1852 = arith.constant 3 : i32
    %get3A_1853 = arith.index_cast %get3A_1852 : i32 to index
    %get3A_1854 = arith.constant 96 : index
    %get3A_1855 = tpu.vector_load %arg6[%get3A_1853, %get3A_1854] {strides = array<i32>} : memref<4x512xi32, #tpu.memory_space<vmem>>, vector<1x16xi32>,
    %get3A_1856 = vector.shape_cast %get3A_1855 : vector<1x16xi32> to vector<16xi32>
    %get3A_1857 = arith.constant 3 : i32
    %get3A_1858 = arith.index_cast %get3A_1857 : i32 to index
    %get3A_1859 = arith.constant 96 : index
    %get3A_1860 = tpu.vector_load %arg7[%get3A_1858, %get3A_1859] {strides = array<i32>} : memref<4x512xi32, #tpu.memory_space<vmem>>, vector<1x16xi32>,
    %get3A_1861 = vector.shape_cast %get3A_1860 : vector<1x16xi32> to vector<16xi32>
    %eq3A_1862 = arith.cmpi eq, %get3A_1856, %get3A_1861 : vector<16xi32>
    %select_n3A_1863 = arith.select %eq3A_1862, %get3A_18, %get3A_1856 : vector<16xi1>, vector<16xi32>
    %swap3A_1864 = arith.constant 3 : i32
    %swap3A_1865 = arith.index_cast %swap3A_1864 : i32 to index
    %swap3A_1866 = arith.constant 96 : index
    %swap3A_1867 = tpu.vector_load %arg6[%swap3A_1865, %swap3A_1866] {strides = array<i32>} : memref<4x512xi32, #tpu.memory_space<vmem>>, vector<1x16xi32>,
    %swap3A_1868 = vector.shape_cast %swap3A_1867 : vector<1x16xi32> to vector<16xi32>
    %swap3A_1869 = vector.shape_cast %select_n3A_1863 : vector<16xi32> to vector<1x16xi32>
    tpu.vector_store %arg6[%swap3A_1865, %swap3A_1866], %swap3A_1869 {strides = array<i32>} : memref<4x512xi32, #tpu.memory_space<vmem>>, vector<1x16xi32>,
    %get3A_1870 = arith.constant 3 : i32
    %get3A_1871 = arith.index_cast %get3A_1870 : i32 to index
    %get3A_1872 = arith.constant 112 : index
    %get3A_1873 = tpu.vector_load %arg6[%get3A_1871, %get3A_1872] {strides = array<i32>} : memref<4x512xi32, #tpu.memory_space<vmem>>, vector<1x16xi32>,
    %get3A_1874 = vector.shape_cast %get3A_1873 : vector<1x16xi32> to vector<16xi32>
    %get3A_1875 = arith.constant 3 : i32
    %get3A_1876 = arith.index_cast %get3A_1875 : i32 to index
    %get3A_1877 = arith.constant 112 : index
    %get3A_1878 = tpu.vector_load %arg7[%get3A_1876, %get3A_1877] {strides = array<i32>} : memref<4x512xi32, #tpu.memory_space<vmem>>, vector<1x16xi32>,
    %get3A_1879 = vector.shape_cast %get3A_1878 : vector<1x16xi32> to vector<16xi32>
    %eq3A_1880 = arith.cmpi eq, %get3A_1874, %get3A_1879 : vector<16xi32>
    %select_n3A_1881 = arith.select %eq3A_1880, %get3A_18, %get3A_1874 : vector<16xi1>, vector<16xi32>
    %swap3A_1882 = arith.constant 3 : i32
    %swap3A_1883 = arith.index_cast %swap3A_1882 : i32 to index
    %swap3A_1884 = arith.constant 112 : index
    %swap3A_1885 = tpu.vector_load %arg6[%swap3A_1883, %swap3A_1884] {strides = array<i32>} : memref<4x512xi32, #tpu.memory_space<vmem>>, vector<1x16xi32>,
    %swap3A_1886 = vector.shape_cast %swap3A_1885 : vector<1x16xi32> to vector<16xi32>
    %swap3A_1887 = vector.shape_cast %select_n3A_1881 : vector<16xi32> to vector<1x16xi32>
    tpu.vector_store %arg6[%swap3A_1883, %swap3A_1884], %swap3A_1887 {strides = array<i32>} : memref<4x512xi32, #tpu.memory_space<vmem>>, vector<1x16xi32>,
    %get3A_1888 = arith.constant 3 : i32
    %get3A_1889 = arith.index_cast %get3A_1888 : i32 to index
    %get3A_1890 = arith.constant 128 : index
    %get3A_1891 = tpu.vector_load %arg6[%get3A_1889, %get3A_1890] {strides = array<i32>} : memref<4x512xi32, #tpu.memory_space<vmem>>, vector<1x16xi32>,
    %get3A_1892 = vector.shape_cast %get3A_1891 : vector<1x16xi32> to vector<16xi32>
    %get3A_1893 = arith.constant 3 : i32
    %get3A_1894 = arith.index_cast %get3A_1893 : i32 to index
    %get3A_1895 = arith.constant 128 : index
    %get3A_1896 = tpu.vector_load %arg7[%get3A_1894, %get3A_1895] {strides = array<i32>} : memref<4x512xi32, #tpu.memory_space<vmem>>, vector<1x16xi32>,
    %get3A_1897 = vector.shape_cast %get3A_1896 : vector<1x16xi32> to vector<16xi32>
    %eq3A_1898 = arith.cmpi eq, %get3A_1892, %get3A_1897 : vector<16xi32>
    %select_n3A_1899 = arith.select %eq3A_1898, %get3A_18, %get3A_1892 : vector<16xi1>, vector<16xi32>
    %swap3A_1900 = arith.constant 3 : i32
    %swap3A_1901 = arith.index_cast %swap3A_1900 : i32 to index
    %swap3A_1902 = arith.constant 128 : index
    %swap3A_1903 = tpu.vector_load %arg6[%swap3A_1901, %swap3A_1902] {strides = array<i32>} : memref<4x512xi32, #tpu.memory_space<vmem>>, vector<1x16xi32>,
    %swap3A_1904 = vector.shape_cast %swap3A_1903 : vector<1x16xi32> to vector<16xi32>
    %swap3A_1905 = vector.shape_cast %select_n3A_1899 : vector<16xi32> to vector<1x16xi32>
    tpu.vector_store %arg6[%swap3A_1901, %swap3A_1902], %swap3A_1905 {strides = array<i32>} : memref<4x512xi32, #tpu.memory_space<vmem>>, vector<1x16xi32>,
    %get3A_1906 = arith.constant 3 : i32
    %get3A_1907 = arith.index_cast %get3A_1906 : i32 to index
    %get3A_1908 = arith.constant 144 : index
    %get3A_1909 = tpu.vector_load %arg6[%get3A_1907, %get3A_1908] {strides = array<i32>} : memref<4x512xi32, #tpu.memory_space<vmem>>, vector<1x16xi32>,
    %get3A_1910 = vector.shape_cast %get3A_1909 : vector<1x16xi32> to vector<16xi32>
    %get3A_1911 = arith.constant 3 : i32
    %get3A_1912 = arith.index_cast %get3A_1911 : i32 to index
    %get3A_1913 = arith.constant 144 : index
    %get3A_1914 = tpu.vector_load %arg7[%get3A_1912, %get3A_1913] {strides = array<i32>} : memref<4x512xi32, #tpu.memory_space<vmem>>, vector<1x16xi32>,
    %get3A_1915 = vector.shape_cast %get3A_1914 : vector<1x16xi32> to vector<16xi32>
    %eq3A_1916 = arith.cmpi eq, %get3A_1910, %get3A_1915 : vector<16xi32>
    %select_n3A_1917 = arith.select %eq3A_1916, %get3A_18, %get3A_1910 : vector<16xi1>, vector<16xi32>
    %swap3A_1918 = arith.constant 3 : i32
    %swap3A_1919 = arith.index_cast %swap3A_1918 : i32 to index
    %swap3A_1920 = arith.constant 144 : index
    %swap3A_1921 = tpu.vector_load %arg6[%swap3A_1919, %swap3A_1920] {strides = array<i32>} : memref<4x512xi32, #tpu.memory_space<vmem>>, vector<1x16xi32>,
    %swap3A_1922 = vector.shape_cast %swap3A_1921 : vector<1x16xi32> to vector<16xi32>
    %swap3A_1923 = vector.shape_cast %select_n3A_1917 : vector<16xi32> to vector<1x16xi32>
    tpu.vector_store %arg6[%swap3A_1919, %swap3A_1920], %swap3A_1923 {strides = array<i32>} : memref<4x512xi32, #tpu.memory_space<vmem>>, vector<1x16xi32>,
    %get3A_1924 = arith.constant 3 : i32
    %get3A_1925 = arith.index_cast %get3A_1924 : i32 to index
    %get3A_1926 = arith.constant 160 : index
    %get3A_1927 = tpu.vector_load %arg6[%get3A_1925, %get3A_1926] {strides = array<i32>} : memref<4x512xi32, #tpu.memory_space<vmem>>, vector<1x16xi32>,
    %get3A_1928 = vector.shape_cast %get3A_1927 : vector<1x16xi32> to vector<16xi32>
    %get3A_1929 = arith.constant 3 : i32
    %get3A_1930 = arith.index_cast %get3A_1929 : i32 to index
    %get3A_1931 = arith.constant 160 : index
    %get3A_1932 = tpu.vector_load %arg7[%get3A_1930, %get3A_1931] {strides = array<i32>} : memref<4x512xi32, #tpu.memory_space<vmem>>, vector<1x16xi32>,
    %get3A_1933 = vector.shape_cast %get3A_1932 : vector<1x16xi32> to vector<16xi32>
    %eq3A_1934 = arith.cmpi eq, %get3A_1928, %get3A_1933 : vector<16xi32>
    %select_n3A_1935 = arith.select %eq3A_1934, %get3A_18, %get3A_1928 : vector<16xi1>, vector<16xi32>
    %swap3A_1936 = arith.constant 3 : i32
    %swap3A_1937 = arith.index_cast %swap3A_1936 : i32 to index
    %swap3A_1938 = arith.constant 160 : index
    %swap3A_1939 = tpu.vector_load %arg6[%swap3A_1937, %swap3A_1938] {strides = array<i32>} : memref<4x512xi32, #tpu.memory_space<vmem>>, vector<1x16xi32>,
    %swap3A_1940 = vector.shape_cast %swap3A_1939 : vector<1x16xi32> to vector<16xi32>
    %swap3A_1941 = vector.shape_cast %select_n3A_1935 : vector<16xi32> to vector<1x16xi32>
    tpu.vector_store %arg6[%swap3A_1937, %swap3A_1938], %swap3A_1941 {strides = array<i32>} : memref<4x512xi32, #tpu.memory_space<vmem>>, vector<1x16xi32>,
    %get3A_1942 = arith.constant 3 : i32
    %get3A_1943 = arith.index_cast %get3A_1942 : i32 to index
    %get3A_1944 = arith.constant 176 : index
    %get3A_1945 = tpu.vector_load %arg6[%get3A_1943, %get3A_1944] {strides = array<i32>} : memref<4x512xi32, #tpu.memory_space<vmem>>, vector<1x16xi32>,
    %get3A_1946 = vector.shape_cast %get3A_1945 : vector<1x16xi32> to vector<16xi32>
    %get3A_1947 = arith.constant 3 : i32
    %get3A_1948 = arith.index_cast %get3A_1947 : i32 to index
    %get3A_1949 = arith.constant 176 : index
    %get3A_1950 = tpu.vector_load %arg7[%get3A_1948, %get3A_1949] {strides = array<i32>} : memref<4x512xi32, #tpu.memory_space<vmem>>, vector<1x16xi32>,
    %get3A_1951 = vector.shape_cast %get3A_1950 : vector<1x16xi32> to vector<16xi32>
    %eq3A_1952 = arith.cmpi eq, %get3A_1946, %get3A_1951 : vector<16xi32>
    %select_n3A_1953 = arith.select %eq3A_1952, %get3A_18, %get3A_1946 : vector<16xi1>, vector<16xi32>
    %swap3A_1954 = arith.constant 3 : i32
    %swap3A_1955 = arith.index_cast %swap3A_1954 : i32 to index
    %swap3A_1956 = arith.constant 176 : index
    %swap3A_1957 = tpu.vector_load %arg6[%swap3A_1955, %swap3A_1956] {strides = array<i32>} : memref<4x512xi32, #tpu.memory_space<vmem>>, vector<1x16xi32>,
    %swap3A_1958 = vector.shape_cast %swap3A_1957 : vector<1x16xi32> to vector<16xi32>
    %swap3A_1959 = vector.shape_cast %select_n3A_1953 : vector<16xi32> to vector<1x16xi32>
    tpu.vector_store %arg6[%swap3A_1955, %swap3A_1956], %swap3A_1959 {strides = array<i32>} : memref<4x512xi32, #tpu.memory_space<vmem>>, vector<1x16xi32>,
    %get3A_1960 = arith.constant 3 : i32
    %get3A_1961 = arith.index_cast %get3A_1960 : i32 to index
    %get3A_1962 = arith.constant 192 : index
    %get3A_1963 = tpu.vector_load %arg6[%get3A_1961, %get3A_1962] {strides = array<i32>} : memref<4x512xi32, #tpu.memory_space<vmem>>, vector<1x16xi32>,
    %get3A_1964 = vector.shape_cast %get3A_1963 : vector<1x16xi32> to vector<16xi32>
    %get3A_1965 = arith.constant 3 : i32
    %get3A_1966 = arith.index_cast %get3A_1965 : i32 to index
    %get3A_1967 = arith.constant 192 : index
    %get3A_1968 = tpu.vector_load %arg7[%get3A_1966, %get3A_1967] {strides = array<i32>} : memref<4x512xi32, #tpu.memory_space<vmem>>, vector<1x16xi32>,
    %get3A_1969 = vector.shape_cast %get3A_1968 : vector<1x16xi32> to vector<16xi32>
    %eq3A_1970 = arith.cmpi eq, %get3A_1964, %get3A_1969 : vector<16xi32>
    %select_n3A_1971 = arith.select %eq3A_1970, %get3A_18, %get3A_1964 : vector<16xi1>, vector<16xi32>
    %swap3A_1972 = arith.constant 3 : i32
    %swap3A_1973 = arith.index_cast %swap3A_1972 : i32 to index
    %swap3A_1974 = arith.constant 192 : index
    %swap3A_1975 = tpu.vector_load %arg6[%swap3A_1973, %swap3A_1974] {strides = array<i32>} : memref<4x512xi32, #tpu.memory_space<vmem>>, vector<1x16xi32>,
    %swap3A_1976 = vector.shape_cast %swap3A_1975 : vector<1x16xi32> to vector<16xi32>
    %swap3A_1977 = vector.shape_cast %select_n3A_1971 : vector<16xi32> to vector<1x16xi32>
    tpu.vector_store %arg6[%swap3A_1973, %swap3A_1974], %swap3A_1977 {strides = array<i32>} : memref<4x512xi32, #tpu.memory_space<vmem>>, vector<1x16xi32>,
    %get3A_1978 = arith.constant 3 : i32
    %get3A_1979 = arith.index_cast %get3A_1978 : i32 to index
    %get3A_1980 = arith.constant 208 : index
    %get3A_1981 = tpu.vector_load %arg6[%get3A_1979, %get3A_1980] {strides = array<i32>} : memref<4x512xi32, #tpu.memory_space<vmem>>, vector<1x16xi32>,
    %get3A_1982 = vector.shape_cast %get3A_1981 : vector<1x16xi32> to vector<16xi32>
    %get3A_1983 = arith.constant 3 : i32
    %get3A_1984 = arith.index_cast %get3A_1983 : i32 to index
    %get3A_1985 = arith.constant 208 : index
    %get3A_1986 = tpu.vector_load %arg7[%get3A_1984, %get3A_1985] {strides = array<i32>} : memref<4x512xi32, #tpu.memory_space<vmem>>, vector<1x16xi32>,
    %get3A_1987 = vector.shape_cast %get3A_1986 : vector<1x16xi32> to vector<16xi32>
    %eq3A_1988 = arith.cmpi eq, %get3A_1982, %get3A_1987 : vector<16xi32>
    %select_n3A_1989 = arith.select %eq3A_1988, %get3A_18, %get3A_1982 : vector<16xi1>, vector<16xi32>
    %swap3A_1990 = arith.constant 3 : i32
    %swap3A_1991 = arith.index_cast %swap3A_1990 : i32 to index
    %swap3A_1992 = arith.constant 208 : index
    %swap3A_1993 = tpu.vector_load %arg6[%swap3A_1991, %swap3A_1992] {strides = array<i32>} : memref<4x512xi32, #tpu.memory_space<vmem>>, vector<1x16xi32>,
    %swap3A_1994 = vector.shape_cast %swap3A_1993 : vector<1x16xi32> to vector<16xi32>
    %swap3A_1995 = vector.shape_cast %select_n3A_1989 : vector<16xi32> to vector<1x16xi32>
    tpu.vector_store %arg6[%swap3A_1991, %swap3A_1992], %swap3A_1995 {strides = array<i32>} : memref<4x512xi32, #tpu.memory_space<vmem>>, vector<1x16xi32>,
    %get3A_1996 = arith.constant 3 : i32
    %get3A_1997 = arith.index_cast %get3A_1996 : i32 to index
    %get3A_1998 = arith.constant 224 : index
    %get3A_1999 = tpu.vector_load %arg6[%get3A_1997, %get3A_1998] {strides = array<i32>} : memref<4x512xi32, #tpu.memory_space<vmem>>, vector<1x16xi32>,
    %get3A_2000 = vector.shape_cast %get3A_1999 : vector<1x16xi32> to vector<16xi32>
    %get3A_2001 = arith.constant 3 : i32
    %get3A_2002 = arith.index_cast %get3A_2001 : i32 to index
    %get3A_2003 = arith.constant 224 : index
    %get3A_2004 = tpu.vector_load %arg7[%get3A_2002, %get3A_2003] {strides = array<i32>} : memref<4x512xi32, #tpu.memory_space<vmem>>, vector<1x16xi32>,
    %get3A_2005 = vector.shape_cast %get3A_2004 : vector<1x16xi32> to vector<16xi32>
    %eq3A_2006 = arith.cmpi eq, %get3A_2000, %get3A_2005 : vector<16xi32>
    %select_n3A_2007 = arith.select %eq3A_2006, %get3A_18, %get3A_2000 : vector<16xi1>, vector<16xi32>
    %swap3A_2008 = arith.constant 3 : i32
    %swap3A_2009 = arith.index_cast %swap3A_2008 : i32 to index
    %swap3A_2010 = arith.constant 224 : index
    %swap3A_2011 = tpu.vector_load %arg6[%swap3A_2009, %swap3A_2010] {strides = array<i32>} : memref<4x512xi32, #tpu.memory_space<vmem>>, vector<1x16xi32>,
    %swap3A_2012 = vector.shape_cast %swap3A_2011 : vector<1x16xi32> to vector<16xi32>
    %swap3A_2013 = vector.shape_cast %select_n3A_2007 : vector<16xi32> to vector<1x16xi32>
    tpu.vector_store %arg6[%swap3A_2009, %swap3A_2010], %swap3A_2013 {strides = array<i32>} : memref<4x512xi32, #tpu.memory_space<vmem>>, vector<1x16xi32>,
    %get3A_2014 = arith.constant 3 : i32
    %get3A_2015 = arith.index_cast %get3A_2014 : i32 to index
    %get3A_2016 = arith.constant 240 : index
    %get3A_2017 = tpu.vector_load %arg6[%get3A_2015, %get3A_2016] {strides = array<i32>} : memref<4x512xi32, #tpu.memory_space<vmem>>, vector<1x16xi32>,
    %get3A_2018 = vector.shape_cast %get3A_2017 : vector<1x16xi32> to vector<16xi32>
    %get3A_2019 = arith.constant 3 : i32
    %get3A_2020 = arith.index_cast %get3A_2019 : i32 to index
    %get3A_2021 = arith.constant 240 : index
    %get3A_2022 = tpu.vector_load %arg7[%get3A_2020, %get3A_2021] {strides = array<i32>} : memref<4x512xi32, #tpu.memory_space<vmem>>, vector<1x16xi32>,
    %get3A_2023 = vector.shape_cast %get3A_2022 : vector<1x16xi32> to vector<16xi32>
    %eq3A_2024 = arith.cmpi eq, %get3A_2018, %get3A_2023 : vector<16xi32>
    %select_n3A_2025 = arith.select %eq3A_2024, %get3A_18, %get3A_2018 : vector<16xi1>, vector<16xi32>
    %swap3A_2026 = arith.constant 3 : i32
    %swap3A_2027 = arith.index_cast %swap3A_2026 : i32 to index
    %swap3A_2028 = arith.constant 240 : index
    %swap3A_2029 = tpu.vector_load %arg6[%swap3A_2027, %swap3A_2028] {strides = array<i32>} : memref<4x512xi32, #tpu.memory_space<vmem>>, vector<1x16xi32>,
    %swap3A_2030 = vector.shape_cast %swap3A_2029 : vector<1x16xi32> to vector<16xi32>
    %swap3A_2031 = vector.shape_cast %select_n3A_2025 : vector<16xi32> to vector<1x16xi32>
    tpu.vector_store %arg6[%swap3A_2027, %swap3A_2028], %swap3A_2031 {strides = array<i32>} : memref<4x512xi32, #tpu.memory_space<vmem>>, vector<1x16xi32>,
    %get3A_2032 = arith.constant 3 : i32
    %get3A_2033 = arith.index_cast %get3A_2032 : i32 to index
    %get3A_2034 = arith.constant 256 : index
    %get3A_2035 = tpu.vector_load %arg6[%get3A_2033, %get3A_2034] {strides = array<i32>} : memref<4x512xi32, #tpu.memory_space<vmem>>, vector<1x16xi32>,
    %get3A_2036 = vector.shape_cast %get3A_2035 : vector<1x16xi32> to vector<16xi32>
    %get3A_2037 = arith.constant 3 : i32
    %get3A_2038 = arith.index_cast %get3A_2037 : i32 to index
    %get3A_2039 = arith.constant 256 : index
    %get3A_2040 = tpu.vector_load %arg7[%get3A_2038, %get3A_2039] {strides = array<i32>} : memref<4x512xi32, #tpu.memory_space<vmem>>, vector<1x16xi32>,
    %get3A_2041 = vector.shape_cast %get3A_2040 : vector<1x16xi32> to vector<16xi32>
    %eq3A_2042 = arith.cmpi eq, %get3A_2036, %get3A_2041 : vector<16xi32>
    %select_n3A_2043 = arith.select %eq3A_2042, %get3A_18, %get3A_2036 : vector<16xi1>, vector<16xi32>
    %swap3A_2044 = arith.constant 3 : i32
    %swap3A_2045 = arith.index_cast %swap3A_2044 : i32 to index
    %swap3A_2046 = arith.constant 256 : index
    %swap3A_2047 = tpu.vector_load %arg6[%swap3A_2045, %swap3A_2046] {strides = array<i32>} : memref<4x512xi32, #tpu.memory_space<vmem>>, vector<1x16xi32>,
    %swap3A_2048 = vector.shape_cast %swap3A_2047 : vector<1x16xi32> to vector<16xi32>
    %swap3A_2049 = vector.shape_cast %select_n3A_2043 : vector<16xi32> to vector<1x16xi32>
    tpu.vector_store %arg6[%swap3A_2045, %swap3A_2046], %swap3A_2049 {strides = array<i32>} : memref<4x512xi32, #tpu.memory_space<vmem>>, vector<1x16xi32>,
    %get3A_2050 = arith.constant 3 : i32
    %get3A_2051 = arith.index_cast %get3A_2050 : i32 to index
    %get3A_2052 = arith.constant 272 : index
    %get3A_2053 = tpu.vector_load %arg6[%get3A_2051, %get3A_2052] {strides = array<i32>} : memref<4x512xi32, #tpu.memory_space<vmem>>, vector<1x16xi32>,
    %get3A_2054 = vector.shape_cast %get3A_2053 : vector<1x16xi32> to vector<16xi32>
    %get3A_2055 = arith.constant 3 : i32
    %get3A_2056 = arith.index_cast %get3A_2055 : i32 to index
    %get3A_2057 = arith.constant 272 : index
    %get3A_2058 = tpu.vector_load %arg7[%get3A_2056, %get3A_2057] {strides = array<i32>} : memref<4x512xi32, #tpu.memory_space<vmem>>, vector<1x16xi32>,
    %get3A_2059 = vector.shape_cast %get3A_2058 : vector<1x16xi32> to vector<16xi32>
    %eq3A_2060 = arith.cmpi eq, %get3A_2054, %get3A_2059 : vector<16xi32>
    %select_n3A_2061 = arith.select %eq3A_2060, %get3A_18, %get3A_2054 : vector<16xi1>, vector<16xi32>
    %swap3A_2062 = arith.constant 3 : i32
    %swap3A_2063 = arith.index_cast %swap3A_2062 : i32 to index
    %swap3A_2064 = arith.constant 272 : index
    %swap3A_2065 = tpu.vector_load %arg6[%swap3A_2063, %swap3A_2064] {strides = array<i32>} : memref<4x512xi32, #tpu.memory_space<vmem>>, vector<1x16xi32>,
    %swap3A_2066 = vector.shape_cast %swap3A_2065 : vector<1x16xi32> to vector<16xi32>
    %swap3A_2067 = vector.shape_cast %select_n3A_2061 : vector<16xi32> to vector<1x16xi32>
    tpu.vector_store %arg6[%swap3A_2063, %swap3A_2064], %swap3A_2067 {strides = array<i32>} : memref<4x512xi32, #tpu.memory_space<vmem>>, vector<1x16xi32>,
    %get3A_2068 = arith.constant 3 : i32
    %get3A_2069 = arith.index_cast %get3A_2068 : i32 to index
    %get3A_2070 = arith.constant 288 : index
    %get3A_2071 = tpu.vector_load %arg6[%get3A_2069, %get3A_2070] {strides = array<i32>} : memref<4x512xi32, #tpu.memory_space<vmem>>, vector<1x16xi32>,
    %get3A_2072 = vector.shape_cast %get3A_2071 : vector<1x16xi32> to vector<16xi32>
    %get3A_2073 = arith.constant 3 : i32
    %get3A_2074 = arith.index_cast %get3A_2073 : i32 to index
    %get3A_2075 = arith.constant 288 : index
    %get3A_2076 = tpu.vector_load %arg7[%get3A_2074, %get3A_2075] {strides = array<i32>} : memref<4x512xi32, #tpu.memory_space<vmem>>, vector<1x16xi32>,
    %get3A_2077 = vector.shape_cast %get3A_2076 : vector<1x16xi32> to vector<16xi32>
    %eq3A_2078 = arith.cmpi eq, %get3A_2072, %get3A_2077 : vector<16xi32>
    %select_n3A_2079 = arith.select %eq3A_2078, %get3A_18, %get3A_2072 : vector<16xi1>, vector<16xi32>
    %swap3A_2080 = arith.constant 3 : i32
    %swap3A_2081 = arith.index_cast %swap3A_2080 : i32 to index
    %swap3A_2082 = arith.constant 288 : index
    %swap3A_2083 = tpu.vector_load %arg6[%swap3A_2081, %swap3A_2082] {strides = array<i32>} : memref<4x512xi32, #tpu.memory_space<vmem>>, vector<1x16xi32>,
    %swap3A_2084 = vector.shape_cast %swap3A_2083 : vector<1x16xi32> to vector<16xi32>
    %swap3A_2085 = vector.shape_cast %select_n3A_2079 : vector<16xi32> to vector<1x16xi32>
    tpu.vector_store %arg6[%swap3A_2081, %swap3A_2082], %swap3A_2085 {strides = array<i32>} : memref<4x512xi32, #tpu.memory_space<vmem>>, vector<1x16xi32>,
    %get3A_2086 = arith.constant 3 : i32
    %get3A_2087 = arith.index_cast %get3A_2086 : i32 to index
    %get3A_2088 = arith.constant 304 : index
    %get3A_2089 = tpu.vector_load %arg6[%get3A_2087, %get3A_2088] {strides = array<i32>} : memref<4x512xi32, #tpu.memory_space<vmem>>, vector<1x16xi32>,
    %get3A_2090 = vector.shape_cast %get3A_2089 : vector<1x16xi32> to vector<16xi32>
    %get3A_2091 = arith.constant 3 : i32
    %get3A_2092 = arith.index_cast %get3A_2091 : i32 to index
    %get3A_2093 = arith.constant 304 : index
    %get3A_2094 = tpu.vector_load %arg7[%get3A_2092, %get3A_2093] {strides = array<i32>} : memref<4x512xi32, #tpu.memory_space<vmem>>, vector<1x16xi32>,
    %get3A_2095 = vector.shape_cast %get3A_2094 : vector<1x16xi32> to vector<16xi32>
    %eq3A_2096 = arith.cmpi eq, %get3A_2090, %get3A_2095 : vector<16xi32>
    %select_n3A_2097 = arith.select %eq3A_2096, %get3A_18, %get3A_2090 : vector<16xi1>, vector<16xi32>
    %swap3A_2098 = arith.constant 3 : i32
    %swap3A_2099 = arith.index_cast %swap3A_2098 : i32 to index
    %swap3A_2100 = arith.constant 304 : index
    %swap3A_2101 = tpu.vector_load %arg6[%swap3A_2099, %swap3A_2100] {strides = array<i32>} : memref<4x512xi32, #tpu.memory_space<vmem>>, vector<1x16xi32>,
    %swap3A_2102 = vector.shape_cast %swap3A_2101 : vector<1x16xi32> to vector<16xi32>
    %swap3A_2103 = vector.shape_cast %select_n3A_2097 : vector<16xi32> to vector<1x16xi32>
    tpu.vector_store %arg6[%swap3A_2099, %swap3A_2100], %swap3A_2103 {strides = array<i32>} : memref<4x512xi32, #tpu.memory_space<vmem>>, vector<1x16xi32>,
    %get3A_2104 = arith.constant 3 : i32
    %get3A_2105 = arith.index_cast %get3A_2104 : i32 to index
    %get3A_2106 = arith.constant 320 : index
    %get3A_2107 = tpu.vector_load %arg6[%get3A_2105, %get3A_2106] {strides = array<i32>} : memref<4x512xi32, #tpu.memory_space<vmem>>, vector<1x16xi32>,
    %get3A_2108 = vector.shape_cast %get3A_2107 : vector<1x16xi32> to vector<16xi32>
    %get3A_2109 = arith.constant 3 : i32
    %get3A_2110 = arith.index_cast %get3A_2109 : i32 to index
    %get3A_2111 = arith.constant 320 : index
    %get3A_2112 = tpu.vector_load %arg7[%get3A_2110, %get3A_2111] {strides = array<i32>} : memref<4x512xi32, #tpu.memory_space<vmem>>, vector<1x16xi32>,
    %get3A_2113 = vector.shape_cast %get3A_2112 : vector<1x16xi32> to vector<16xi32>
    %eq3A_2114 = arith.cmpi eq, %get3A_2108, %get3A_2113 : vector<16xi32>
    %select_n3A_2115 = arith.select %eq3A_2114, %get3A_18, %get3A_2108 : vector<16xi1>, vector<16xi32>
    %swap3A_2116 = arith.constant 3 : i32
    %swap3A_2117 = arith.index_cast %swap3A_2116 : i32 to index
    %swap3A_2118 = arith.constant 320 : index
    %swap3A_2119 = tpu.vector_load %arg6[%swap3A_2117, %swap3A_2118] {strides = array<i32>} : memref<4x512xi32, #tpu.memory_space<vmem>>, vector<1x16xi32>,
    %swap3A_2120 = vector.shape_cast %swap3A_2119 : vector<1x16xi32> to vector<16xi32>
    %swap3A_2121 = vector.shape_cast %select_n3A_2115 : vector<16xi32> to vector<1x16xi32>
    tpu.vector_store %arg6[%swap3A_2117, %swap3A_2118], %swap3A_2121 {strides = array<i32>} : memref<4x512xi32, #tpu.memory_space<vmem>>, vector<1x16xi32>,
    %get3A_2122 = arith.constant 3 : i32
    %get3A_2123 = arith.index_cast %get3A_2122 : i32 to index
    %get3A_2124 = arith.constant 336 : index
    %get3A_2125 = tpu.vector_load %arg6[%get3A_2123, %get3A_2124] {strides = array<i32>} : memref<4x512xi32, #tpu.memory_space<vmem>>, vector<1x16xi32>,
    %get3A_2126 = vector.shape_cast %get3A_2125 : vector<1x16xi32> to vector<16xi32>
    %get3A_2127 = arith.constant 3 : i32
    %get3A_2128 = arith.index_cast %get3A_2127 : i32 to index
    %get3A_2129 = arith.constant 336 : index
    %get3A_2130 = tpu.vector_load %arg7[%get3A_2128, %get3A_2129] {strides = array<i32>} : memref<4x512xi32, #tpu.memory_space<vmem>>, vector<1x16xi32>,
    %get3A_2131 = vector.shape_cast %get3A_2130 : vector<1x16xi32> to vector<16xi32>
    %eq3A_2132 = arith.cmpi eq, %get3A_2126, %get3A_2131 : vector<16xi32>
    %select_n3A_2133 = arith.select %eq3A_2132, %get3A_18, %get3A_2126 : vector<16xi1>, vector<16xi32>
    %swap3A_2134 = arith.constant 3 : i32
    %swap3A_2135 = arith.index_cast %swap3A_2134 : i32 to index
    %swap3A_2136 = arith.constant 336 : index
    %swap3A_2137 = tpu.vector_load %arg6[%swap3A_2135, %swap3A_2136] {strides = array<i32>} : memref<4x512xi32, #tpu.memory_space<vmem>>, vector<1x16xi32>,
    %swap3A_2138 = vector.shape_cast %swap3A_2137 : vector<1x16xi32> to vector<16xi32>
    %swap3A_2139 = vector.shape_cast %select_n3A_2133 : vector<16xi32> to vector<1x16xi32>
    tpu.vector_store %arg6[%swap3A_2135, %swap3A_2136], %swap3A_2139 {strides = array<i32>} : memref<4x512xi32, #tpu.memory_space<vmem>>, vector<1x16xi32>,
    %get3A_2140 = arith.constant 3 : i32
    %get3A_2141 = arith.index_cast %get3A_2140 : i32 to index
    %get3A_2142 = arith.constant 352 : index
    %get3A_2143 = tpu.vector_load %arg6[%get3A_2141, %get3A_2142] {strides = array<i32>} : memref<4x512xi32, #tpu.memory_space<vmem>>, vector<1x16xi32>,
    %get3A_2144 = vector.shape_cast %get3A_2143 : vector<1x16xi32> to vector<16xi32>
    %get3A_2145 = arith.constant 3 : i32
    %get3A_2146 = arith.index_cast %get3A_2145 : i32 to index
    %get3A_2147 = arith.constant 352 : index
    %get3A_2148 = tpu.vector_load %arg7[%get3A_2146, %get3A_2147] {strides = array<i32>} : memref<4x512xi32, #tpu.memory_space<vmem>>, vector<1x16xi32>,
    %get3A_2149 = vector.shape_cast %get3A_2148 : vector<1x16xi32> to vector<16xi32>
    %eq3A_2150 = arith.cmpi eq, %get3A_2144, %get3A_2149 : vector<16xi32>
    %select_n3A_2151 = arith.select %eq3A_2150, %get3A_18, %get3A_2144 : vector<16xi1>, vector<16xi32>
    %swap3A_2152 = arith.constant 3 : i32
    %swap3A_2153 = arith.index_cast %swap3A_2152 : i32 to index
    %swap3A_2154 = arith.constant 352 : index
    %swap3A_2155 = tpu.vector_load %arg6[%swap3A_2153, %swap3A_2154] {strides = array<i32>} : memref<4x512xi32, #tpu.memory_space<vmem>>, vector<1x16xi32>,
    %swap3A_2156 = vector.shape_cast %swap3A_2155 : vector<1x16xi32> to vector<16xi32>
    %swap3A_2157 = vector.shape_cast %select_n3A_2151 : vector<16xi32> to vector<1x16xi32>
    tpu.vector_store %arg6[%swap3A_2153, %swap3A_2154], %swap3A_2157 {strides = array<i32>} : memref<4x512xi32, #tpu.memory_space<vmem>>, vector<1x16xi32>,
    %get3A_2158 = arith.constant 3 : i32
    %get3A_2159 = arith.index_cast %get3A_2158 : i32 to index
    %get3A_2160 = arith.constant 368 : index
    %get3A_2161 = tpu.vector_load %arg6[%get3A_2159, %get3A_2160] {strides = array<i32>} : memref<4x512xi32, #tpu.memory_space<vmem>>, vector<1x16xi32>,
    %get3A_2162 = vector.shape_cast %get3A_2161 : vector<1x16xi32> to vector<16xi32>
    %get3A_2163 = arith.constant 3 : i32
    %get3A_2164 = arith.index_cast %get3A_2163 : i32 to index
    %get3A_2165 = arith.constant 368 : index
    %get3A_2166 = tpu.vector_load %arg7[%get3A_2164, %get3A_2165] {strides = array<i32>} : memref<4x512xi32, #tpu.memory_space<vmem>>, vector<1x16xi32>,
    %get3A_2167 = vector.shape_cast %get3A_2166 : vector<1x16xi32> to vector<16xi32>
    %eq3A_2168 = arith.cmpi eq, %get3A_2162, %get3A_2167 : vector<16xi32>
    %select_n3A_2169 = arith.select %eq3A_2168, %get3A_18, %get3A_2162 : vector<16xi1>, vector<16xi32>
    %swap3A_2170 = arith.constant 3 : i32
    %swap3A_2171 = arith.index_cast %swap3A_2170 : i32 to index
    %swap3A_2172 = arith.constant 368 : index
    %swap3A_2173 = tpu.vector_load %arg6[%swap3A_2171, %swap3A_2172] {strides = array<i32>} : memref<4x512xi32, #tpu.memory_space<vmem>>, vector<1x16xi32>,
    %swap3A_2174 = vector.shape_cast %swap3A_2173 : vector<1x16xi32> to vector<16xi32>
    %swap3A_2175 = vector.shape_cast %select_n3A_2169 : vector<16xi32> to vector<1x16xi32>
    tpu.vector_store %arg6[%swap3A_2171, %swap3A_2172], %swap3A_2175 {strides = array<i32>} : memref<4x512xi32, #tpu.memory_space<vmem>>, vector<1x16xi32>,
    %get3A_2176 = arith.constant 3 : i32
    %get3A_2177 = arith.index_cast %get3A_2176 : i32 to index
    %get3A_2178 = arith.constant 384 : index
    %get3A_2179 = tpu.vector_load %arg6[%get3A_2177, %get3A_2178] {strides = array<i32>} : memref<4x512xi32, #tpu.memory_space<vmem>>, vector<1x16xi32>,
    %get3A_2180 = vector.shape_cast %get3A_2179 : vector<1x16xi32> to vector<16xi32>
    %get3A_2181 = arith.constant 3 : i32
    %get3A_2182 = arith.index_cast %get3A_2181 : i32 to index
    %get3A_2183 = arith.constant 384 : index
    %get3A_2184 = tpu.vector_load %arg7[%get3A_2182, %get3A_2183] {strides = array<i32>} : memref<4x512xi32, #tpu.memory_space<vmem>>, vector<1x16xi32>,
    %get3A_2185 = vector.shape_cast %get3A_2184 : vector<1x16xi32> to vector<16xi32>
    %eq3A_2186 = arith.cmpi eq, %get3A_2180, %get3A_2185 : vector<16xi32>
    %select_n3A_2187 = arith.select %eq3A_2186, %get3A_18, %get3A_2180 : vector<16xi1>, vector<16xi32>
    %swap3A_2188 = arith.constant 3 : i32
    %swap3A_2189 = arith.index_cast %swap3A_2188 : i32 to index
    %swap3A_2190 = arith.constant 384 : index
    %swap3A_2191 = tpu.vector_load %arg6[%swap3A_2189, %swap3A_2190] {strides = array<i32>} : memref<4x512xi32, #tpu.memory_space<vmem>>, vector<1x16xi32>,
    %swap3A_2192 = vector.shape_cast %swap3A_2191 : vector<1x16xi32> to vector<16xi32>
    %swap3A_2193 = vector.shape_cast %select_n3A_2187 : vector<16xi32> to vector<1x16xi32>
    tpu.vector_store %arg6[%swap3A_2189, %swap3A_2190], %swap3A_2193 {strides = array<i32>} : memref<4x512xi32, #tpu.memory_space<vmem>>, vector<1x16xi32>,
    %get3A_2194 = arith.constant 3 : i32
    %get3A_2195 = arith.index_cast %get3A_2194 : i32 to index
    %get3A_2196 = arith.constant 400 : index
    %get3A_2197 = tpu.vector_load %arg6[%get3A_2195, %get3A_2196] {strides = array<i32>} : memref<4x512xi32, #tpu.memory_space<vmem>>, vector<1x16xi32>,
    %get3A_2198 = vector.shape_cast %get3A_2197 : vector<1x16xi32> to vector<16xi32>
    %get3A_2199 = arith.constant 3 : i32
    %get3A_2200 = arith.index_cast %get3A_2199 : i32 to index
    %get3A_2201 = arith.constant 400 : index
    %get3A_2202 = tpu.vector_load %arg7[%get3A_2200, %get3A_2201] {strides = array<i32>} : memref<4x512xi32, #tpu.memory_space<vmem>>, vector<1x16xi32>,
    %get3A_2203 = vector.shape_cast %get3A_2202 : vector<1x16xi32> to vector<16xi32>
    %eq3A_2204 = arith.cmpi eq, %get3A_2198, %get3A_2203 : vector<16xi32>
    %select_n3A_2205 = arith.select %eq3A_2204, %get3A_18, %get3A_2198 : vector<16xi1>, vector<16xi32>
    %swap3A_2206 = arith.constant 3 : i32
    %swap3A_2207 = arith.index_cast %swap3A_2206 : i32 to index
    %swap3A_2208 = arith.constant 400 : index
    %swap3A_2209 = tpu.vector_load %arg6[%swap3A_2207, %swap3A_2208] {strides = array<i32>} : memref<4x512xi32, #tpu.memory_space<vmem>>, vector<1x16xi32>,
    %swap3A_2210 = vector.shape_cast %swap3A_2209 : vector<1x16xi32> to vector<16xi32>
    %swap3A_2211 = vector.shape_cast %select_n3A_2205 : vector<16xi32> to vector<1x16xi32>
    tpu.vector_store %arg6[%swap3A_2207, %swap3A_2208], %swap3A_2211 {strides = array<i32>} : memref<4x512xi32, #tpu.memory_space<vmem>>, vector<1x16xi32>,
    %get3A_2212 = arith.constant 3 : i32
    %get3A_2213 = arith.index_cast %get3A_2212 : i32 to index
    %get3A_2214 = arith.constant 416 : index
    %get3A_2215 = tpu.vector_load %arg6[%get3A_2213, %get3A_2214] {strides = array<i32>} : memref<4x512xi32, #tpu.memory_space<vmem>>, vector<1x16xi32>,
    %get3A_2216 = vector.shape_cast %get3A_2215 : vector<1x16xi32> to vector<16xi32>
    %get3A_2217 = arith.constant 3 : i32
    %get3A_2218 = arith.index_cast %get3A_2217 : i32 to index
    %get3A_2219 = arith.constant 416 : index
    %get3A_2220 = tpu.vector_load %arg7[%get3A_2218, %get3A_2219] {strides = array<i32>} : memref<4x512xi32, #tpu.memory_space<vmem>>, vector<1x16xi32>,
    %get3A_2221 = vector.shape_cast %get3A_2220 : vector<1x16xi32> to vector<16xi32>
    %eq3A_2222 = arith.cmpi eq, %get3A_2216, %get3A_2221 : vector<16xi32>
    %select_n3A_2223 = arith.select %eq3A_2222, %get3A_18, %get3A_2216 : vector<16xi1>, vector<16xi32>
    %swap3A_2224 = arith.constant 3 : i32
    %swap3A_2225 = arith.index_cast %swap3A_2224 : i32 to index
    %swap3A_2226 = arith.constant 416 : index
    %swap3A_2227 = tpu.vector_load %arg6[%swap3A_2225, %swap3A_2226] {strides = array<i32>} : memref<4x512xi32, #tpu.memory_space<vmem>>, vector<1x16xi32>,
    %swap3A_2228 = vector.shape_cast %swap3A_2227 : vector<1x16xi32> to vector<16xi32>
    %swap3A_2229 = vector.shape_cast %select_n3A_2223 : vector<16xi32> to vector<1x16xi32>
    tpu.vector_store %arg6[%swap3A_2225, %swap3A_2226], %swap3A_2229 {strides = array<i32>} : memref<4x512xi32, #tpu.memory_space<vmem>>, vector<1x16xi32>,
    %get3A_2230 = arith.constant 3 : i32
    %get3A_2231 = arith.index_cast %get3A_2230 : i32 to index
    %get3A_2232 = arith.constant 432 : index
    %get3A_2233 = tpu.vector_load %arg6[%get3A_2231, %get3A_2232] {strides = array<i32>} : memref<4x512xi32, #tpu.memory_space<vmem>>, vector<1x16xi32>,
    %get3A_2234 = vector.shape_cast %get3A_2233 : vector<1x16xi32> to vector<16xi32>
    %get3A_2235 = arith.constant 3 : i32
    %get3A_2236 = arith.index_cast %get3A_2235 : i32 to index
    %get3A_2237 = arith.constant 432 : index
    %get3A_2238 = tpu.vector_load %arg7[%get3A_2236, %get3A_2237] {strides = array<i32>} : memref<4x512xi32, #tpu.memory_space<vmem>>, vector<1x16xi32>,
    %get3A_2239 = vector.shape_cast %get3A_2238 : vector<1x16xi32> to vector<16xi32>
    %eq3A_2240 = arith.cmpi eq, %get3A_2234, %get3A_2239 : vector<16xi32>
    %select_n3A_2241 = arith.select %eq3A_2240, %get3A_18, %get3A_2234 : vector<16xi1>, vector<16xi32>
    %swap3A_2242 = arith.constant 3 : i32
    %swap3A_2243 = arith.index_cast %swap3A_2242 : i32 to index
    %swap3A_2244 = arith.constant 432 : index
    %swap3A_2245 = tpu.vector_load %arg6[%swap3A_2243, %swap3A_2244] {strides = array<i32>} : memref<4x512xi32, #tpu.memory_space<vmem>>, vector<1x16xi32>,
    %swap3A_2246 = vector.shape_cast %swap3A_2245 : vector<1x16xi32> to vector<16xi32>
    %swap3A_2247 = vector.shape_cast %select_n3A_2241 : vector<16xi32> to vector<1x16xi32>
    tpu.vector_store %arg6[%swap3A_2243, %swap3A_2244], %swap3A_2247 {strides = array<i32>} : memref<4x512xi32, #tpu.memory_space<vmem>>, vector<1x16xi32>,
    %get3A_2248 = arith.constant 3 : i32
    %get3A_2249 = arith.index_cast %get3A_2248 : i32 to index
    %get3A_2250 = arith.constant 448 : index
    %get3A_2251 = tpu.vector_load %arg6[%get3A_2249, %get3A_2250] {strides = array<i32>} : memref<4x512xi32, #tpu.memory_space<vmem>>, vector<1x16xi32>,
    %get3A_2252 = vector.shape_cast %get3A_2251 : vector<1x16xi32> to vector<16xi32>
    %get3A_2253 = arith.constant 3 : i32
    %get3A_2254 = arith.index_cast %get3A_2253 : i32 to index
    %get3A_2255 = arith.constant 448 : index
    %get3A_2256 = tpu.vector_load %arg7[%get3A_2254, %get3A_2255] {strides = array<i32>} : memref<4x512xi32, #tpu.memory_space<vmem>>, vector<1x16xi32>,
    %get3A_2257 = vector.shape_cast %get3A_2256 : vector<1x16xi32> to vector<16xi32>
    %eq3A_2258 = arith.cmpi eq, %get3A_2252, %get3A_2257 : vector<16xi32>
    %select_n3A_2259 = arith.select %eq3A_2258, %get3A_18, %get3A_2252 : vector<16xi1>, vector<16xi32>
    %swap3A_2260 = arith.constant 3 : i32
    %swap3A_2261 = arith.index_cast %swap3A_2260 : i32 to index
    %swap3A_2262 = arith.constant 448 : index
    %swap3A_2263 = tpu.vector_load %arg6[%swap3A_2261, %swap3A_2262] {strides = array<i32>} : memref<4x512xi32, #tpu.memory_space<vmem>>, vector<1x16xi32>,
    %swap3A_2264 = vector.shape_cast %swap3A_2263 : vector<1x16xi32> to vector<16xi32>
    %swap3A_2265 = vector.shape_cast %select_n3A_2259 : vector<16xi32> to vector<1x16xi32>
    tpu.vector_store %arg6[%swap3A_2261, %swap3A_2262], %swap3A_2265 {strides = array<i32>} : memref<4x512xi32, #tpu.memory_space<vmem>>, vector<1x16xi32>,
    %get3A_2266 = arith.constant 3 : i32
    %get3A_2267 = arith.index_cast %get3A_2266 : i32 to index
    %get3A_2268 = arith.constant 464 : index
    %get3A_2269 = tpu.vector_load %arg6[%get3A_2267, %get3A_2268] {strides = array<i32>} : memref<4x512xi32, #tpu.memory_space<vmem>>, vector<1x16xi32>,
    %get3A_2270 = vector.shape_cast %get3A_2269 : vector<1x16xi32> to vector<16xi32>
    %get3A_2271 = arith.constant 3 : i32
    %get3A_2272 = arith.index_cast %get3A_2271 : i32 to index
    %get3A_2273 = arith.constant 464 : index
    %get3A_2274 = tpu.vector_load %arg7[%get3A_2272, %get3A_2273] {strides = array<i32>} : memref<4x512xi32, #tpu.memory_space<vmem>>, vector<1x16xi32>,
    %get3A_2275 = vector.shape_cast %get3A_2274 : vector<1x16xi32> to vector<16xi32>
    %eq3A_2276 = arith.cmpi eq, %get3A_2270, %get3A_2275 : vector<16xi32>
    %select_n3A_2277 = arith.select %eq3A_2276, %get3A_18, %get3A_2270 : vector<16xi1>, vector<16xi32>
    %swap3A_2278 = arith.constant 3 : i32
    %swap3A_2279 = arith.index_cast %swap3A_2278 : i32 to index
    %swap3A_2280 = arith.constant 464 : index
    %swap3A_2281 = tpu.vector_load %arg6[%swap3A_2279, %swap3A_2280] {strides = array<i32>} : memref<4x512xi32, #tpu.memory_space<vmem>>, vector<1x16xi32>,
    %swap3A_2282 = vector.shape_cast %swap3A_2281 : vector<1x16xi32> to vector<16xi32>
    %swap3A_2283 = vector.shape_cast %select_n3A_2277 : vector<16xi32> to vector<1x16xi32>
    tpu.vector_store %arg6[%swap3A_2279, %swap3A_2280], %swap3A_2283 {strides = array<i32>} : memref<4x512xi32, #tpu.memory_space<vmem>>, vector<1x16xi32>,
    %get3A_2284 = arith.constant 3 : i32
    %get3A_2285 = arith.index_cast %get3A_2284 : i32 to index
    %get3A_2286 = arith.constant 480 : index
    %get3A_2287 = tpu.vector_load %arg6[%get3A_2285, %get3A_2286] {strides = array<i32>} : memref<4x512xi32, #tpu.memory_space<vmem>>, vector<1x16xi32>,
    %get3A_2288 = vector.shape_cast %get3A_2287 : vector<1x16xi32> to vector<16xi32>
    %get3A_2289 = arith.constant 3 : i32
    %get3A_2290 = arith.index_cast %get3A_2289 : i32 to index
    %get3A_2291 = arith.constant 480 : index
    %get3A_2292 = tpu.vector_load %arg7[%get3A_2290, %get3A_2291] {strides = array<i32>} : memref<4x512xi32, #tpu.memory_space<vmem>>, vector<1x16xi32>,
    %get3A_2293 = vector.shape_cast %get3A_2292 : vector<1x16xi32> to vector<16xi32>
    %eq3A_2294 = arith.cmpi eq, %get3A_2288, %get3A_2293 : vector<16xi32>
    %select_n3A_2295 = arith.select %eq3A_2294, %get3A_18, %get3A_2288 : vector<16xi1>, vector<16xi32>
    %swap3A_2296 = arith.constant 3 : i32
    %swap3A_2297 = arith.index_cast %swap3A_2296 : i32 to index
    %swap3A_2298 = arith.constant 480 : index
    %swap3A_2299 = tpu.vector_load %arg6[%swap3A_2297, %swap3A_2298] {strides = array<i32>} : memref<4x512xi32, #tpu.memory_space<vmem>>, vector<1x16xi32>,
    %swap3A_2300 = vector.shape_cast %swap3A_2299 : vector<1x16xi32> to vector<16xi32>
    %swap3A_2301 = vector.shape_cast %select_n3A_2295 : vector<16xi32> to vector<1x16xi32>
    tpu.vector_store %arg6[%swap3A_2297, %swap3A_2298], %swap3A_2301 {strides = array<i32>} : memref<4x512xi32, #tpu.memory_space<vmem>>, vector<1x16xi32>,
    %get3A_2302 = arith.constant 3 : i32
    %get3A_2303 = arith.index_cast %get3A_2302 : i32 to index
    %get3A_2304 = arith.constant 496 : index
    %get3A_2305 = tpu.vector_load %arg6[%get3A_2303, %get3A_2304] {strides = array<i32>} : memref<4x512xi32, #tpu.memory_space<vmem>>, vector<1x16xi32>,
    %get3A_2306 = vector.shape_cast %get3A_2305 : vector<1x16xi32> to vector<16xi32>
    %get3A_2307 = arith.constant 3 : i32
    %get3A_2308 = arith.index_cast %get3A_2307 : i32 to index
    %get3A_2309 = arith.constant 496 : index
    %get3A_2310 = tpu.vector_load %arg7[%get3A_2308, %get3A_2309] {strides = array<i32>} : memref<4x512xi32, #tpu.memory_space<vmem>>, vector<1x16xi32>,
    %get3A_2311 = vector.shape_cast %get3A_2310 : vector<1x16xi32> to vector<16xi32>
    %eq3A_2312 = arith.cmpi eq, %get3A_2306, %get3A_2311 : vector<16xi32>
    %select_n3A_2313 = arith.select %eq3A_2312, %get3A_18, %get3A_2306 : vector<16xi1>, vector<16xi32>
    %swap3A_2314 = arith.constant 3 : i32
    %swap3A_2315 = arith.index_cast %swap3A_2314 : i32 to index
    %swap3A_2316 = arith.constant 496 : index
    %swap3A_2317 = tpu.vector_load %arg6[%swap3A_2315, %swap3A_2316] {strides = array<i32>} : memref<4x512xi32, #tpu.memory_space<vmem>>, vector<1x16xi32>,
    %swap3A_2318 = vector.shape_cast %swap3A_2317 : vector<1x16xi32> to vector<16xi32>
    %swap3A_2319 = vector.shape_cast %select_n3A_2313 : vector<16xi32> to vector<1x16xi32>
    tpu.vector_store %arg6[%swap3A_2315, %swap3A_2316], %swap3A_2319 {strides = array<i32>} : memref<4x512xi32, #tpu.memory_space<vmem>>, vector<1x16xi32>,
    "tpu.region"() ({
      %run_scoped3A = tpu.sem_alloc : memref<!tpu.dma_semaphore, #tpu.memory_space<semaphore_mem>>
      %dma_start3A_2320 = arith.constant 0 : i32
      %dma_start3A_2321 = tpu.memref_slice %arg5[%dma_start3A_2320, %mul3A_0] : memref<4x8192xi32, #tpu.memory_space<hbm>> -> memref<4x512xi32, #tpu.memory_space<hbm>>
      %dma_start3A_2322 = arith.constant 0 : i32
      %dma_start3A_2323 = tpu.memref_slice %arg5[%dma_start3A_2322, %mul3A_0] : memref<4x8192xi32, #tpu.memory_space<hbm>> -> memref<4x512xi32, #tpu.memory_space<hbm>>
      tpu.enqueue_dma source(%arg6 : memref<4x512xi32, #tpu.memory_space<vmem>>) target(%dma_start3A_2323 : memref<4x512xi32, #tpu.memory_space<hbm>>) target_semaphore(%run_scoped3A : memref<!tpu.dma_semaphore, #tpu.memory_space<semaphore_mem>>)
      %dma_wait3A_2324 = arith.constant 0 : i32
      %dma_wait3A_2325 = tpu.memref_slice %arg5[%dma_wait3A_2324, %mul3A_0] : memref<4x8192xi32, #tpu.memory_space<hbm>> -> memref<4x512xi32, #tpu.memory_space<hbm>>
      %dma_wait3A_2326 = arith.constant 0 : i32
      %dma_wait3A_2327 = tpu.memref_slice %arg5[%dma_wait3A_2326, %mul3A_0] : memref<4x8192xi32, #tpu.memory_space<hbm>> -> memref<4x512xi32, #tpu.memory_space<hbm>>
      tpu.wait_dma2 semaphore(%run_scoped3A : memref<!tpu.dma_semaphore, #tpu.memory_space<semaphore_mem>>) src(%arg6 : memref<4x512xi32, #tpu.memory_space<vmem>>) dst(%dma_wait3A_2327 : memref<4x512xi32, #tpu.memory_space<hbm>>)
      tpu.yield
    }) : () -> ()
    return
  }
}

module attributes {stable_mosaic.version = 14 : i64} {
  func.func @_fill_tc_body(%arg0: i32, %arg1: memref<8x128xf32, #tpu.memory_space<vmem>>, %arg2: memref<128x1000xf32, #tpu.memory_space<vmem>>, %arg3: memref<1x128xi32, #tpu.memory_space<vmem>>) attributes {dimension_semantics = [#tpu.dimension_semantics<arbitrary>], iteration_bounds = array<i64: 1>, scalar_prefetch = 0 : i64, scratch_operands = 0 : i64, tpu.core_type = #tpu.core_type<tc>, window_params = [{transform_indices = @transform_0, window_bounds = array<i64: 8, 128>}, {pipeline_mode = #tpu.pipeline_mode<synchronous>, transform_indices = @transform_1, window_bounds = array<i64: 128, 1000>}, {pipeline_mode = #tpu.pipeline_mode<synchronous>, transform_indices = @transform_2, window_bounds = array<i64: 1, 128>}]} {
    %get3A = arith.constant 2 : index
    %get3A_0 = arith.constant 0 : index
    %get3A_1 = vector.load %arg1[%get3A, %get3A_0] : memref<8x128xf32, #tpu.memory_space<vmem>>, vector<1x128xf32>
    %get3A_2 = arith.constant 0 : index
    %get3A_3 = arith.constant 0 : index
    %get3A_4 = vector.load %arg2[%get3A_2, %get3A_3] : memref<128x1000xf32, #tpu.memory_space<vmem>>, vector<128x1000xf32>
    %dot_general3A = arith.constant dense<0.000000e+00> : vector<1x1000xf32>
    %dot_general3A_5 = tpu.matmul %get3A_1, %get3A_4, %dot_general3A {dimension_numbers = #tpu.dot_dimension_numbers<[1], [0], [0], [1], [0, 0, 1, 1], [], []>, transpose_lhs_hint = false} : vector<1x128xf32>, vector<128x1000xf32>, vector<1x1000xf32> -> vector<1x1000xf32>
    %reduce_max3A = arith.constant dense<0xFF800000> : vector<1xf32>
    %reduce_max3A_6 = vector.multi_reduction <maximumf>, %dot_general3A_5, %reduce_max3A [1] : vector<1x1000xf32> to vector<1xf32>
    %broadcast_in_dim3A = vector.shape_cast %reduce_max3A_6 : vector<1xf32> to vector<1x1xf32>
    %iota3A = tpu.iota {dimensions = array<i32: 1>} : vector<1x1000xi32>
    %eq3A = vector.broadcast %broadcast_in_dim3A : vector<1x1xf32> to vector<1x1000xf32>
    %eq3A_7 = arith.cmpf oeq, %dot_general3A_5, %eq3A : vector<1x1000xf32>
    %jit3A = arith.constant 1000 : i32
    %broadcast_in_dim3A_8 = vector.broadcast %jit3A : i32 to vector<1x1000xi32>
    %select_n3A = arith.select %eq3A_7, %iota3A, %broadcast_in_dim3A_8 : vector<1x1000xi1>, vector<1x1000xi32>
    %reduce_min3A = arith.constant dense<2147483647> : vector<1xi32>
    %reduce_min3A_9 = vector.multi_reduction <minsi>, %select_n3A, %reduce_min3A [1] : vector<1x1000xi32> to vector<1xi32>
    %broadcast_in_dim3A_10 = vector.shape_cast %reduce_min3A_9 : vector<1xi32> to vector<1x1xi32>
    %broadcast_in_dim3A_11 = vector.shape_cast %broadcast_in_dim3A_10 : vector<1x1xi32> to vector<1x1xi32>
    %broadcast_in_dim3A_12 = vector.broadcast %broadcast_in_dim3A_11 : vector<1x1xi32> to vector<1x128xi32>
    %swap3A = arith.constant 0 : index
    %swap3A_13 = arith.constant 0 : index
    %swap3A_14 = vector.load %arg3[%swap3A, %swap3A_13] : memref<1x128xi32, #tpu.memory_space<vmem>>, vector<1x128xi32>
    tpu.vector_store %arg3[%swap3A, %swap3A_13], %broadcast_in_dim3A_12 {strides = array<i32>} : memref<1x128xi32, #tpu.memory_space<vmem>>, vector<1x128xi32>,
    return
  }
  func.func @transform_0(%arg0: i32) -> (i32, i32) {
    %c0_i32 = arith.constant 0 : i32
    %c0_i32_0 = arith.constant 0 : i32
    %c0_i32_1 = arith.constant 0 : i32
    return %c0_i32, %c0_i32_0 : i32, i32
  }
  func.func @transform_1(%arg0: i32) -> (i32, i32) {
    %c0_i32 = arith.constant 0 : i32
    %c0_i32_0 = arith.constant 0 : i32
    %c0_i32_1 = arith.constant 0 : i32
    return %c0_i32, %c0_i32_0 : i32, i32
  }
  func.func @transform_2(%arg0: i32) -> (i32, i32) {
    %c0_i32 = arith.constant 0 : i32
    %c0_i32_0 = arith.constant 0 : i32
    %c0_i32_1 = arith.constant 0 : i32
    return %c0_i32, %c0_i32_0 : i32, i32
  }
}

</mosaic_0001>

<sc_bundles>
// kernel: kernel.4.cloned.1.call-start
scs
__scs_entry_jumppad:
0x0: {  	(pc) =	sbr.rel $0x88, $3  }
0x1: {  	(tag) =	ssettag $0x0;
	lr =	simm.s32 $0x1  }
0x2: {  	[smem:$0x3F9E] =	sst lr;
	_ =	strace $0xD0000000  }
0x3: {  	_ = 	snop  }
0x4: {  	_ = 	snop  }
0x5: {  	_ = 	snop  }
0x6: {  	_ = 	snop  }
0x7: {  	_ = 	snop  }
__scs_overlays_trampoline_lowered:
0x8: {  	[smem:$0x3FAD] =	sst s0  }
0x9: {  	[smem:$0x3FAE] =	sst s1  }
0xa: {  	[smem:$0x3FAF] =	sst s2  }
0xb: {  	[smem:$0x3FB0] =	sst s3  }
0xc: {  	[smem:$0x3FB1] =	sst s4  }
0xd: {  	[smem:$0x3FB2] =	sst s5  }
0xe: {  	[smem:$0x3FB3] =	sst s6  }
0xf: {  	[smem:$0x3FB4] =	sst s7  }
0x10: {  	[smem:$0x3FB5] =	sst s8  }
0x11: {  	[smem:$0x3FB6] =	sst s9;
	s0 =	simm.s32 @!p0 $0x0  }
0x12: {  	s1 =	sld [smem:$0x3F9C];
	s0 =	simm.s32 @p0 $0x1  }
0x13: {  	[smem:$0x3FB7] =	sst s0;
	s0 =	simm.s32 @!p1 $0x0  }
0x14: {  	s2 =	sld [smem:$0x3F9B];
	s0 =	simm.s32 @p1 $0x1  }
0x15: {  	[smem:$0x3FB8] =	sst s0;
	s0 =	simm.s32 @!p2 $0x0  }
0x16: {  	s3 =	sld [smem:$0x3FDB];
	s0 =	simm.s32 @p2 $0x1  }
0x17: {  	s4 =	simm.s32 $0x1BF5;
	[smem:$0x3FBA] =	sst s0  }
0x18: {  	s0 =	sld [smem:$0x3F9D];
	_ =	swait.ge [sflag:s4], $0x0  }
0x19: {  	s7 =	sld [smem:$0x3F9E]  }
0x1a: {  	s8 =	sadd.s32 $0xFFFFE003, lr  }
0x1b: {  	s9 =	sadd.s32 $0xFFFFFEF7, lr;
	s5 =	simm.s32 $0xFFFFFFFF;
	p2 =	slt.u32 s8, $0xFFFFF086  }
0x1c: {  	p1 =	slt.u32 s9, $0xF7A;
	s5 =	simm.s32 @!p2 $0x0  }
0x1d: {  	s5 =	simm.s32 @p1 $0x1;
	p0 =	seq.s32 s7, s2  }
0x1e: {  	s7 =	smul.u32 @!p0 $0xF7A, s2;
	p2 =	seq.s32 @!p0 s5, $0x0  }
0x1f: {  	s9 =	smul.u32 $0xF7A, s1;
	s8 =	simm.s32 @!p0 $0x1BF5;
	p2 =	por !p2, p0  }
0x20: {  	[sflag:s8] =	ssyncset.s32 @!p0 $0xFFFFF086;
	s6 =	sadd.s32 @!p0 s3, s7;
	s7 =	simm.s32 @!p0 $0x108  }
0x21: {  	s3 =	sadd.s32 s3, s9;
	s6 =	sadd.s32 @!p0 $0x88, s6;
	s7 =	simm.s32 @p2 $0x1082  }
0x22: {  	[simem:s7], [sflag:s8] =	dma.local @!p0 [hbm:s6], $0xF7A  }
0x23: {  	s9 =	sor.u32 $0xD0000000, s2;
	s6 =	simm.s32 $0x108;
	_ =	swait.ge @!p0 [sflag:s8], $0x0  }
0x24: {  	s3 =	sadd.s32 $0x88, s3;
	s6 =	simm.s32 @!p1 $0x1082;
	[sflag:s4] =	ssyncset.s32 $0xFFFFF086  }
0x25: {  	[simem:s6], [sflag:s4] =	dma.local [hbm:s3], $0xF7A  }
0x26: {  	[smem:$0x3F9E] =	sst s1;
	(tag) =	ssettag s2;
	_ =	strace s9  }
0x27: {  	s1 =	sld [smem:$0x3FAE]  }
0x28: {  	s2 =	sld [smem:$0x3FAF]  }
0x29: {  	s4 =	sld [smem:$0x3FB1]  }
0x2a: {  	p0 =	seq.s32 s5, $0x0;
	s5 =	sld [smem:$0x3FB2]  }
0x2b: {  	s6 =	sld [smem:$0x3FB3]  }
0x2c: {  	s7 =	sld [smem:$0x3FB4]  }
0x2d: {  	s3 =	simm.s32 $0x108;
	s8 =	sld [smem:$0x3FB5]  }
0x2e: {  	s3 =	simm.s32 @!p0 $0x1082;
	s9 =	sld [smem:$0x3FB6]  }
0x2f: {  	lr =	sadd.s32 s0, s3;
	s0 =	sld [smem:$0x3FAD]  }
0x30: {  	s3 =	sld [smem:$0x3FB0]  }
0x31: {  	[smem:$0x3FB9] =	sst s10  }
0x32: {  	s10 =	sld [smem:$0x3FB7];
	_ =	sdelay $0x3  }
0x33: {  	p0 =	seq.s32 s10, $0x1;
	s10 =	sld [smem:$0x3FB9];
	_ =	sdelay $0x3  }
0x34: {  	[smem:$0x3FB9] =	sst s10  }
0x35: {  	s10 =	sld [smem:$0x3FB8];
	_ =	sdelay $0x3  }
0x36: {  	p1 =	seq.s32 s10, $0x1;
	s10 =	sld [smem:$0x3FB9];
	_ =	sdelay $0x3  }
0x37: {  	[smem:$0x3FB9] =	sst s10  }
0x38: {  	s10 =	sld [smem:$0x3FBA]  }
0x39: {  	_ = 	snop;
	(pc) =	sbr.ind lr, $3  }
0x3a: {  	_ = 	snop  }
0x3b: {  	_ = 	snop  }
0x3c: {  	p2 =	seq.s32 s10, $0x1;
	s10 =	sld [smem:$0x3FB9]  }
0x3d: {  	_ =	shalt  }
0x3e: {  	_ =	shalt  }
0x3f: {  	_ =	shalt  }
0x40: {  	_ =	shalt  }
0x41: {  	_ =	shalt  }
0x42: {  	_ =	shalt  }
0x43: {  	_ =	shalt  }
0x44: {  	_ =	shalt  }
0x45: {  	_ =	shalt  }
0x46: {  	_ =	shalt  }
0x47: {  	_ =	shalt  }
0x48: {  	_ =	shalt  }
0x49: {  	_ =	shalt  }
0x4a: {  	_ =	shalt  }
0x4b: {  	_ =	shalt  }
0x4c: {  	_ =	shalt  }
0x4d: {  	_ =	shalt  }
0x4e: {  	_ =	shalt  }
0x4f: {  	_ =	shalt  }
0x50: {  	_ =	shalt  }
0x51: {  	_ =	shalt  }
0x52: {  	_ =	shalt  }
0x53: {  	_ =	shalt  }
0x54: {  	_ =	shalt  }
0x55: {  	_ =	shalt  }
0x56: {  	_ =	shalt  }
0x57: {  	_ =	shalt  }
0x58: {  	_ =	shalt  }
0x59: {  	_ =	shalt  }
0x5a: {  	_ =	shalt  }
0x5b: {  	_ =	shalt  }
0x5c: {  	_ =	shalt  }
0x5d: {  	_ =	shalt  }
0x5e: {  	_ =	shalt  }
0x5f: {  	_ =	shalt  }
0x60: {  	_ =	shalt  }
0x61: {  	_ =	shalt  }
0x62: {  	_ =	shalt  }
0x63: {  	_ =	shalt  }
0x64: {  	_ =	shalt  }
0x65: {  	_ =	shalt  }
0x66: {  	_ =	shalt  }
0x67: {  	_ =	shalt  }
0x68: {  	_ =	shalt  }
0x69: {  	_ =	shalt  }
0x6a: {  	_ =	shalt  }
0x6b: {  	_ =	shalt  }
0x6c: {  	_ =	shalt  }
0x6d: {  	_ =	shalt  }
0x6e: {  	_ =	shalt  }
0x6f: {  	_ =	shalt  }
0x70: {  	_ =	shalt  }
0x71: {  	_ =	shalt  }
0x72: {  	_ =	shalt  }
0x73: {  	_ =	shalt  }
0x74: {  	_ =	shalt  }
0x75: {  	_ =	shalt  }
0x76: {  	_ =	shalt  }
0x77: {  	_ =	shalt  }
0x78: {  	_ =	shalt  }
0x79: {  	_ =	shalt  }
0x7a: {  	_ =	shalt  }
0x7b: {  	_ =	shalt  }
0x7c: {  	_ =	shalt  }
0x7d: {  	_ =	shalt  }
0x7e: {  	_ =	shalt  }
0x7f: {  	_ =	shalt  }
0x80: {  	_ =	shalt  }
0x81: {  	_ =	shalt  }
0x82: {  	_ =	shalt  }
0x83: {  	_ =	shalt  }
0x84: {  	_ =	shalt  }
0x85: {  	_ =	shalt  }
0x86: {  	_ =	shalt  }
0x87: {  	_ =	shalt  }
.Lfunc_end0:
.L_simem_size_0:
called_computation_lowered:
.L_overlay_start_0:
0x88: {  	s0 =	sld [smem:$0x3FD9]  }
0x89: {  	s1 =	sld [smem:$0x3FFE];
	_ =	sdelay $0x3  }
0x8a: {  	s0 =	sadd.s32 s1, s0  }
0x8b: {  	[smem:$0x3FC5] =	sst s0  }
0x8c: {  	_ = 	snop  }
0x8d: {  	s0 =	sld [smem:$0x3FC9]  }
0x8e: {  	s16 =	sld [smem:$0x3FD0];
	(tm) =	ssettm $0x1  }
0x8f: {  	s2 =	sld [smem:$0x3FFB];
	_ =	sdelay $0x3  }
0x90: {  	_ =	strace s2  }
0x91: {  	s2 =	sld [smem:$0x3FFC];
	_ =	sdelay $0x3  }
0x92: {  	_ =	strace s2  }
0x93: {  	s2 =	sld [smem:$0x3FFD];
	_ =	sdelay $0x3  }
0x94: {  	_ =	strace s2  }
0x95: {  	_ =	strace $0x8FFFFFFF  }
0x96: {  	s17 =	sld [smem:$0x3FDB];
	_ =	sdelay $0x1  }
0x97: {  	s3 =	simm.s32 $_scs_section_size  }
0x98: {  	s4 =	simm.s32 $_size__tile_overlayer_lowered;
	s5 =	simm.s32 $_tile_overlayer_lowered  }
0x99: {  	s20 =	simm.s32 $0x1BFF;
	s19 =	sshll.u32 s5, $0x1;
	s2 =	sadd.s32 s3, s17  }
0x9a: {  	s6 =	simm.s32 $0x0;
	s18 =	sshll.u32 s4, $0x1;
	s4 =	sadd.s32 s19, s2  }
0x9b: {  	[timem:s6], [sflag:s20] =	dma.local [hbm:s4], s18  }
0x9c: {  	_ =	swait.ge [sflag:s20], s18  }
0x9d: {  	s3 =	ssub.s32 $0x0, s18;
	[sflag:s20] =	ssyncset.done $0x0  }
0x9e: {  	[sflag:s20] =	ssyncadd.s32 s3;
	_ =	sdelay $0x1  }
0x9f: {  	s21 =	simm.s32 $0x1B8B  }
0xa0: {  	_ =	swait.ge [sflag:s21], $0x1  }
0xa1: {  	[sflag:s21] =	ssyncset.done $0x0  }
0xa2: {  	s23 =	simm.s32 $0x1B8E;
	s22 =	sld [smem:$0x3FFE];
	[sflag:s21] =	ssyncadd.s32 $0xFFFFFFFF  }
0xa3: {  	s24 =	simm.s32 $execute0_lowered;
	[smem:$0x3FD2] =	sst s23  }
0xa4: {  	s4 =	sshll.u32 s24, $0x1;
	_ =	strace $0x80000046;
	[dreg:$0x1] =	wrdreg $0xFFFFFFFF  }
0xa5: {  	s25 =	simm.s32 $_size_execute0_lowered;
	s2 =	sadd.s32 s2, s4;
	[dreg:$0x0] =	wrdreg $0x0  }
0xa6: {  	s4 =	sshll.u32 s25, $0x1;
	[dreg:$0x2] =	wrdreg s2  }
0xa7: {  	[dreg:$0x3] =	wrdreg s4  }
0xa8: {  	[dreg:$0x4] =	wrdreg $0xC0  }
0xa9: {  	_ =	task [dreg:s6], $0x5FFFF  }
0xaa: {  	[dreg:$0x1] =	wrdreg $0xFFFFFFFF  }
0xab: {  	[dreg:$0x0] =	wrdreg $0x60  }
0xac: {  	[dreg:$0x2] =	wrdreg s0  }
0xad: {  	[dreg:$0x3] =	wrdreg s22  }
0xae: {  	[dreg:$0x4] =	wrdreg s16  }
0xaf: {  	[dreg:$0x5] =	wrdreg $0x9  }
0xb0: {  	_ =	task.clear_ibuf [dreg:s6], $0x6FFFF;
	_ =	strace $0x90000046  }
0xb1: {  	s26 =	simm.s32 $0x9;
	_ =	strace $0x80000048  }
0xb2: {  	_ =	swait.ge [sflag:s26], $0x1  }
0xb3: {  	[sflag:s26] =	ssyncadd.s32 $0xFFFFFFFF  }
0xb4: {  	_ =	strace $0x90000048  }
0xb5: {  	_ =	sfence  }
0xb6: {  	s28 =	sld [smem:$0x0];
	_ =	sdelay $0x1  }
0xb7: {  	s29 =	srdreg.scid  }
0xb8: {  	s30 =	sshll.u32 s29, $0xD;
	s31 =	sshrl.u32 s29, $0x2  }
0xb9: {  	s1 =	sand.u32 $0x1, s29;
	s2 =	sand.u32 $0x4000, s30;
	s0 =	sadd.s32 s31, s28  }
0xba: {  	s1 =	sor.u32 s2, s1;
	s0 =	sshll.u32 s0, $0x11  }
0xbb: {  	s0 =	sor.u32 s0, s1  }
0xbc: {  	s0 =	sadd.s32 $0x8F2B, s0  }
0xbd: {  	[sflag:s0] =	ssyncadd.remote.s32 $0x1  }
0xbe: {  	_ =	sfence.sel $0xFFFF  }
0xbf: {  	[dreg:$0x0] =	wrdreg $0xFFFFFFFF;
	(pc) =	sbr.abs _section_cstart, $3  }
0xc0: {  	[dreg:$0x1] =	wrdreg $0xFFFFFFFF  }
0xc1: {  	_ =	task.clear_ibuf [dreg:s6], $0x2FFFF;
	_ =	strace $0x9FFFFFFF  }
0xc2: {  	(tm) =	ssettm $0x7FFFFFFF  }
0xc3: {  	_ =	shalt  }
tec
execute0_lowered:
.L_overlay_start_1:
0x0: {  	(tag) =	ssettag $0x1  }
0x1: {  	s5 =	rddreg [dreg:$0x0]  }
0x2: {  	s6 =	rddreg [dreg:$0x1]  }
0x3: {  	s2 =	rddreg [dreg:$0x2]  }
0x4: {  	s0 =	rddreg [dreg:$0x3];
	s3 =	simm.s32 $0x0;
	s1 =	stileid.u32  }
0x5: {  	[smem:$0x7FF] =	sst s3;
	s4 =	sshll.u32 s1, $0x8  }
0x6: {  	_ =	strace $0x80000047;
	s7 =	sadd.s32 s4, s6;
	s5 =	sadd.s32 s5, s4  }
0x7: {  	[tilespmem:s3], [sflag:$0x1] =	stream.linear.gather [hbm4b:s5+s3], $0x800, $0x38;
	[tilespmem:$0x1080] =	vst v63  }
0x8: {  	s26 =	simm.s32 $0x800;
	s25 =	sadd.s32 $0xC00, s7  }
0x9: {  	[tilespmem:s26], [sflag:$0x1] =	stream.linear.gather [hbm4b:s25+s3], $0x800, $0x38;
	[tilespmem:$0x1080] =	vst v63  }
0xa: {  	s29 =	simm.s32 $0x1000;
	s30 =	simm.s32 $0x1;
	s28 =	sadd.s32 $0xA00, s6  }
0xb: {  	[tilespmem:s29], [sflag:$0x1] =	stream.linear.gather [hbm4b:s28+s3], $0x80, $0x38;
	[tilespmem:$0x1080] =	vst v63  }
0xc: {  	_ =	swait.ge [sflag:s30], $0x800  }
0xd: {  	[sflag:s30] =	ssyncset.done $0x0  }
0xe: {  	[sflag:s30] =	ssyncadd.s32 $0xFFFFF800  }
0xf: {  	_ =	swait.ge [sflag:s30], $0x800  }
0x10: {  	[sflag:s30] =	ssyncset.done $0x0  }
0x11: {  	[sflag:s30] =	ssyncadd.s32 $0xFFFFF800  }
0x12: {  	_ =	swait.ge [sflag:s30], $0x80  }
0x13: {  	[sflag:s30] =	ssyncset.done $0x0  }
0x14: {  	[sflag:s30] =	ssyncadd.s32 $0xFFFFFF80  }
0x15: {  	v0 =	vld [tilespmem:$0x1000]  }
0x16: {  	v1 =	vld [tilespmem:$0x0]  }
0x17: {  	v28 =	vld [tilespmem:$0x800]  }
0x18: {  	v2 =	vld [tilespmem:$0x10]  }
0x19: {  	v29 =	vld [tilespmem:$0x810]  }
0x1a: {  	v3 =	vld [tilespmem:$0x20]  }
0x1b: {  	v32 =	vld [tilespmem:$0x820]  }
0x1c: {  	v4 =	vld [tilespmem:$0x30]  }
0x1d: {  	v35 =	vld [tilespmem:$0x830]  }
0x1e: {  	v5 =	vld [tilespmem:$0x40]  }
0x1f: {  	v39 =	vld [tilespmem:$0x840]  }
0x20: {  	v6 =	vld [tilespmem:$0x50]  }
0x21: {  	v44 =	vld [tilespmem:$0x850]  }
0x22: {  	v54 =	vld [tilespmem:$0x60]  }
0x23: {  	v45 =	vld [tilespmem:$0x860]  }
0x24: {  	v7 =	vld [tilespmem:$0x70]  }
0x25: {  	v46 =	vld [tilespmem:$0x870]  }
0x26: {  	v36 =	vld [tilespmem:$0x200]  }
0x27: {  	v47 =	vld [tilespmem:$0xA00]  }
0x28: {  	v8 =	vld [tilespmem:$0x210]  }
0x29: {  	v52 =	vld [tilespmem:$0xA10]  }
0x2a: {  	v31 =	vld [tilespmem:$0x220]  }
0x2b: {  	v58 =	vld [tilespmem:$0xA20]  }
0x2c: {  	v9 =	vld [tilespmem:$0x230]  }
0x2d: {  	v10 =	vld [tilespmem:$0xA30]  }
0x2e: {  	v37 =	vld [tilespmem:$0x240]  }
0x2f: {  	v30 =	vld [tilespmem:$0xA40]  }
0x30: {  	v11 =	vld [tilespmem:$0xA50]  }
0x31: {  	v43 =	vld [tilespmem:$0x260]  }
0x32: {  	v33 =	vld [tilespmem:$0xA60]  }
0x33: {  	v12 =	vld [tilespmem:$0xA70]  }
0x34: {  	v49 =	vld [tilespmem:$0x400]  }
0x35: {  	v34 =	vld [tilespmem:$0xC00]  }
0x36: {  	v13 =	vld [tilespmem:$0xC10]  }
0x37: {  	v55 =	vld [tilespmem:$0x420]  }
0x38: {  	v38 =	vld [tilespmem:$0xC20];
	[tilespmem:$0x1FAB0] =	vst v10  }
0x39: {  	v14 =	vld [tilespmem:$0xC30];
	[tilespmem:$0x1FAC0] =	vst v30  }
0x3a: {  	v61 =	vld [tilespmem:$0x440];
	[tilespmem:$0x1FAD0] =	vst v11  }
0x3b: {  	v40 =	vld [tilespmem:$0xC40];
	[tilespmem:$0x1FAE0] =	vst v33  }
0x3c: {  	v15 =	vld [tilespmem:$0xC50];
	[tilespmem:$0x1FAF0] =	vst v12  }
0x3d: {  	v18 =	vld [tilespmem:$0x460];
	[tilespmem:$0x1FB00] =	vst v34  }
0x3e: {  	v41 =	vld [tilespmem:$0xC60];
	[tilespmem:$0x1FB10] =	vst v13  }
0x3f: {  	v10 =	vld [tilespmem:$0x250];
	[tilespmem:$0x1FB20] =	vst v38  }
0x40: {  	v11 =	vld [tilespmem:$0x270];
	[tilespmem:$0x1FB30] =	vst v14  }
0x41: {  	v12 =	vld [tilespmem:$0x410];
	[tilespmem:$0x1FB40] =	vst v40  }
0x42: {  	v13 =	vld [tilespmem:$0x430];
	[tilespmem:$0x1FB50] =	vst v15  }
0x43: {  	v14 =	vld [tilespmem:$0x450];
	[tilespmem:$0x1FB60] =	vst v41  }
0x44: {  	v15 =	vld [tilespmem:$0x470]  }
0x45: {  	v16 =	vld [tilespmem:$0xC70]  }
0x46: {  	v17 =	vld [tilespmem:$0xE00]  }
0x47: {  	v19 =	vld [tilespmem:$0xE10]  }
0x48: {  	v20 =	vld [tilespmem:$0xE20]  }
0x49: {  	v60 =	vld [tilespmem:$0x630]  }
0x4a: {  	v42 =	vld [tilespmem:$0xE30]  }
0x4b: {  	v21 =	vld [tilespmem:$0xE40]  }
0x4c: {  	v51 =	vld [tilespmem:$0x650]  }
0x4d: {  	v48 =	vld [tilespmem:$0xE50]  }
0x4e: {  	v22 =	vld [tilespmem:$0xE60]  }
0x4f: {  	v40 =	vld [tilespmem:$0x670]  }
0x50: {  	v50 =	vld [tilespmem:$0xE70]  }
0x51: {  	v23 =	vld [tilespmem:$0x880]  }
0x52: {  	v24 =	vld [tilespmem:$0x890]  }
0x53: {  	v25 =	vld [tilespmem:$0x8A0]  }
0x54: {  	v26 =	vld [tilespmem:$0x8B0]  }
0x55: {  	v27 =	vld [tilespmem:$0x8C0]  }
0x56: {  	v30 =	vld [tilespmem:$0x8D0]  }
0x57: {  	v33 =	vld [tilespmem:$0x8E0]  }
0x58: {  	v34 =	vld [tilespmem:$0x8F0]  }
0x59: {  	v38 =	vld [tilespmem:$0xA80]  }
0x5a: {  	v41 =	vld [tilespmem:$0xA90]  }
0x5b: {  	v62 =	vld [tilespmem:$0x2C0]  }
0x5c: {  	v53 =	vld [tilespmem:$0xAC0]  }
0x5d: {  	v59 =	vld [tilespmem:$0x2D0]  }
0x5e: {  	v56 =	vld [tilespmem:$0xAD0]  }
0x5f: {  	v57 =	vld [tilespmem:$0xAE0]  }
0x60: {  	v63 =	vld [tilespmem:$0xAF0]  }
0x61: {  	vm1 =	veq.s32 v2, v29;
	v29 =	vld [tilespmem:$0x140]  }
0x62: {  	vm11 =	veq.s32 v4, v35;
	v35 =	vld [tilespmem:$0x940]  }
0x63: {  	vm12 =	veq.s32 v5, v39;
	vm14 =	veq.s32 v54, v45;
	v45 =	vld [tilespmem:$0x950]  }
0x64: {  	vm15 =	veq.s32 v7, v46;
	vm4 =	veq.s32 v36, v47;
	v46 =	vsel vm14, v0, v54;
	v54 =	vld [tilespmem:$0x160]  }
0x65: {  	v39 =	vsel vm12, v0, v5;
	v5 =	vsel vm4, v0, v36;
	v36 =	vld [tilespmem:$0x170]  }
0x66: {  	vm5 =	veq.s32 v8, v52;
	v52 =	vld [tilespmem:$0x970]  }
0x67: {  	vm13 =	veq.s32 v6, v44;
	vm6 =	veq.s32 v31, v58;
	v47 =	vsel vm15, v0, v7;
	v7 =	vld [tilespmem:$0x1FAB0]  }
0x68: {  	v44 =	vsel vm13, v0, v6;
	v6 =	vsel vm5, v0, v8;
	v8 =	vsel vm6, v0, v31;
	v31 =	vld [tilespmem:$0x300]  }
0x69: {  	v58 =	vld [tilespmem:$0xB00]  }
0x6a: {  	vm10 =	veq.s32 v3, v32;
	v32 =	vsel vm1, v0, v2;
	v2 =	vld [tilespmem:$0x530]  }
0x6b: {  	vm0 =	veq.s32 v1, v28;
	v28 =	vsel vm10, v0, v3;
	v3 =	vld [tilespmem:$0x550]  }
0x6c: {  	[tilespmem:$0x10] =	vst v32;
	v32 =	vsel vm11, v0, v4;
	v4 =	vld [tilespmem:$0x960]  }
0x6d: {  	[tilespmem:$0x20] =	vst v28;
	v28 =	vld [tilespmem:$0x1FAC0]  }
0x6e: {  	[tilespmem:$0x50] =	vst v44;
	v44 =	vld [tilespmem:$0x1FAE0]  }
0x6f: {  	[tilespmem:$0x60] =	vst v46;
	v46 =	vld [tilespmem:$0xB10]  }
0x70: {  	[tilespmem:$0x70] =	vst v47;
	v47 =	vld [tilespmem:$0x1FAF0]  }
0x71: {  	[tilespmem:$0x200] =	vst v5;
	v5 =	vld [tilespmem:$0x1FB00]  }
0x72: {  	[tilespmem:$0x220] =	vst v8;
	v8 =	vld [tilespmem:$0x1FB10]  }
0x73: {  	v1 =	vsel vm0, v0, v1;
	[tilespmem:$0x40] =	vst v39;
	v39 =	vld [tilespmem:$0xB40]  }
0x74: {  	[tilespmem:$0x0] =	vst v1;
	v1 =	vld [tilespmem:$0x540]  }
0x75: {  	[tilespmem:$0x30] =	vst v32;
	v32 =	vld [tilespmem:$0x1FAD0]  }
0x76: {  	[tilespmem:$0x1FB70] =	vst v16;
	v16 =	vld [tilespmem:$0x600]  }
0x77: {  	[tilespmem:$0x1FB80] =	vst v17;
	v17 =	vld [tilespmem:$0x610]  }
0x78: {  	[tilespmem:$0x1FB90] =	vst v19;
	v19 =	vld [tilespmem:$0x620]  }
0x79: {  	[tilespmem:$0x1FBA0] =	vst v20;
	v20 =	vld [tilespmem:$0x640]  }
0x7a: {  	[tilespmem:$0x1FBC0] =	vst v21;
	v21 =	vld [tilespmem:$0x660]  }
0x7b: {  	[tilespmem:$0x1FBE0] =	vst v22;
	v22 =	vld [tilespmem:$0x80]  }
0x7c: {  	[tilespmem:$0x1FC00] =	vst v23;
	v23 =	vld [tilespmem:$0x90]  }
0x7d: {  	[tilespmem:$0x1FC10] =	vst v24;
	v24 =	vld [tilespmem:$0xA0]  }
0x7e: {  	[tilespmem:$0x1FC20] =	vst v25;
	v25 =	vld [tilespmem:$0xB0]  }
0x7f: {  	[tilespmem:$0x1FC30] =	vst v26;
	v26 =	vld [tilespmem:$0xC0]  }
0x80: {  	[tilespmem:$0x1FC40] =	vst v27;
	v27 =	vld [tilespmem:$0xD0]  }
0x81: {  	[tilespmem:$0x1FC50] =	vst v30;
	v30 =	vld [tilespmem:$0xE0]  }
0x82: {  	[tilespmem:$0x1FCF0] =	vst v63;
	v63 =	vld [tilespmem:$0xCA0]  }
0x83: {  	[tilespmem:$0x1FC60] =	vst v33;
	v33 =	vld [tilespmem:$0xF0]  }
0x84: {  	[tilespmem:$0x1FC70] =	vst v34;
	v34 =	vld [tilespmem:$0x280]  }
0x85: {  	[tilespmem:$0x1FC80] =	vst v38;
	v38 =	vld [tilespmem:$0x290]  }
0x86: {  	[tilespmem:$0x1FC90] =	vst v41;
	v41 =	vld [tilespmem:$0x2A0]  }
0x87: {  	[tilespmem:$0x1FD20] =	vst v63;
	v63 =	vld [tilespmem:$0x4B0]  }
0x88: {  	[tilespmem:$0x1FBB0] =	vst v42;
	v42 =	vld [tilespmem:$0xAA0]  }
0x89: {  	[tilespmem:$0x1FBD0] =	vst v48;
	v48 =	vld [tilespmem:$0xAB0]  }
0x8a: {  	[tilespmem:$0x1FCD0] =	vst v56;
	v56 =	vld [tilespmem:$0x2E0]  }
0x8b: {  	[tilespmem:$0x1FCC0] =	vst v53;
	v53 =	vld [tilespmem:$0x2F0]  }
0x8c: {  	[tilespmem:$0x1FD30] =	vst v63;
	v63 =	vld [tilespmem:$0xCB0]  }
0x8d: {  	[tilespmem:$0x1FBF0] =	vst v50;
	v50 =	vld [tilespmem:$0x480]  }
0x8e: {  	[tilespmem:$0x1FCE0] =	vst v57;
	v57 =	vld [tilespmem:$0xC80]  }
0x8f: {  	vm7 =	veq.s32 v9, v7;
	v7 =	vld [tilespmem:$0xB20]  }
0x90: {  	vm8 =	veq.s32 v37, v28;
	v28 =	vld [tilespmem:$0x1FB30]  }
0x91: {  	[tilespmem:$0x1FD40] =	vst v63;
	v63 =	vld [tilespmem:$0x4C0]  }
0x92: {  	vm10 =	veq.s32 v43, v44;
	v44 =	vld [tilespmem:$0x1FB50]  }
0x93: {  	[tilespmem:$0x1FF90] =	vst v46;
	v46 =	vld [tilespmem:$0x1FB60]  }
0x94: {  	[tilespmem:$0x1FF50] =	vst v29;
	vm12 =	veq.s32 v49, v5;
	v5 =	vld [tilespmem:$0x1FB70]  }
0x95: {  	[tilespmem:$0x1FF60] =	vst v35;
	v35 =	vsel vm8, v0, v37;
	v37 =	vld [tilespmem:$0x310]  }
0x96: {  	[tilespmem:$0x1FD50] =	vst v63;
	v63 =	vld [tilespmem:$0xCC0]  }
0x97: {  	[tilespmem:$0x1FF80] =	vst v4;
	v29 =	vsel vm7, v0, v9;
	v4 =	vsel vm10, v0, v43;
	v43 =	vld [tilespmem:$0x320]  }
0x98: {  	vm11 =	veq.s32 v11, v47;
	vm13 =	veq.s32 v12, v8;
	v9 =	vsel vm12, v0, v49;
	v49 =	vld [tilespmem:$0x330]  }
0x99: {  	[tilespmem:$0x210] =	vst v6;
	v6 =	vsel vm11, v0, v11;
	v11 =	vsel vm13, v0, v12;
	v12 =	vld [tilespmem:$0xB30]  }
0x9a: {  	vm9 =	veq.s32 v10, v32;
	v32 =	vld [tilespmem:$0x1FB40]  }
0x9b: {  	[tilespmem:$0x1FD60] =	vst v63;
	v63 =	vld [tilespmem:$0x4D0]  }
0x9c: {  	[tilespmem:$0x1FF70] =	vst v45;
	v45 =	vsel vm9, v0, v10;
	v10 =	vld [tilespmem:$0x1FB20]  }
0x9d: {  	[tilespmem:$0x260] =	vst v4;
	v4 =	vld [tilespmem:$0xB50]  }
0x9e: {  	[tilespmem:$0x400] =	vst v9;
	v9 =	vld [tilespmem:$0xB60]  }
0x9f: {  	[tilespmem:$0x1FCA0] =	vst v42;
	v42 =	vld [tilespmem:$0x2B0]  }
0xa0: {  	[tilespmem:$0x1FD70] =	vst v63;
	v63 =	vld [tilespmem:$0xCD0]  }
0xa1: {  	[tilespmem:$0x1FCB0] =	vst v48;
	v48 =	vld [tilespmem:$0x490]  }
0xa2: {  	[tilespmem:$0x1FD00] =	vst v57;
	v57 =	vld [tilespmem:$0xC90]  }
0xa3: {  	[tilespmem:$0x1FFA0] =	vst v7;
	v7 =	vld [tilespmem:$0x1FB80]  }
0xa4: {  	vm5 =	veq.s32 v14, v44;
	v44 =	vld [tilespmem:$0x1FBE0]  }
0xa5: {  	[tilespmem:$0x1FD80] =	vst v63;
	v63 =	vld [tilespmem:$0x4E0]  }
0xa6: {  	vm6 =	veq.s32 v18, v46;
	v46 =	vld [tilespmem:$0x1FBF0]  }
0xa7: {  	vm7 =	veq.s32 v15, v5;
	v5 =	vld [tilespmem:$0xD40]  }
0xa8: {  	[tilespmem:$0x270] =	vst v6;
	v6 =	vsel vm6, v0, v18;
	v18 =	vld [tilespmem:$0x360]  }
0xa9: {  	v47 =	vsel vm5, v0, v14;
	v14 =	vld [tilespmem:$0x370]  }
0xaa: {  	vm15 =	veq.s32 v13, v28;
	[tilespmem:$0x1FD90] =	vst v63;
	v63 =	vld [tilespmem:$0xCE0]  }
0xab: {  	[tilespmem:$0x240] =	vst v35;
	vm4 =	veq.s32 v61, v32;
	v35 =	vsel vm15, v0, v13;
	v13 =	vld [tilespmem:$0x1FBA0]  }
0xac: {  	[tilespmem:$0x250] =	vst v45;
	v45 =	vsel vm4, v0, v61;
	v61 =	vld [tilespmem:$0x350]  }
0xad: {  	vm14 =	veq.s32 v55, v10;
	v10 =	vld [tilespmem:$0x1FB90]  }
0xae: {  	[tilespmem:$0x430] =	vst v35;
	v35 =	vld [tilespmem:$0x1FBD0]  }
0xaf: {  	v8 =	vsel vm7, v0, v15;
	[tilespmem:$0x1FDA0] =	vst v63;
	v63 =	vld [tilespmem:$0x4F0]  }
0xb0: {  	[tilespmem:$0x470] =	vst v8;
	v8 =	vld [tilespmem:$0x510]  }
0xb1: {  	[tilespmem:$0x1FFD0] =	vst v4;
	v4 =	vld [tilespmem:$0x520]  }
0xb2: {  	[tilespmem:$0x460] =	vst v6;
	v6 =	vld [tilespmem:$0x560]  }
0xb3: {  	[tilespmem:$0x230] =	vst v29;
	v29 =	vsel vm14, v0, v55;
	v55 =	vld [tilespmem:$0x340]  }
0xb4: {  	[tilespmem:$0x1FDB0] =	vst v63;
	v63 =	vld [tilespmem:$0xCF0]  }
0xb5: {  	[tilespmem:$0x1FD10] =	vst v57;
	v57 =	vld [tilespmem:$0x4A0]  }
0xb6: {  	[tilespmem:$0x420] =	vst v29;
	v29 =	vld [tilespmem:$0x1FBC0]  }
0xb7: {  	vm8 =	veq.s32 v16, v7;
	v7 =	vld [tilespmem:$0x1FC00]  }
0xb8: {  	[tilespmem:$0x410] =	vst v11;
	v11 =	vsel vm8, v0, v16;
	v16 =	vld [tilespmem:$0xB70]  }
0xb9: {  	[tilespmem:$0x1FDC0] =	vst v63;
	v63 =	vld [tilespmem:$0x680]  }
0xba: {  	vm14 =	veq.s32 v21, v44;
	vm15 =	veq.s32 v40, v46;
	v44 =	vld [tilespmem:$0xD30]  }
0xbb: {  	[tilespmem:$0x1FFE0] =	vst v9;
	v9 =	vsel vm15, v0, v40;
	v40 =	vld [tilespmem:$0xD20]  }
0xbc: {  	[tilespmem:$0x600] =	vst v11;
	v11 =	vld [tilespmem:$0x1FC10]  }
0xbd: {  	vm10 =	veq.s32 v19, v13;
	v13 =	vld [tilespmem:$0x1FC20]  }
0xbe: {  	[tilespmem:$0x1FDD0] =	vst v63;
	v63 =	vld [tilespmem:$0xE80]  }
0xbf: {  	[tilespmem:$0x450] =	vst v47;
	v47 =	vsel vm14, v0, v21;
	v21 =	vld [tilespmem:$0x1FC50]  }
0xc0: {  	vm9 =	veq.s32 v17, v10;
	v10 =	vld [tilespmem:$0x500]  }
0xc1: {  	v28 =	vsel vm10, v0, v19;
	v19 =	vld [tilespmem:$0x1FC40]  }
0xc2: {  	[tilespmem:$0x670] =	vst v9;
	v9 =	vld [tilespmem:$0x570]  }
0xc3: {  	[tilespmem:$0x1FDE0] =	vst v63;
	v63 =	vld [tilespmem:$0x690]  }
0xc4: {  	[tilespmem:$0x660] =	vst v47;
	v47 =	vld [tilespmem:$0x1FCF0]  }
0xc5: {  	vm13 =	veq.s32 v51, v35;
	v15 =	vsel vm9, v0, v17;
	v17 =	vld [tilespmem:$0x1FBB0]  }
0xc6: {  	[tilespmem:$0x440] =	vst v45;
	v45 =	vsel vm13, v0, v51;
	v51 =	vld [tilespmem:$0xD10]  }
0xc7: {  	vm4 =	veq.s32 v22, v7;
	v7 =	vld [tilespmem:$0xD50]  }
0xc8: {  	[tilespmem:$0x1FDF0] =	vst v63;
	v63 =	vld [tilespmem:$0xE90]  }
0xc9: {  	vm12 =	veq.s32 v20, v29;
	v29 =	vld [tilespmem:$0x1FC90]  }
0xca: {  	[tilespmem:$0x650] =	vst v45;
	v45 =	vld [tilespmem:$0x1FCE0]  }
0xcb: {  	[tilespmem:$0x1FFF0] =	vst v16;
	v16 =	vld [tilespmem:$0x1FC30]  }
0xcc: {  	vm5 =	veq.s32 v23, v11;
	v11 =	vld [tilespmem:$0xD60]  }
0xcd: {  	[tilespmem:$0x1FE00] =	vst v63;
	v63 =	vld [tilespmem:$0x6A0]  }
0xce: {  	[tilespmem:$0x1FFB0] =	vst v12;
	v12 =	vsel vm4, v0, v22;
	vm6 =	veq.s32 v24, v13;
	v13 =	vld [tilespmem:$0xD70]  }
0xcf: {  	[tilespmem:$0x80] =	vst v12;
	v12 =	vld [tilespmem:$0x700]  }
0xd0: {  	vm9 =	veq.s32 v27, v21;
	v21 =	vld [tilespmem:$0xF20]  }
0xd1: {  	[tilespmem:$0x610] =	vst v15;
	v15 =	vsel vm5, v0, v23;
	v23 =	vld [tilespmem:$0x1FC60]  }
0xd2: {  	[tilespmem:$0x1FE10] =	vst v63;
	v63 =	vld [tilespmem:$0xEA0]  }
0xd3: {  	vm8 =	veq.s32 v26, v19;
	v19 =	vld [tilespmem:$0xF10]  }
0xd4: {  	vm11 =	veq.s32 v60, v17;
	v17 =	vsel vm6, v0, v24;
	v24 =	vsel vm9, v0, v27;
	v27 =	vld [tilespmem:$0x1FC80]  }
0xd5: {  	[tilespmem:$0x90] =	vst v15;
	v15 =	vld [tilespmem:$0x710]  }
0xd6: {  	v32 =	vsel vm11, v0, v60;
	v60 =	vld [tilespmem:$0xD00]  }
0xd7: {  	[tilespmem:$0x1FE20] =	vst v63;
	v63 =	vld [tilespmem:$0x6B0]  }
0xd8: {  	[tilespmem:$0xA0] =	vst v17;
	v17 =	vld [tilespmem:$0x720]  }
0xd9: {  	v22 =	vsel vm8, v0, v26;
	vm13 =	veq.s32 v38, v29;
	v29 =	vld [tilespmem:$0x1FD30]  }
0xda: {  	[tilespmem:$0xC0] =	vst v22;
	v22 =	vld [tilespmem:$0x740]  }
0xdb: {  	[tilespmem:$0x630] =	vst v32;
	v32 =	vld [tilespmem:$0x1FCA0]  }
0xdc: {  	[tilespmem:$0x1FE30] =	vst v63;
	v63 =	vld [tilespmem:$0xEB0]  }
0xdd: {  	vm7 =	veq.s32 v25, v16;
	v16 =	vld [tilespmem:$0xF00]  }
0xde: {  	[tilespmem:$0x1FFC0] =	vst v39;
	v39 =	vsel vm12, v0, v20;
	v20 =	vsel vm7, v0, v25;
	v25 =	vld [tilespmem:$0x1FC70]  }
0xdf: {  	[tilespmem:$0xB0] =	vst v20;
	v20 =	vld [tilespmem:$0x730]  }
0xe0: {  	vm10 =	veq.s32 v30, v23;
	v23 =	vld [tilespmem:$0xF30]  }
0xe1: {  	vm7 =	veq.s32 v53, v47;
	[tilespmem:$0x1FE40] =	vst v63;
	v63 =	vld [tilespmem:$0x6C0]  }
0xe2: {  	[tilespmem:$0xD0] =	vst v24;
	v24 =	vsel vm7, v0, v53;
	vm12 =	veq.s32 v34, v27;
	v27 =	vld [tilespmem:$0x1FD20]  }
0xe3: {  	[tilespmem:$0x2F0] =	vst v24;
	v24 =	vld [tilespmem:$0x750]  }
0xe4: {  	v26 =	vsel vm10, v0, v30;
	v30 =	vsel vm12, v0, v34;
	v34 =	vld [tilespmem:$0x1FCB0]  }
0xe5: {  	[tilespmem:$0x280] =	vst v30;
	v30 =	vld [tilespmem:$0x1FD40]  }
0xe6: {  	vm14 =	veq.s32 v41, v32;
	[tilespmem:$0x1FE50] =	vst v63;
	v63 =	vld [tilespmem:$0xEC0]  }
0xe7: {  	v35 =	vsel vm14, v0, v41;
	v41 =	vld [tilespmem:$0x1FCD0]  }
0xe8: {  	vm11 =	veq.s32 v33, v25;
	v25 =	vld [tilespmem:$0x1FD10]  }
0xe9: {  	[tilespmem:$0x620] =	vst v28;
	v28 =	vsel vm11, v0, v33;
	v33 =	vsel vm13, v0, v38;
	v38 =	vld [tilespmem:$0x1FCC0]  }
0xea: {  	[tilespmem:$0x290] =	vst v33;
	v33 =	vld [tilespmem:$0x1FD50]  }
0xeb: {  	[tilespmem:$0x1FE60] =	vst v63;
	v63 =	vld [tilespmem:$0x6D0]  }
0xec: {  	vm15 =	veq.s32 v42, v34;
	v34 =	vld [tilespmem:$0x1FD60]  }
0xed: {  	vm11 =	veq.s32 v29, v30;
	v30 =	vld [tilespmem:$0xF60]  }
0xee: {  	[tilespmem:$0x2A0] =	vst v35;
	v35 =	vsel vm11, v0, v29;
	v29 =	vld [tilespmem:$0xF50]  }
0xef: {  	[tilespmem:$0x640] =	vst v39;
	vm4 =	veq.s32 v62, v38;
	v38 =	vld [tilespmem:$0x1FD70]  }
0xf0: {  	vm9 =	veq.s32 v48, v25;
	[tilespmem:$0x1FE70] =	vst v63;
	v63 =	vld [tilespmem:$0xED0]  }
0xf1: {  	[tilespmem:$0xF0] =	vst v28;
	v39 =	vsel vm15, v0, v42;
	v28 =	vsel vm9, v0, v48;
	v42 =	vsel vm4, v0, v62;
	v62 =	vld [tilespmem:$0x1FD00]  }
0xf2: {  	[tilespmem:$0x490] =	vst v28;
	v28 =	vld [tilespmem:$0x770]  }
0xf3: {  	vm12 =	veq.s32 v33, v34;
	v34 =	vld [tilespmem:$0x190]  }
0xf4: {  	vm5 =	veq.s32 v59, v41;
	v41 =	vld [tilespmem:$0x1FD90]  }
0xf5: {  	[tilespmem:$0x1FE80] =	vst v63;
	v63 =	vld [tilespmem:$0x6E0]  }
0xf6: {  	[tilespmem:$0x2C0] =	vst v42;
	v42 =	vld [tilespmem:$0x1FDA0]  }
0xf7: {  	[tilespmem:$0x2B0] =	vst v39;
	v39 =	vld [tilespmem:$0x1FD80]  }
0xf8: {  	[tilespmem:$0xE0] =	vst v26;
	v25 =	vsel vm12, v0, v33;
	v33 =	vld [tilespmem:$0xF70]  }
0xf9: {  	[tilespmem:$0x4C0] =	vst v25;
	v25 =	vld [tilespmem:$0x760];
	vm8 =	veq.s32 v50, v62  }
0xfa: {  	v26 =	vsel vm8, v0, v50;
	[tilespmem:$0x1FE90] =	vst v63;
	v63 =	vld [tilespmem:$0xEE0]  }
0xfb: {  	v46 =	vsel vm5, v0, v59;
	[tilespmem:$0x480] =	vst v26;
	v26 =	vld [tilespmem:$0xF40];
	vm14 =	veq.s32 v41, v42  }
0xfc: {  	vm10 =	veq.s32 v57, v27;
	[tilespmem:$0x2D0] =	vst v46;
	v46 =	vld [tilespmem:$0x1FDB0];
	v27 =	vsel vm14, v0, v41  }
0xfd: {  	[tilespmem:$0x4E0] =	vst v27;
	v27 =	vld [tilespmem:$0x180]  }
0xfe: {  	v47 =	vld [tilespmem:$0x1FDC0]  }
0xff: {  	[tilespmem:$0x1FEA0] =	vst v63;
	v63 =	vld [tilespmem:$0x6F0]  }
0x100: {  	v48 =	vld [tilespmem:$0x1FDD0]  }
0x101: {  	v50 =	vld [tilespmem:$0x1FDE0]  }
0x102: {  	v62 =	vld [tilespmem:$0x1FE10]  }
0x103: {  	[tilespmem:$0x4B0] =	vst v35;
	v35 =	vld [tilespmem:$0x1FE20]  }
0x104: {  	vm6 =	veq.s32 v56, v45;
	[tilespmem:$0x1FEB0] =	vst v63;
	v63 =	vld [tilespmem:$0xEF0]  }
0x105: {  	v59 =	vsel vm6, v0, v56;
	v56 =	vld [tilespmem:$0x1FDF0]  }
0x106: {  	v32 =	vsel vm10, v0, v57;
	v57 =	vld [tilespmem:$0x1FE00]  }
0x107: {  	vm13 =	veq.s32 v38, v39;
	v39 =	vld [tilespmem:$0x1FE30]  }
0x108: {  	v41 =	vld [tilespmem:$0x1FE40]  }
0x109: {  	vm6 =	veq.s32 v62, v35;
	[tilespmem:$0x1FEC0] =	vst v63;
	v63 =	vld [tilespmem:$0x100]  }
0x10a: {  	[tilespmem:$0x4A0] =	vst v32;
	v35 =	vld [tilespmem:$0x980];
	v32 =	vsel vm6, v0, v62  }
0x10b: {  	[tilespmem:$0x6A0] =	vst v32;
	v32 =	vld [tilespmem:$0x990]  }
0x10c: {  	v42 =	vld [tilespmem:$0x1FE50]  }
0x10d: {  	vm15 =	veq.s32 v46, v47;
	vm7 =	veq.s32 v39, v41;
	v41 =	vld [tilespmem:$0x1B0]  }
0x10e: {  	v53 =	vsel vm15, v0, v46;
	v46 =	vsel vm7, v0, v39;
	vm7 =	veq.s32 v36, v52;
	[tilespmem:$0x1FED0] =	vst v63;
	v63 =	vld [tilespmem:$0x900]  }
0x10f: {  	v52 =	vld [tilespmem:$0x1E0];
	v36 =	vsel vm7, v0, v36  }
0x110: {  	v45 =	vsel vm13, v0, v38;
	vm7 =	veq.s32 v2, v44;
	[tilespmem:$0x170] =	vst v36;
	v36 =	vld [tilespmem:$0x1F0]  }
0x111: {  	[tilespmem:$0x4D0] =	vst v45;
	v2 =	vsel vm7, v0, v2;
	v45 =	vld [tilespmem:$0x1FE60]  }
0x112: {  	[tilespmem:$0x530] =	vst v2;
	v2 =	vld [tilespmem:$0x3D0]  }
0x113: {  	vm7 =	veq.s32 v28, v33;
	[tilespmem:$0x1FEE0] =	vst v63;
	v63 =	vld [tilespmem:$0x110]  }
0x114: {  	v33 =	vsel vm7, v0, v28;
	v28 =	vld [tilespmem:$0x780]  }
0x115: {  	v47 =	vld [tilespmem:$0x1FE70]  }
0x116: {  	vm8 =	veq.s32 v42, v45;
	v45 =	vld [tilespmem:$0x9B0]  }
0x117: {  	vm4 =	veq.s32 v48, v50;
	v50 =	vsel vm8, v0, v42;
	v42 =	vld [tilespmem:$0x9A0]  }
0x118: {  	vm8 =	veq.s32 v31, v58;
	[tilespmem:$0x1FEF0] =	vst v63;
	v63 =	vld [tilespmem:$0x910]  }
0x119: {  	v31 =	vsel vm8, v0, v31;
	vm8 =	veq.s32 v1, v5;
	v5 =	vld [tilespmem:$0x3E0]  }
0x11a: {  	[tilespmem:$0x300] =	vst v31;
	v31 =	vld [tilespmem:$0x3A0]  }
0x11b: {  	[tilespmem:$0x2E0] =	vst v59;
	v59 =	vsel vm4, v0, v48;
	v48 =	vld [tilespmem:$0x1FE80]  }
0x11c: {  	[tilespmem:$0x4F0] =	vst v53;
	v53 =	vld [tilespmem:$0x1FE90]  }
0x11d: {  	vm5 =	veq.s32 v56, v57;
	[tilespmem:$0x1FF00] =	vst v63;
	v63 =	vld [tilespmem:$0x120]  }
0x11e: {  	v38 =	vsel vm5, v0, v56;
	v56 =	vld [tilespmem:$0x1FEA0]  }
0x11f: {  	v57 =	vld [tilespmem:$0x1FEB0]  }
0x120: {  	[tilespmem:$0x680] =	vst v59;
	v59 =	vld [tilespmem:$0x1FEC0]  }
0x121: {  	v62 =	vld [tilespmem:$0x1FED0]  }
0x122: {  	[tilespmem:$0x1FF10] =	vst v63;
	v63 =	vld [tilespmem:$0x920]  }
0x123: {  	[tilespmem:$0x6B0] =	vst v46;
	v46 =	vld [tilespmem:$0x1FEE0]  }
0x124: {  	vm9 =	veq.s32 v47, v48;
	v48 =	vld [tilespmem:$0x1FEF0]  }
0x125: {  	[tilespmem:$0x6C0] =	vst v50;
	v50 =	vld [tilespmem:$0x1FF00]  }
0x126: {  	vm10 =	veq.s32 v53, v56;
	v56 =	vld [tilespmem:$0x1FF10]  }
0x127: {  	vm11 =	veq.s32 v57, v59;
	[tilespmem:$0x1FF20] =	vst v63;
	v63 =	vld [tilespmem:$0x130]  }
0x128: {  	[tilespmem:$0x690] =	vst v38;
	v38 =	vsel vm9, v0, v47;
	v47 =	vsel vm11, v0, v57;
	v57 =	vld [tilespmem:$0x1FF20]  }
0x129: {  	[tilespmem:$0x6D0] =	vst v38;
	v38 =	vld [tilespmem:$0x1A0];
	v39 =	vsel vm10, v0, v53  }
0x12a: {  	[tilespmem:$0x6E0] =	vst v39;
	v39 =	vld [tilespmem:$0x1C0]  }
0x12b: {  	[tilespmem:$0x6F0] =	vst v47;
	v47 =	vld [tilespmem:$0x9C0];
	vm12 =	veq.s32 v62, v46  }
0x12c: {  	v53 =	vsel vm12, v0, v62;
	[tilespmem:$0x1FF30] =	vst v63;
	v63 =	vld [tilespmem:$0x930]  }
0x12d: {  	[tilespmem:$0x100] =	vst v53;
	v53 =	vld [tilespmem:$0x1FF50];
	vm13 =	veq.s32 v48, v50;
	vm14 =	veq.s32 v56, v57  }
0x12e: {  	v59 =	vsel vm13, v0, v48;
	v46 =	vsel vm14, v0, v56;
	v56 =	vld [tilespmem:$0x1FF60]  }
0x12f: {  	[tilespmem:$0x110] =	vst v59;
	v59 =	vld [tilespmem:$0x1FF70]  }
0x130: {  	v62 =	vld [tilespmem:$0x1FF30]  }
0x131: {  	[tilespmem:$0x1FF40] =	vst v63;
	v63 =	vld [tilespmem:$0x150]  }
0x132: {  	[tilespmem:$0x120] =	vst v46;
	v46 =	vld [tilespmem:$0x1D0]  }
0x133: {  	v50 =	vld [tilespmem:$0x1FF40];
	vm4 =	veq.s32 v53, v56  }
0x134: {  	v48 =	vsel vm4, v0, v53;
	vm4 =	veq.s32 v10, v60;
	v60 =	vld [tilespmem:$0x5F0]  }
0x135: {  	[tilespmem:$0x140] =	vst v48;
	v48 =	vld [tilespmem:$0x9E0]  }
0x136: {  	v10 =	vsel vm4, v0, v10;
	vm5 =	veq.s32 v63, v59;
	v59 =	vld [tilespmem:$0x1FFA0]  }
0x137: {  	vm4 =	veq.s32 v22, v26;
	[tilespmem:$0x500] =	vst v10;
	v10 =	vld [tilespmem:$0xBB0]  }
0x138: {  	v26 =	vsel vm4, v0, v22;
	v22 =	vld [tilespmem:$0xDC0]  }
0x139: {  	vm15 =	veq.s32 v62, v50;
	v50 =	vld [tilespmem:$0x9D0]  }
0x13a: {  	[tilespmem:$0x770] =	vst v33;
	v1 =	vsel vm8, v0, v1;
	vm8 =	veq.s32 v27, v35;
	v53 =	vsel vm5, v0, v63;
	v63 =	vld [tilespmem:$0x1FFB0]  }
0x13b: {  	[tilespmem:$0x540] =	vst v1;
	v35 =	vsel vm8, v0, v27;
	vm5 =	veq.s32 v8, v51;
	v51 =	vld [tilespmem:$0xDD0]  }
0x13c: {  	[tilespmem:$0x180] =	vst v35;
	v57 =	vsel vm15, v0, v62;
	v62 =	vld [tilespmem:$0x1FF80]  }
0x13d: {  	v8 =	vsel vm5, v0, v8;
	[tilespmem:$0x130] =	vst v57;
	v57 =	vld [tilespmem:$0x1FF90]  }
0x13e: {  	[tilespmem:$0x510] =	vst v8;
	v8 =	vld [tilespmem:$0x3C0]  }
0x13f: {  	[tilespmem:$0x740] =	vst v26;
	vm5 =	veq.s32 v24, v29;
	vm10 =	veq.s32 v43, v59;
	v59 =	vld [tilespmem:$0x1FFE0]  }
0x140: {  	[tilespmem:$0x150] =	vst v53;
	v29 =	vsel vm5, v0, v24;
	vm11 =	veq.s32 v49, v63;
	v63 =	vld [tilespmem:$0xBA0]  }
0x141: {  	[tilespmem:$0x750] =	vst v29;
	vm6 =	veq.s32 v54, v62;
	v62 =	vsel vm10, v0, v43;
	v43 =	vld [tilespmem:$0x380]  }
0x142: {  	v53 =	vsel vm11, v0, v49;
	v49 =	vld [tilespmem:$0xB80];
	[tilespmem:$0x320] =	vst v62  }
0x143: {  	vm10 =	veq.s32 v6, v11;
	v56 =	vsel vm6, v0, v54;
	v54 =	vld [tilespmem:$0x1FFC0];
	[tilespmem:$0x330] =	vst v53  }
0x144: {  	vm11 =	veq.s32 v9, v13;
	vm9 =	veq.s32 v37, v57;
	v57 =	vld [tilespmem:$0x1FFD0];
	v11 =	vsel vm10, v0, v6;
	[tilespmem:$0x160] =	vst v56  }
0x145: {  	v53 =	vld [tilespmem:$0x390];
	v13 =	vsel vm11, v0, v9;
	[tilespmem:$0x560] =	vst v11  }
0x146: {  	v62 =	vld [tilespmem:$0x1FFF0];
	vm6 =	veq.s32 v4, v40;
	v58 =	vsel vm9, v0, v37;
	[tilespmem:$0x570] =	vst v13  }
0x147: {  	v6 =	vld [tilespmem:$0xBE0];
	vm10 =	veq.s32 v38, v42;
	v4 =	vsel vm6, v0, v4;
	[tilespmem:$0x310] =	vst v58  }
0x148: {  	v9 =	vld [tilespmem:$0xBF0];
	vm11 =	veq.s32 v41, v45;
	v44 =	vsel vm10, v0, v38;
	[tilespmem:$0x520] =	vst v4  }
0x149: {  	v42 =	vld [tilespmem:$0xFB0];
	vm9 =	veq.s32 v3, v7;
	v45 =	vsel vm11, v0, v41;
	[tilespmem:$0x1A0] =	vst v44  }
0x14a: {  	v37 =	vld [tilespmem:$0x9F0];
	vm6 =	veq.s32 v25, v30;
	v7 =	vsel vm9, v0, v3;
	[tilespmem:$0x1B0] =	vst v45  }
0x14b: {  	v11 =	vld [tilespmem:$0x580];
	vm14 =	veq.s32 v18, v59;
	v30 =	vsel vm6, v0, v25;
	[tilespmem:$0x550] =	vst v7  }
0x14c: {  	v13 =	vld [tilespmem:$0x590];
	vm9 =	veq.s32 v34, v32;
	v18 =	vsel vm14, v0, v18;
	[tilespmem:$0x760] =	vst v30  }
0x14d: {  	v38 =	vld [tilespmem:$0xFA0];
	vm14 =	veq.s32 v17, v21;
	v40 =	vsel vm9, v0, v34;
	[tilespmem:$0x360] =	vst v18  }
0x14e: {  	v4 =	vld [tilespmem:$0xBC0];
	vm6 =	veq.s32 v31, v63;
	v21 =	vsel vm14, v0, v17;
	[tilespmem:$0x190] =	vst v40  }
0x14f: {  	v3 =	vld [tilespmem:$0xBD0];
	vm4 =	veq.s32 v43, v49;
	v63 =	vsel vm6, v0, v31;
	[tilespmem:$0x720] =	vst v21  }
0x150: {  	v32 =	vld [tilespmem:$0x790];
	vm12 =	veq.s32 v55, v54;
	v59 =	vsel vm4, v0, v43;
	[tilespmem:$0x3A0] =	vst v63  }
0x151: {  	v44 =	vld [tilespmem:$0x7C0];
	vm13 =	veq.s32 v61, v57;
	v56 =	vsel vm12, v0, v55;
	[tilespmem:$0x380] =	vst v59  }
0x152: {  	v7 =	vld [tilespmem:$0x3F0];
	vm15 =	veq.s32 v14, v62;
	v58 =	vsel vm13, v0, v61;
	[tilespmem:$0x340] =	vst v56  }
0x153: {  	v30 =	vld [tilespmem:$0xF80];
	vm14 =	veq.s32 v52, v48;
	v14 =	vsel vm15, v0, v14;
	[tilespmem:$0x350] =	vst v58  }
0x154: {  	v34 =	vld [tilespmem:$0xF90];
	vm10 =	veq.s32 v5, v6;
	v55 =	vsel vm14, v0, v52;
	[tilespmem:$0x370] =	vst v14  }
0x155: {  	v17 =	vld [tilespmem:$0xDA0];
	vm12 =	veq.s32 v12, v16;
	v35 =	vsel vm10, v0, v5;
	[tilespmem:$0x1E0] =	vst v55  }
0x156: {  	v40 =	vld [tilespmem:$0x7B0];
	vm13 =	veq.s32 v15, v19;
	v16 =	vsel vm12, v0, v12;
	[tilespmem:$0x3E0] =	vst v35  }
0x157: {  	v48 =	vld [tilespmem:$0x7D0];
	vm15 =	veq.s32 v20, v23;
	v19 =	vsel vm13, v0, v15;
	[tilespmem:$0x700] =	vst v16  }
0x158: {  	v21 =	vld [tilespmem:$0x5C0];
	v23 =	vsel vm15, v0, v20;
	vm12 =	veq.s32 v39, v47;
	[tilespmem:$0x710] =	vst v19  }
0x159: {  	v61 =	vld [tilespmem:$0xB90];
	vm13 =	veq.s32 v46, v50;
	[tilespmem:$0x730] =	vst v23;
	v47 =	vsel vm12, v0, v39  }
0x15a: {  	v14 =	vld [tilespmem:$0x3B0];
	vm15 =	veq.s32 v36, v37;
	v50 =	vsel vm13, v0, v46;
	[tilespmem:$0x1C0] =	vst v47  }
0x15b: {  	v12 =	vld [tilespmem:$0xD80];
	vm8 =	veq.s32 v8, v4;
	v57 =	vsel vm15, v0, v36;
	[tilespmem:$0x1D0] =	vst v50  }
0x15c: {  	v15 =	vld [tilespmem:$0xD90];
	vm9 =	veq.s32 v2, v3;
	v31 =	vsel vm8, v0, v8;
	[tilespmem:$0x1F0] =	vst v57  }
0x15d: {  	v20 =	vld [tilespmem:$0xDB0];
	v33 =	vsel vm9, v0, v2;
	vm11 =	veq.s32 v7, v9;
	[tilespmem:$0x3C0] =	vst v31  }
0x15e: {  	v56 =	vld [tilespmem:$0x5E0];
	vm8 =	veq.s32 v28, v30;
	[tilespmem:$0x3D0] =	vst v33;
	v37 =	vsel vm11, v0, v7  }
0x15f: {  	v58 =	vld [tilespmem:$0xDE0];
	vm9 =	veq.s32 v32, v34;
	v55 =	vsel vm8, v0, v28;
	[tilespmem:$0x3F0] =	vst v37  }
0x160: {  	v16 =	vld [tilespmem:$0x5A0];
	v57 =	vsel vm9, v0, v32;
	vm4 =	veq.s32 v21, v22;
	[tilespmem:$0x780] =	vst v55  }
0x161: {  	v23 =	vld [tilespmem:$0x5D0];
	[tilespmem:$0x790] =	vst v57;
	vm5 =	veq.s32 v53, v61;
	v47 =	vsel vm4, v0, v21  }
0x162: {  	v19 =	vld [tilespmem:$0x5B0];
	v61 =	vsel vm5, v0, v53;
	vm7 =	veq.s32 v14, v10;
	[tilespmem:$0x5C0] =	vst v47  }
0x163: {  	v62 =	vld [tilespmem:$0xDF0];
	vm12 =	veq.s32 v11, v12;
	[tilespmem:$0x390] =	vst v61;
	v29 =	vsel vm7, v0, v14  }
0x164: {  	v54 =	vld [tilespmem:$0xFE0];
	vm13 =	veq.s32 v13, v15;
	v39 =	vsel vm12, v0, v11;
	[tilespmem:$0x3B0] =	vst v29  }
0x165: {  	v36 =	vld [tilespmem:$0x7A0];
	vm6 =	veq.s32 v56, v58;
	v41 =	vsel vm13, v0, v13;
	[tilespmem:$0x580] =	vst v39  }
0x166: {  	v52 =	vld [tilespmem:$0x7E0];
	vm14 =	veq.s32 v16, v17;
	vm5 =	veq.s32 v23, v51;
	v51 =	vsel vm6, v0, v56;
	[tilespmem:$0x590] =	vst v41  }
0x167: {  	v46 =	vld [tilespmem:$0xFC0];
	vm15 =	veq.s32 v19, v20;
	v43 =	vsel vm14, v0, v16;
	[tilespmem:$0x5E0] =	vst v51  }
0x168: {  	v50 =	vld [tilespmem:$0xFD0];
	v45 =	vsel vm15, v0, v19;
	[tilespmem:$0x5A0] =	vst v43  }
0x169: {  	v58 =	vld [tilespmem:$0xFF0];
	vm7 =	veq.s32 v60, v62;
	v49 =	vsel vm5, v0, v23;
	[tilespmem:$0x5B0] =	vst v45  }
0x16a: {  	v56 =	vld [tilespmem:$0x7F0];
	vm10 =	veq.s32 v36, v38;
	v53 =	vsel vm7, v0, v60;
	[tilespmem:$0x5D0] =	vst v49  }
0x16b: {  	vm11 =	veq.s32 v40, v42;
	v59 =	vsel vm10, v0, v36;
	[tilespmem:$0x5F0] =	vst v53  }
0x16c: {  	vm12 =	veq.s32 v44, v46;
	v60 =	vsel vm11, v0, v40;
	[tilespmem:$0x7A0] =	vst v59  }
0x16d: {  	v61 =	vsel vm12, v0, v44;
	vm13 =	veq.s32 v48, v50;
	[tilespmem:$0x7B0] =	vst v60  }
0x16e: {  	vm14 =	veq.s32 v52, v54;
	[tilespmem:$0x7C0] =	vst v61;
	v62 =	vsel vm13, v0, v48  }
0x16f: {  	v63 =	vsel vm14, v0, v52;
	[tilespmem:$0x7D0] =	vst v62;
	vm15 =	veq.s32 v56, v58  }
0x170: {  	[tilespmem:$0x7E0] =	vst v63;
	v0 =	vsel vm15, v0, v56  }
0x171: {  	s31 =	simm.s32 $0x2;
	s2 =	sadd.s32 s2, s4;
	[tilespmem:$0x7F0] =	vst v0  }
0x172: {  	[hbm4b:s2+s3] =	stream.linear.scatter [tilespmem:s3], [sflag:$0x2], $0x800, $0x38;
	[tilespmem:$0x1080] =	vst v63  }
0x173: {  	_ =	swait.ge [sflag:s31], $0x800  }
0x174: {  	[sflag:s31] =	ssyncset.done $0x0  }
0x175: {  	[sflag:s31] =	ssyncadd.s32 $0xFFFFF800  }
0x176: {  	_ =	sfence.sel $0x180000  }
0x177: {  	[bflag:$0x0] =	sbarrier.arrive $0xFFFF  }
0x178: {  	p0 =	sne.s32 s1, $0x0;
	_ =	strace $0x90000047  }
0x179: {  	s0 =	sadd.s32 @!p0 $0x100000, s0;
	[bflag:$0x2] =	sbarrier.arrive $0xFFFF  }
0x17a: {  	[sflag:s0] =	ssyncadd.tile.s32 @!p0 $0x1;
	_ =	shalt  }
.Lfunc_end2:
_tile_overlayer_lowered:
.L_overlay_start_2:
0x17b: {  	(tag) =	ssettag $0x2  }
0x17c: {  	s0 =	rddreg [dreg:$0x0];
	s2 =	stileid.u32  }
0x17d: {  	s1 =	rddreg [dreg:$0x1];
	p0 =	sne.s32 s2, $0x0  }
0x17e: {  	s3 =	rddreg [dreg:$0x2];
	[bflag:$0x3] =	sbarrier.arrive $0xFFFF;
	s2 =	simm.s32 @!p0 $0x1C02  }
0x17f: {  	[timem:s3], [sflag:s2] =	dma.local @!p0 [hbm:s0], s1  }
0x180: {  	s0 =	simm.s32 @!p0 $0x2  }
0x181: {  	_ =	swait.ge @!p0 [sflag:s0], s1  }
0x182: {  	s1 =	ssub.s32 @!p0 $0x0, s1;
	[sflag:s0] =	ssyncset.done @!p0 $0x0  }
0x183: {  	[sflag:s0] =	ssyncadd.s32 @!p0 s1  }
0x184: {  	[bflag:$0x3] =	sbarrier.arrive $0xFFFF  }
0x185: {  	_ =	shalt  }

</sc_bundles>
